<compile_context>
chip_gen: v7x
topology: tpu7x:2x2x1
jax: 0.10.2.dev20260603
libtpu: 0.0.44.dev20260713+nightly
codegen_flags: <defaults>
</compile_context>

<pallas_src>
import functools

import jax
import jax.numpy as jnp
from jax import lax
from jax.experimental import pallas as pl
from jax.experimental.pallas import tpu as pltpu
from jax.experimental.pallas import tpu_sc as plsc

_T, _H, _E, _K = 2048, 768, 64, 2
_TK = _T * _K
_RB = 128
_NT = _TK // _RB + _E
_PR = _NT * _RB
_NTP = 128
_NW = 32
_CW = _T // _NW


_HP = _H // 2


def _pack_bf16_cols(y):
    a = lax.bitcast_convert_type(y, jnp.int32)
    r = a + 0x7FFF + (lax.shift_right_logical(a, 16) & 1)
    b = lax.shift_right_logical(r, 16)
    return b[:, :_HP] | lax.shift_left(b[:, _HP:], 16)


def _unpack_bf16_cols(p):
    lo = lax.bitcast_convert_type(lax.shift_left(p, 16), jnp.float32)
    hi = lax.bitcast_convert_type(p & jnp.int32(-65536), jnp.float32)
    return jnp.concatenate([lo, hi], axis=1)



def _router_body(x_ref, wr_ref, x0_ref, x1_ref, pos_ref, meta_ref):
    x = x_ref[...]
    logits = jnp.dot(x, wr_ref[...], preferred_element_type=jnp.float32)
    lane = lax.broadcasted_iota(jnp.int32, (_T, _E), 1)
    m0 = jnp.max(logits, axis=1, keepdims=True)
    i0 = jnp.min(jnp.where(logits == m0, lane, _E), axis=1, keepdims=True)
    oh0 = lane == i0
    masked = jnp.where(oh0, -jnp.inf, logits)
    m1 = jnp.max(masked, axis=1, keepdims=True)
    i1 = jnp.min(jnp.where(masked == m1, lane, _E), axis=1, keepdims=True)
    oh1 = lane == i1
    w0 = jax.nn.sigmoid(m0 - m1)
    w1 = 1.0 - w0
    x0_ref[...] = _pack_bf16_cols(x * w0)
    x1_ref[...] = _pack_bf16_cols(x * w1)

    a = oh0.astype(jnp.float32) + oh1.astype(jnp.float32)
    rows = lax.broadcasted_iota(jnp.int32, (_T, _T), 0)
    cols = lax.broadcasted_iota(jnp.int32, (_T, _T), 1)
    lstrict = (cols < rows).astype(jnp.float32)
    cum = jnp.dot(lstrict, a, preferred_element_type=jnp.float32)
    counts = jnp.sum(a, axis=0)
    counts_i = counts.astype(jnp.int32)
    nb = (counts_i + (_RB - 1)) // _RB
    ef = lax.broadcasted_iota(jnp.int32, (_E, _E), 0)
    ee = lax.broadcasted_iota(jnp.int32, (_E, _E), 1)
    mstrict = (ef < ee).astype(jnp.float32)
    baseblk = jnp.dot(nb.astype(jnp.float32)[None, :], mstrict,
                      preferred_element_type=jnp.float32)[0]
    poffs = baseblk * float(_RB)
    val = poffs[None, :] + cum
    pos0 = jnp.sum(jnp.where(oh0, val, 0.0), axis=1)
    pos1 = jnp.sum(jnp.where(oh1, val, 0.0), axis=1)
    pos_ref[...] = jnp.concatenate(
        [pos0[None, :], pos1[None, :]], axis=0).astype(jnp.int32)

    baseblk_i = baseblk.astype(jnp.int32)
    total = jnp.sum(nb)
    tau = lax.broadcasted_iota(jnp.int32, (_NTP, _E), 0)
    eidx = lax.broadcasted_iota(jnp.int32, (_NTP, _E), 1)
    cand = (nb[None, :] > 0) & (baseblk_i[None, :] <= tau)
    et = jnp.max(jnp.where(cand, eidx, 0), axis=1)
    sel = (eidx == et[:, None]).astype(jnp.int32)
    pe = jnp.sum(sel * (baseblk_i * _RB)[None, :], axis=1)
    ce = jnp.sum(sel * counts_i[None, :], axis=1)
    tvec = lax.broadcasted_iota(jnp.int32, (_NTP,), 0)
    valid = tvec < total
    rb = jnp.where(valid, tvec, total - 1)
    lo = jnp.where(valid, tvec * _RB, 0)
    hi = jnp.where(valid, jnp.minimum(pe + ce, (tvec + 1) * _RB), 0)
    zero = jnp.zeros((4, _NTP), jnp.int32)
    meta_ref[...] = jnp.concatenate(
        [rb[None, :], et[None, :], lo[None, :], hi[None, :], zero], axis=0)


def _run_router(x, w_router):
    return pl.pallas_call(
        _router_body,
        out_shape=(
            jax.ShapeDtypeStruct((_T, _HP), jnp.int32),
            jax.ShapeDtypeStruct((_T, _HP), jnp.int32),
            jax.ShapeDtypeStruct((_K, _T), jnp.int32),
            jax.ShapeDtypeStruct((8, _NTP), jnp.int32),
        ),
    )(x, w_router)



@functools.cache
def _sc_mesh():
    return plsc.VectorSubcoreMesh(core_axis_name="c", subcore_axis_name="s")


@functools.cache
def _make_sc_scatter():
    @functools.partial(
        pl.kernel,
        mesh=_sc_mesh(),
        out_type=jax.ShapeDtypeStruct((_PR, _HP), jnp.int32),
        scratch_types=[
            pltpu.VMEM((_CW,), jnp.int32),
            pltpu.VMEM((_CW,), jnp.int32),
            pltpu.VMEM((_CW, _HP), jnp.int32),
            pltpu.VMEM((_CW, _HP), jnp.int32),
            pltpu.SemaphoreType.DMA,
            pltpu.SemaphoreType.DMA,
            pltpu.SemaphoreType.DMA,
            pltpu.SemaphoreType.DMA,
        ],
    )
    def _sc_scatter(x0_hbm, x1_hbm, pos_hbm, xs_hbm,
                    idx0, idx1, buf0, buf1, sem0, sem1, sem2, sem3):
        wid = lax.axis_index("s") * 2 + lax.axis_index("c")
        base = wid * _CW
        ci0 = pltpu.async_copy(pos_hbm.at[0, pl.ds(base, _CW)], idx0, sem0)
        ci1 = pltpu.async_copy(pos_hbm.at[1, pl.ds(base, _CW)], idx1, sem1)
        cb0 = pltpu.async_copy(x0_hbm.at[pl.ds(base, _CW), :], buf0, sem2)
        cb1 = pltpu.async_copy(x1_hbm.at[pl.ds(base, _CW), :], buf1, sem3)
        ci0.wait()
        cb0.wait()
        c0 = pltpu.async_copy(buf0, xs_hbm.at[idx0], sem0)
        ci1.wait()
        cb1.wait()
        c1 = pltpu.async_copy(buf1, xs_hbm.at[idx1], sem1)
        c0.wait()
        c1.wait()

    return _sc_scatter



def _gemm_body(rb_ref, et_ref, lo_ref, hi_ref, xs_ref, we_ref, out_ref):
    t = pl.program_id(0)
    rb = rb_ref[t]
    lo = lo_ref[t]
    hi = hi_ref[t]

    @pl.when(lo < hi)
    def _compute():
        row = rb * _RB + lax.broadcasted_iota(jnp.int32, (_RB, 1), 0)
        m = row < hi
        x = jnp.where(m, _unpack_bf16_cols(xs_ref[...]), 0.0)
        out_ref[...] = jnp.dot(x, we_ref[0], preferred_element_type=jnp.float32)


def _run_gemm(meta, xs, w_expert):
    rb = meta[0, :]
    et = meta[1, :]
    lo = meta[2, :]
    hi = meta[3, :]
    grid_spec = pltpu.PrefetchScalarGridSpec(
        num_scalar_prefetch=4,
        grid=(_NT,),
        in_specs=[
            pl.BlockSpec((_RB, _HP), lambda t, rb, et, lo, hi: (rb[t], 0)),
            pl.BlockSpec((1, _H, _H), lambda t, rb, et, lo, hi: (et[t], 0, 0)),
        ],
        out_specs=pl.BlockSpec((_RB, _H), lambda t, rb, et, lo, hi: (rb[t], 0)),
    )
    return pl.pallas_call(
        _gemm_body,
        grid_spec=grid_spec,
        out_shape=jax.ShapeDtypeStruct((_PR, _H), jnp.float32),
    )(rb, et, lo, hi, xs, w_expert)



@functools.cache
def _make_sc_combine():
    hw = _CW // 2

    @functools.partial(
        pl.kernel,
        mesh=_sc_mesh(),
        out_type=jax.ShapeDtypeStruct((_T, _H), jnp.float32),
        scratch_types=[
            pltpu.VMEM((hw,), jnp.int32),
            pltpu.VMEM((hw,), jnp.int32),
            pltpu.VMEM((hw,), jnp.int32),
            pltpu.VMEM((hw,), jnp.int32),
            pltpu.VMEM((_CW, _H), jnp.float32),
            pltpu.VMEM((_CW, _H), jnp.float32),
            pltpu.SemaphoreType.DMA,
            pltpu.SemaphoreType.DMA,
            pltpu.SemaphoreType.DMA,
            pltpu.SemaphoreType.DMA,
            pltpu.SemaphoreType.DMA,
        ],
    )
    def _sc_combine(ys_hbm, pos_hbm, out_hbm,
                    idx0a, idx0b, idx1a, idx1b, buf0, buf1,
                    sem0, sem1, sem2, sem3, semo):
        wid = lax.axis_index("s") * 2 + lax.axis_index("c")
        base = wid * _CW
        ca = pltpu.async_copy(pos_hbm.at[0, pl.ds(base, hw)], idx0a, sem0)
        cb = pltpu.async_copy(pos_hbm.at[1, pl.ds(base, hw)], idx1a, sem1)
        cc = pltpu.async_copy(pos_hbm.at[0, pl.ds(base + hw, hw)], idx0b, sem2)
        cd = pltpu.async_copy(pos_hbm.at[1, pl.ds(base + hw, hw)], idx1b, sem3)
        ca.wait()
        g0a = pltpu.async_copy(ys_hbm.at[idx0a], buf0.at[pl.ds(0, hw), :], sem0)
        cb.wait()
        g1a = pltpu.async_copy(ys_hbm.at[idx1a], buf1.at[pl.ds(0, hw), :], sem1)
        cc.wait()
        g0b = pltpu.async_copy(ys_hbm.at[idx0b], buf0.at[pl.ds(hw, hw), :], sem2)
        cd.wait()
        g1b = pltpu.async_copy(ys_hbm.at[idx1b], buf1.at[pl.ds(hw, hw), :], sem3)

        def row_body(r, carry):
            for c in range(_H // 16):
                s = pl.ds(c * 16, 16)
                buf0[r, s] = buf0[r, s] + buf1[r, s]
            return carry

        g0a.wait()
        g1a.wait()
        lax.fori_loop(0, hw, row_body, 0)
        co = pltpu.async_copy(buf0.at[pl.ds(0, hw), :],
                              out_hbm.at[pl.ds(base, hw), :], semo)
        g0b.wait()
        g1b.wait()
        lax.fori_loop(hw, _CW, row_body, 0)
        co.wait()
        pltpu.sync_copy(buf0.at[pl.ds(hw, hw), :],
                        out_hbm.at[pl.ds(base + hw, hw), :])

    return _sc_combine



def kernel(tokens, W_router, W_expert):
    x = tokens.reshape(_T, _H)
    x0, x1, pos, meta = _run_router(x, W_router)
    xs = _make_sc_scatter()(x0, x1, pos)
    ys = _run_gemm(meta, xs, W_expert)
    out = _make_sc_combine()(ys, pos)
    return out.reshape(1, _T, _H)

# --- scband reference (transcript-rebuilt; emitter-appended) ---
"""Pipeline reference for scband-mo-elayer-38543036514484 (READ-ONLY COPY).

The authoritative reference and input builder live on the scoring server;
editing this copy changes nothing except your own understanding.
"""

import jax, jax.numpy as jnp
import numpy as np

TOP_K = 2


def setup_inputs(seed: int = 0) -> dict:
    key = jax.random.key(seed)
    k1, k2, k3 = jax.random.split(key, 3)
    tokens = jax.random.normal(k1, (1, 2048, 768), dtype=jnp.float32)
    W_router = jax.random.normal(k2, (768, 64), dtype=jnp.float32) * 0.02
    W_expert = jax.random.normal(k3, (64, 768, 768), dtype=jnp.float32) * 0.02
    return {"tokens": tokens, "W_router": W_router, "W_expert": W_expert}


def reference(tokens, W_router, W_expert):
    B, S, H = tokens.shape
    E = W_expert.shape[0]
    K = TOP_K
    T = B * S
    # Router: logits -> softmax -> top-k -> renormalize (matches torch code)
    logits = tokens @ W_router  # [B, S, E]
    probs = jax.nn.softmax(logits, axis=-1)
    topk_p, topk_i = jax.lax.top_k(probs, K)
    topk_p = topk_p / (topk_p.sum(axis=-1, keepdims=True) + 1e-10)
    flat = tokens.reshape(T, H)
    e_idx = topk_i.reshape(-1)  # [T*K] expert id per pair
    w = topk_p.reshape(-1)  # [T*K]
    # Expand tokens: pair (i, j) -> token i replicated (faithful to expanded_tokens)
    tok_rep = jnp.repeat(flat, K, axis=0)  # [T*K, H]
    # Grouped GEMM: each pair goes through its expert's weight (single linear per expert)
    def body(e, out):
        sel = (e_idx == e)
        return out + jnp.where(sel[:, None], tok_rep @ W_expert[e], 0.0)
    out = jax.lax.fori_loop(0, E, body, jnp.zeros((T * K, H), dtype=jnp.float32))
    # Restore: weighted scatter-add back to original token slots, divide by weight sum
    orig = np.repeat(np.arange(T), K)
    weighted = out * w[:, None]
    final = jnp.zeros((T, H), dtype=jnp.float32).at[orig].add(weighted)
    wsum = jnp.zeros((T,), dtype=jnp.float32).at[orig].add(w)
    wsum = jnp.clip(wsum, 1e-10, None)
    final = final / wsum[:, None]
    return final.reshape(B, S, H)

if __name__ == "__main__":
    import jax
    _d = setup_inputs()
    print(jax.jit(kernel)(*tuple(_d.values())))

</pallas_src>

<mosaic_0001>
#map = affine_map<(d0, d1) -> (0, 0)>
module attributes {stable_mosaic.version = 14 : i64} {
  func.func @_sc_combine(%arg0: i32, %arg1: i32, %arg2: memref<12288x768xf32, #tpu.memory_space<hbm>>, %arg3: memref<2x2048xi32, #tpu.memory_space<hbm>>, %arg4: memref<2048x768xf32, #tpu.memory_space<hbm>>, %arg5: memref<32xi32, #tpu.memory_space<vmem>>, %arg6: memref<32xi32, #tpu.memory_space<vmem>>, %arg7: memref<32xi32, #tpu.memory_space<vmem>>, %arg8: memref<32xi32, #tpu.memory_space<vmem>>, %arg9: memref<64x768xf32, #tpu.memory_space<vmem>>, %arg10: memref<64x768xf32, #tpu.memory_space<vmem>>, %arg11: memref<!tpu.dma_semaphore, #tpu.memory_space<semaphore_mem>>, %arg12: memref<!tpu.dma_semaphore, #tpu.memory_space<semaphore_mem>>, %arg13: memref<!tpu.dma_semaphore, #tpu.memory_space<semaphore_mem>>, %arg14: memref<!tpu.dma_semaphore, #tpu.memory_space<semaphore_mem>>, %arg15: memref<!tpu.dma_semaphore, #tpu.memory_space<semaphore_mem>>) attributes {dimension_semantics = [#tpu.dimension_semantics<core_parallel>, #tpu.dimension_semantics<subcore_parallel>], iteration_bounds = array<i64: 2, 16>, scalar_prefetch = 0 : i64, scratch_operands = 11 : i64, tpu.core_type = #tpu.core_type<sc_vector_subcore>, window_params = [{transform_indices = #map}, {transform_indices = #map}, {transform_indices = #map}]} {
    %mul3A = arith.constant 2 : i32
    %mul3A_0 = arith.muli %arg1, %mul3A : i32
    %add3A = arith.addi %mul3A_0, %arg0 : i32
    %mul3A_1 = arith.constant 64 : i32
    %mul3A_2 = arith.muli %add3A, %mul3A_1 : i32
    %dma_start3A = arith.constant 0 : i32
    %dma_start3A_3 = tpu.memref_slice %arg3[%dma_start3A, %mul3A_2] : memref<2x2048xi32, #tpu.memory_space<hbm>> -> memref<1x32xi32, #tpu.memory_space<hbm>>
    %dma_start3A_4 = tpu.memref_squeeze %dma_start3A_3 : memref<1x32xi32, #tpu.memory_space<hbm>> -> memref<32xi32, #tpu.memory_space<hbm>>
    %dma_start3A_5 = tpu.memref_slice %arg3[%dma_start3A, %mul3A_2] : memref<2x2048xi32, #tpu.memory_space<hbm>> -> memref<1x32xi32, #tpu.memory_space<hbm>>
    %dma_start3A_6 = tpu.memref_squeeze %dma_start3A_5 : memref<1x32xi32, #tpu.memory_space<hbm>> -> memref<32xi32, #tpu.memory_space<hbm>>
    tpu.enqueue_dma source(%dma_start3A_6 : memref<32xi32, #tpu.memory_space<hbm>>) target(%arg5 : memref<32xi32, #tpu.memory_space<vmem>>) target_semaphore(%arg11 : memref<!tpu.dma_semaphore, #tpu.memory_space<semaphore_mem>>)
    %dma_start3A_7 = arith.constant 1 : i32
    %dma_start3A_8 = tpu.memref_slice %arg3[%dma_start3A_7, %mul3A_2] : memref<2x2048xi32, #tpu.memory_space<hbm>> -> memref<1x32xi32, #tpu.memory_space<hbm>>
    %dma_start3A_9 = tpu.memref_squeeze %dma_start3A_8 : memref<1x32xi32, #tpu.memory_space<hbm>> -> memref<32xi32, #tpu.memory_space<hbm>>
    %dma_start3A_10 = tpu.memref_slice %arg3[%dma_start3A_7, %mul3A_2] : memref<2x2048xi32, #tpu.memory_space<hbm>> -> memref<1x32xi32, #tpu.memory_space<hbm>>
    %dma_start3A_11 = tpu.memref_squeeze %dma_start3A_10 : memref<1x32xi32, #tpu.memory_space<hbm>> -> memref<32xi32, #tpu.memory_space<hbm>>
    tpu.enqueue_dma source(%dma_start3A_11 : memref<32xi32, #tpu.memory_space<hbm>>) target(%arg7 : memref<32xi32, #tpu.memory_space<vmem>>) target_semaphore(%arg12 : memref<!tpu.dma_semaphore, #tpu.memory_space<semaphore_mem>>)
    %add3A_12 = arith.constant 32 : i32
    %add3A_13 = arith.addi %mul3A_2, %add3A_12 : i32
    %dma_start3A_14 = arith.constant 0 : i32
    %dma_start3A_15 = tpu.memref_slice %arg3[%dma_start3A_14, %add3A_13] : memref<2x2048xi32, #tpu.memory_space<hbm>> -> memref<1x32xi32, #tpu.memory_space<hbm>>
    %dma_start3A_16 = tpu.memref_squeeze %dma_start3A_15 : memref<1x32xi32, #tpu.memory_space<hbm>> -> memref<32xi32, #tpu.memory_space<hbm>>
    %dma_start3A_17 = tpu.memref_slice %arg3[%dma_start3A_14, %add3A_13] : memref<2x2048xi32, #tpu.memory_space<hbm>> -> memref<1x32xi32, #tpu.memory_space<hbm>>
    %dma_start3A_18 = tpu.memref_squeeze %dma_start3A_17 : memref<1x32xi32, #tpu.memory_space<hbm>> -> memref<32xi32, #tpu.memory_space<hbm>>
    tpu.enqueue_dma source(%dma_start3A_18 : memref<32xi32, #tpu.memory_space<hbm>>) target(%arg6 : memref<32xi32, #tpu.memory_space<vmem>>) target_semaphore(%arg13 : memref<!tpu.dma_semaphore, #tpu.memory_space<semaphore_mem>>)
    %add3A_19 = arith.constant 32 : i32
    %add3A_20 = arith.addi %mul3A_2, %add3A_19 : i32
    %dma_start3A_21 = arith.constant 1 : i32
    %dma_start3A_22 = tpu.memref_slice %arg3[%dma_start3A_21, %add3A_20] : memref<2x2048xi32, #tpu.memory_space<hbm>> -> memref<1x32xi32, #tpu.memory_space<hbm>>
    %dma_start3A_23 = tpu.memref_squeeze %dma_start3A_22 : memref<1x32xi32, #tpu.memory_space<hbm>> -> memref<32xi32, #tpu.memory_space<hbm>>
    %dma_start3A_24 = tpu.memref_slice %arg3[%dma_start3A_21, %add3A_20] : memref<2x2048xi32, #tpu.memory_space<hbm>> -> memref<1x32xi32, #tpu.memory_space<hbm>>
    %dma_start3A_25 = tpu.memref_squeeze %dma_start3A_24 : memref<1x32xi32, #tpu.memory_space<hbm>> -> memref<32xi32, #tpu.memory_space<hbm>>
    tpu.enqueue_dma source(%dma_start3A_25 : memref<32xi32, #tpu.memory_space<hbm>>) target(%arg8 : memref<32xi32, #tpu.memory_space<vmem>>) target_semaphore(%arg14 : memref<!tpu.dma_semaphore, #tpu.memory_space<semaphore_mem>>)
    %dma_wait3A = arith.constant 0 : i32
    %dma_wait3A_26 = tpu.memref_slice %arg3[%dma_wait3A, %mul3A_2] : memref<2x2048xi32, #tpu.memory_space<hbm>> -> memref<1x32xi32, #tpu.memory_space<hbm>>
    %dma_wait3A_27 = tpu.memref_squeeze %dma_wait3A_26 : memref<1x32xi32, #tpu.memory_space<hbm>> -> memref<32xi32, #tpu.memory_space<hbm>>
    %dma_wait3A_28 = tpu.memref_slice %arg3[%dma_wait3A, %mul3A_2] : memref<2x2048xi32, #tpu.memory_space<hbm>> -> memref<1x32xi32, #tpu.memory_space<hbm>>
    %dma_wait3A_29 = tpu.memref_squeeze %dma_wait3A_28 : memref<1x32xi32, #tpu.memory_space<hbm>> -> memref<32xi32, #tpu.memory_space<hbm>>
    tpu.wait_dma2 semaphore(%arg11 : memref<!tpu.dma_semaphore, #tpu.memory_space<semaphore_mem>>) src(%dma_wait3A_29 : memref<32xi32, #tpu.memory_space<hbm>>) dst(%arg5 : memref<32xi32, #tpu.memory_space<vmem>>)
    %dma_start3A_30 = arith.constant 0 : i32
    %dma_start3A_31 = arith.constant 0 : i32
    %dma_start3A_32 = tpu.memref_slice %arg9[%dma_start3A_30, %dma_start3A_31] : memref<64x768xf32, #tpu.memory_space<vmem>> -> memref<32x768xf32, #tpu.memory_space<vmem>>
    %dma_start3A_33 = arith.constant 0 : i32
    %dma_start3A_34 = arith.constant 0 : i32
    %dma_start3A_35 = tpu.memref_slice %arg2[%dma_start3A_33, %dma_start3A_34] : memref<12288x768xf32, #tpu.memory_space<hbm>> -> memref<12288x768xf32, #tpu.memory_space<hbm>>
    tpu.enqueue_indirect_dma source(%dma_start3A_35 : memref<12288x768xf32, #tpu.memory_space<hbm>>) target(%dma_start3A_32 : memref<32x768xf32, #tpu.memory_space<vmem>>) offsets(%arg5 : memref<32xi32, #tpu.memory_space<vmem>>) semaphore(%arg11 : memref<!tpu.dma_semaphore, #tpu.memory_space<semaphore_mem>>)
    %dma_wait3A_36 = arith.constant 1 : i32
    %dma_wait3A_37 = tpu.memref_slice %arg3[%dma_wait3A_36, %mul3A_2] : memref<2x2048xi32, #tpu.memory_space<hbm>> -> memref<1x32xi32, #tpu.memory_space<hbm>>
    %dma_wait3A_38 = tpu.memref_squeeze %dma_wait3A_37 : memref<1x32xi32, #tpu.memory_space<hbm>> -> memref<32xi32, #tpu.memory_space<hbm>>
    %dma_wait3A_39 = tpu.memref_slice %arg3[%dma_wait3A_36, %mul3A_2] : memref<2x2048xi32, #tpu.memory_space<hbm>> -> memref<1x32xi32, #tpu.memory_space<hbm>>
    %dma_wait3A_40 = tpu.memref_squeeze %dma_wait3A_39 : memref<1x32xi32, #tpu.memory_space<hbm>> -> memref<32xi32, #tpu.memory_space<hbm>>
    tpu.wait_dma2 semaphore(%arg12 : memref<!tpu.dma_semaphore, #tpu.memory_space<semaphore_mem>>) src(%dma_wait3A_40 : memref<32xi32, #tpu.memory_space<hbm>>) dst(%arg7 : memref<32xi32, #tpu.memory_space<vmem>>)
    %dma_start3A_41 = arith.constant 0 : i32
    %dma_start3A_42 = arith.constant 0 : i32
    %dma_start3A_43 = tpu.memref_slice %arg10[%dma_start3A_41, %dma_start3A_42] : memref<64x768xf32, #tpu.memory_space<vmem>> -> memref<32x768xf32, #tpu.memory_space<vmem>>
    %dma_start3A_44 = arith.constant 0 : i32
    %dma_start3A_45 = arith.constant 0 : i32
    %dma_start3A_46 = tpu.memref_slice %arg2[%dma_start3A_44, %dma_start3A_45] : memref<12288x768xf32, #tpu.memory_space<hbm>> -> memref<12288x768xf32, #tpu.memory_space<hbm>>
    tpu.enqueue_indirect_dma source(%dma_start3A_46 : memref<12288x768xf32, #tpu.memory_space<hbm>>) target(%dma_start3A_43 : memref<32x768xf32, #tpu.memory_space<vmem>>) offsets(%arg7 : memref<32xi32, #tpu.memory_space<vmem>>) semaphore(%arg12 : memref<!tpu.dma_semaphore, #tpu.memory_space<semaphore_mem>>)
    %dma_wait3A_47 = arith.constant 0 : i32
    %dma_wait3A_48 = tpu.memref_slice %arg3[%dma_wait3A_47, %add3A_13] : memref<2x2048xi32, #tpu.memory_space<hbm>> -> memref<1x32xi32, #tpu.memory_space<hbm>>
    %dma_wait3A_49 = tpu.memref_squeeze %dma_wait3A_48 : memref<1x32xi32, #tpu.memory_space<hbm>> -> memref<32xi32, #tpu.memory_space<hbm>>
    %dma_wait3A_50 = tpu.memref_slice %arg3[%dma_wait3A_47, %add3A_13] : memref<2x2048xi32, #tpu.memory_space<hbm>> -> memref<1x32xi32, #tpu.memory_space<hbm>>
    %dma_wait3A_51 = tpu.memref_squeeze %dma_wait3A_50 : memref<1x32xi32, #tpu.memory_space<hbm>> -> memref<32xi32, #tpu.memory_space<hbm>>
    tpu.wait_dma2 semaphore(%arg13 : memref<!tpu.dma_semaphore, #tpu.memory_space<semaphore_mem>>) src(%dma_wait3A_51 : memref<32xi32, #tpu.memory_space<hbm>>) dst(%arg6 : memref<32xi32, #tpu.memory_space<vmem>>)
    %dma_start3A_52 = arith.constant 32 : i32
    %dma_start3A_53 = arith.constant 0 : i32
    %dma_start3A_54 = tpu.memref_slice %arg9[%dma_start3A_52, %dma_start3A_53] : memref<64x768xf32, #tpu.memory_space<vmem>> -> memref<32x768xf32, #tpu.memory_space<vmem>>
    %dma_start3A_55 = arith.constant 0 : i32
    %dma_start3A_56 = arith.constant 0 : i32
    %dma_start3A_57 = tpu.memref_slice %arg2[%dma_start3A_55, %dma_start3A_56] : memref<12288x768xf32, #tpu.memory_space<hbm>> -> memref<12288x768xf32, #tpu.memory_space<hbm>>
    tpu.enqueue_indirect_dma source(%dma_start3A_57 : memref<12288x768xf32, #tpu.memory_space<hbm>>) target(%dma_start3A_54 : memref<32x768xf32, #tpu.memory_space<vmem>>) offsets(%arg6 : memref<32xi32, #tpu.memory_space<vmem>>) semaphore(%arg13 : memref<!tpu.dma_semaphore, #tpu.memory_space<semaphore_mem>>)
    %dma_wait3A_58 = arith.constant 1 : i32
    %dma_wait3A_59 = tpu.memref_slice %arg3[%dma_wait3A_58, %add3A_20] : memref<2x2048xi32, #tpu.memory_space<hbm>> -> memref<1x32xi32, #tpu.memory_space<hbm>>
    %dma_wait3A_60 = tpu.memref_squeeze %dma_wait3A_59 : memref<1x32xi32, #tpu.memory_space<hbm>> -> memref<32xi32, #tpu.memory_space<hbm>>
    %dma_wait3A_61 = tpu.memref_slice %arg3[%dma_wait3A_58, %add3A_20] : memref<2x2048xi32, #tpu.memory_space<hbm>> -> memref<1x32xi32, #tpu.memory_space<hbm>>
    %dma_wait3A_62 = tpu.memref_squeeze %dma_wait3A_61 : memref<1x32xi32, #tpu.memory_space<hbm>> -> memref<32xi32, #tpu.memory_space<hbm>>
    tpu.wait_dma2 semaphore(%arg14 : memref<!tpu.dma_semaphore, #tpu.memory_space<semaphore_mem>>) src(%dma_wait3A_62 : memref<32xi32, #tpu.memory_space<hbm>>) dst(%arg8 : memref<32xi32, #tpu.memory_space<vmem>>)
    %dma_start3A_63 = arith.constant 32 : i32
    %dma_start3A_64 = arith.constant 0 : i32
    %dma_start3A_65 = tpu.memref_slice %arg10[%dma_start3A_63, %dma_start3A_64] : memref<64x768xf32, #tpu.memory_space<vmem>> -> memref<32x768xf32, #tpu.memory_space<vmem>>
    %dma_start3A_66 = arith.constant 0 : i32
    %dma_start3A_67 = arith.constant 0 : i32
    %dma_start3A_68 = tpu.memref_slice %arg2[%dma_start3A_66, %dma_start3A_67] : memref<12288x768xf32, #tpu.memory_space<hbm>> -> memref<12288x768xf32, #tpu.memory_space<hbm>>
    tpu.enqueue_indirect_dma source(%dma_start3A_68 : memref<12288x768xf32, #tpu.memory_space<hbm>>) target(%dma_start3A_65 : memref<32x768xf32, #tpu.memory_space<vmem>>) offsets(%arg8 : memref<32xi32, #tpu.memory_space<vmem>>) semaphore(%arg14 : memref<!tpu.dma_semaphore, #tpu.memory_space<semaphore_mem>>)
    %dma_wait3A_69 = arith.constant 0 : i32
    %dma_wait3A_70 = arith.constant 0 : i32
    %dma_wait3A_71 = tpu.memref_slice %arg9[%dma_wait3A_69, %dma_wait3A_70] : memref<64x768xf32, #tpu.memory_space<vmem>> -> memref<32x768xf32, #tpu.memory_space<vmem>>
    %dma_wait3A_72 = arith.constant 0 : i32
    %dma_wait3A_73 = arith.constant 0 : i32
    %dma_wait3A_74 = tpu.memref_slice %arg2[%dma_wait3A_72, %dma_wait3A_73] : memref<12288x768xf32, #tpu.memory_space<hbm>> -> memref<12288x768xf32, #tpu.memory_space<hbm>>
    tpu.wait_indirect_dma semaphore(%arg11 : memref<!tpu.dma_semaphore, #tpu.memory_space<semaphore_mem>>) src(%dma_wait3A_74 : memref<12288x768xf32, #tpu.memory_space<hbm>>) dst(%dma_wait3A_71 : memref<32x768xf32, #tpu.memory_space<vmem>>)
    %dma_wait3A_75 = arith.constant 0 : i32
    %dma_wait3A_76 = arith.constant 0 : i32
    %dma_wait3A_77 = tpu.memref_slice %arg10[%dma_wait3A_75, %dma_wait3A_76] : memref<64x768xf32, #tpu.memory_space<vmem>> -> memref<32x768xf32, #tpu.memory_space<vmem>>
    %dma_wait3A_78 = arith.constant 0 : i32
    %dma_wait3A_79 = arith.constant 0 : i32
    %dma_wait3A_80 = tpu.memref_slice %arg2[%dma_wait3A_78, %dma_wait3A_79] : memref<12288x768xf32, #tpu.memory_space<hbm>> -> memref<12288x768xf32, #tpu.memory_space<hbm>>
    tpu.wait_indirect_dma semaphore(%arg12 : memref<!tpu.dma_semaphore, #tpu.memory_space<semaphore_mem>>) src(%dma_wait3A_80 : memref<12288x768xf32, #tpu.memory_space<hbm>>) dst(%dma_wait3A_77 : memref<32x768xf32, #tpu.memory_space<vmem>>)
    %scan3A = arith.constant 0 : i32
    %scan3A_81 = arith.constant 0 : i32
    %scan3A_82 = arith.constant 32 : i32
    %scan3A_83 = arith.addi %scan3A_81, %scan3A_82 : i32
    %scan3A_84 = arith.constant 1 : i32
    scf.for %scan3A_126 = %scan3A_81 to %scan3A_83 step %scan3A_84  : i32 {
      %get3A = arith.index_cast %scan3A_126 : i32 to index
      %get3A_127 = arith.constant 0 : index
      %get3A_128 = tpu.vector_load %arg9[%get3A, %get3A_127] {strides = array<i32>} : memref<64x768xf32, #tpu.memory_space<vmem>>, vector<1x16xf32>,
      %get3A_129 = vector.shape_cast %get3A_128 : vector<1x16xf32> to vector<16xf32>
      %get3A_130 = arith.index_cast %scan3A_126 : i32 to index
      %get3A_131 = arith.constant 0 : index
      %get3A_132 = tpu.vector_load %arg10[%get3A_130, %get3A_131] {strides = array<i32>} : memref<64x768xf32, #tpu.memory_space<vmem>>, vector<1x16xf32>,
      %get3A_133 = vector.shape_cast %get3A_132 : vector<1x16xf32> to vector<16xf32>
      %add3A_134 = arith.addf %get3A_129, %get3A_133 : vector<16xf32>
      %swap3A = arith.index_cast %scan3A_126 : i32 to index
      %swap3A_135 = arith.constant 0 : index
      %swap3A_136 = tpu.vector_load %arg9[%swap3A, %swap3A_135] {strides = array<i32>} : memref<64x768xf32, #tpu.memory_space<vmem>>, vector<1x16xf32>,
      %swap3A_137 = vector.shape_cast %swap3A_136 : vector<1x16xf32> to vector<16xf32>
      %swap3A_138 = vector.shape_cast %add3A_134 : vector<16xf32> to vector<1x16xf32>
      tpu.vector_store %arg9[%swap3A, %swap3A_135], %swap3A_138 {strides = array<i32>} : memref<64x768xf32, #tpu.memory_space<vmem>>, vector<1x16xf32>,
      %get3A_139 = arith.index_cast %scan3A_126 : i32 to index
      %get3A_140 = arith.constant 16 : index
      %get3A_141 = tpu.vector_load %arg9[%get3A_139, %get3A_140] {strides = array<i32>} : memref<64x768xf32, #tpu.memory_space<vmem>>, vector<1x16xf32>,
      %get3A_142 = vector.shape_cast %get3A_141 : vector<1x16xf32> to vector<16xf32>
      %get3A_143 = arith.index_cast %scan3A_126 : i32 to index
      %get3A_144 = arith.constant 16 : index
      %get3A_145 = tpu.vector_load %arg10[%get3A_143, %get3A_144] {strides = array<i32>} : memref<64x768xf32, #tpu.memory_space<vmem>>, vector<1x16xf32>,
      %get3A_146 = vector.shape_cast %get3A_145 : vector<1x16xf32> to vector<16xf32>
      %add3A_147 = arith.addf %get3A_142, %get3A_146 : vector<16xf32>
      %swap3A_148 = arith.index_cast %scan3A_126 : i32 to index
      %swap3A_149 = arith.constant 16 : index
      %swap3A_150 = tpu.vector_load %arg9[%swap3A_148, %swap3A_149] {strides = array<i32>} : memref<64x768xf32, #tpu.memory_space<vmem>>, vector<1x16xf32>,
      %swap3A_151 = vector.shape_cast %swap3A_150 : vector<1x16xf32> to vector<16xf32>
      %swap3A_152 = vector.shape_cast %add3A_147 : vector<16xf32> to vector<1x16xf32>
      tpu.vector_store %arg9[%swap3A_148, %swap3A_149], %swap3A_152 {strides = array<i32>} : memref<64x768xf32, #tpu.memory_space<vmem>>, vector<1x16xf32>,
      %get3A_153 = arith.index_cast %scan3A_126 : i32 to index
      %get3A_154 = arith.constant 32 : index
      %get3A_155 = tpu.vector_load %arg9[%get3A_153, %get3A_154] {strides = array<i32>} : memref<64x768xf32, #tpu.memory_space<vmem>>, vector<1x16xf32>,
      %get3A_156 = vector.shape_cast %get3A_155 : vector<1x16xf32> to vector<16xf32>
      %get3A_157 = arith.index_cast %scan3A_126 : i32 to index
      %get3A_158 = arith.constant 32 : index
      %get3A_159 = tpu.vector_load %arg10[%get3A_157, %get3A_158] {strides = array<i32>} : memref<64x768xf32, #tpu.memory_space<vmem>>, vector<1x16xf32>,
      %get3A_160 = vector.shape_cast %get3A_159 : vector<1x16xf32> to vector<16xf32>
      %add3A_161 = arith.addf %get3A_156, %get3A_160 : vector<16xf32>
      %swap3A_162 = arith.index_cast %scan3A_126 : i32 to index
      %swap3A_163 = arith.constant 32 : index
      %swap3A_164 = tpu.vector_load %arg9[%swap3A_162, %swap3A_163] {strides = array<i32>} : memref<64x768xf32, #tpu.memory_space<vmem>>, vector<1x16xf32>,
      %swap3A_165 = vector.shape_cast %swap3A_164 : vector<1x16xf32> to vector<16xf32>
      %swap3A_166 = vector.shape_cast %add3A_161 : vector<16xf32> to vector<1x16xf32>
      tpu.vector_store %arg9[%swap3A_162, %swap3A_163], %swap3A_166 {strides = array<i32>} : memref<64x768xf32, #tpu.memory_space<vmem>>, vector<1x16xf32>,
      %get3A_167 = arith.index_cast %scan3A_126 : i32 to index
      %get3A_168 = arith.constant 48 : index
      %get3A_169 = tpu.vector_load %arg9[%get3A_167, %get3A_168] {strides = array<i32>} : memref<64x768xf32, #tpu.memory_space<vmem>>, vector<1x16xf32>,
      %get3A_170 = vector.shape_cast %get3A_169 : vector<1x16xf32> to vector<16xf32>
      %get3A_171 = arith.index_cast %scan3A_126 : i32 to index
      %get3A_172 = arith.constant 48 : index
      %get3A_173 = tpu.vector_load %arg10[%get3A_171, %get3A_172] {strides = array<i32>} : memref<64x768xf32, #tpu.memory_space<vmem>>, vector<1x16xf32>,
      %get3A_174 = vector.shape_cast %get3A_173 : vector<1x16xf32> to vector<16xf32>
      %add3A_175 = arith.addf %get3A_170, %get3A_174 : vector<16xf32>
      %swap3A_176 = arith.index_cast %scan3A_126 : i32 to index
      %swap3A_177 = arith.constant 48 : index
      %swap3A_178 = tpu.vector_load %arg9[%swap3A_176, %swap3A_177] {strides = array<i32>} : memref<64x768xf32, #tpu.memory_space<vmem>>, vector<1x16xf32>,
      %swap3A_179 = vector.shape_cast %swap3A_178 : vector<1x16xf32> to vector<16xf32>
      %swap3A_180 = vector.shape_cast %add3A_175 : vector<16xf32> to vector<1x16xf32>
      tpu.vector_store %arg9[%swap3A_176, %swap3A_177], %swap3A_180 {strides = array<i32>} : memref<64x768xf32, #tpu.memory_space<vmem>>, vector<1x16xf32>,
      %get3A_181 = arith.index_cast %scan3A_126 : i32 to index
      %get3A_182 = arith.constant 64 : index
      %get3A_183 = tpu.vector_load %arg9[%get3A_181, %get3A_182] {strides = array<i32>} : memref<64x768xf32, #tpu.memory_space<vmem>>, vector<1x16xf32>,
      %get3A_184 = vector.shape_cast %get3A_183 : vector<1x16xf32> to vector<16xf32>
      %get3A_185 = arith.index_cast %scan3A_126 : i32 to index
      %get3A_186 = arith.constant 64 : index
      %get3A_187 = tpu.vector_load %arg10[%get3A_185, %get3A_186] {strides = array<i32>} : memref<64x768xf32, #tpu.memory_space<vmem>>, vector<1x16xf32>,
      %get3A_188 = vector.shape_cast %get3A_187 : vector<1x16xf32> to vector<16xf32>
      %add3A_189 = arith.addf %get3A_184, %get3A_188 : vector<16xf32>
      %swap3A_190 = arith.index_cast %scan3A_126 : i32 to index
      %swap3A_191 = arith.constant 64 : index
      %swap3A_192 = tpu.vector_load %arg9[%swap3A_190, %swap3A_191] {strides = array<i32>} : memref<64x768xf32, #tpu.memory_space<vmem>>, vector<1x16xf32>,
      %swap3A_193 = vector.shape_cast %swap3A_192 : vector<1x16xf32> to vector<16xf32>
      %swap3A_194 = vector.shape_cast %add3A_189 : vector<16xf32> to vector<1x16xf32>
      tpu.vector_store %arg9[%swap3A_190, %swap3A_191], %swap3A_194 {strides = array<i32>} : memref<64x768xf32, #tpu.memory_space<vmem>>, vector<1x16xf32>,
      %get3A_195 = arith.index_cast %scan3A_126 : i32 to index
      %get3A_196 = arith.constant 80 : index
      %get3A_197 = tpu.vector_load %arg9[%get3A_195, %get3A_196] {strides = array<i32>} : memref<64x768xf32, #tpu.memory_space<vmem>>, vector<1x16xf32>,
      %get3A_198 = vector.shape_cast %get3A_197 : vector<1x16xf32> to vector<16xf32>
      %get3A_199 = arith.index_cast %scan3A_126 : i32 to index
      %get3A_200 = arith.constant 80 : index
      %get3A_201 = tpu.vector_load %arg10[%get3A_199, %get3A_200] {strides = array<i32>} : memref<64x768xf32, #tpu.memory_space<vmem>>, vector<1x16xf32>,
      %get3A_202 = vector.shape_cast %get3A_201 : vector<1x16xf32> to vector<16xf32>
      %add3A_203 = arith.addf %get3A_198, %get3A_202 : vector<16xf32>
      %swap3A_204 = arith.index_cast %scan3A_126 : i32 to index
      %swap3A_205 = arith.constant 80 : index
      %swap3A_206 = tpu.vector_load %arg9[%swap3A_204, %swap3A_205] {strides = array<i32>} : memref<64x768xf32, #tpu.memory_space<vmem>>, vector<1x16xf32>,
      %swap3A_207 = vector.shape_cast %swap3A_206 : vector<1x16xf32> to vector<16xf32>
      %swap3A_208 = vector.shape_cast %add3A_203 : vector<16xf32> to vector<1x16xf32>
      tpu.vector_store %arg9[%swap3A_204, %swap3A_205], %swap3A_208 {strides = array<i32>} : memref<64x768xf32, #tpu.memory_space<vmem>>, vector<1x16xf32>,
      %get3A_209 = arith.index_cast %scan3A_126 : i32 to index
      %get3A_210 = arith.constant 96 : index
      %get3A_211 = tpu.vector_load %arg9[%get3A_209, %get3A_210] {strides = array<i32>} : memref<64x768xf32, #tpu.memory_space<vmem>>, vector<1x16xf32>,
      %get3A_212 = vector.shape_cast %get3A_211 : vector<1x16xf32> to vector<16xf32>
      %get3A_213 = arith.index_cast %scan3A_126 : i32 to index
      %get3A_214 = arith.constant 96 : index
      %get3A_215 = tpu.vector_load %arg10[%get3A_213, %get3A_214] {strides = array<i32>} : memref<64x768xf32, #tpu.memory_space<vmem>>, vector<1x16xf32>,
      %get3A_216 = vector.shape_cast %get3A_215 : vector<1x16xf32> to vector<16xf32>
      %add3A_217 = arith.addf %get3A_212, %get3A_216 : vector<16xf32>
      %swap3A_218 = arith.index_cast %scan3A_126 : i32 to index
      %swap3A_219 = arith.constant 96 : index
      %swap3A_220 = tpu.vector_load %arg9[%swap3A_218, %swap3A_219] {strides = array<i32>} : memref<64x768xf32, #tpu.memory_space<vmem>>, vector<1x16xf32>,
      %swap3A_221 = vector.shape_cast %swap3A_220 : vector<1x16xf32> to vector<16xf32>
      %swap3A_222 = vector.shape_cast %add3A_217 : vector<16xf32> to vector<1x16xf32>
      tpu.vector_store %arg9[%swap3A_218, %swap3A_219], %swap3A_222 {strides = array<i32>} : memref<64x768xf32, #tpu.memory_space<vmem>>, vector<1x16xf32>,
      %get3A_223 = arith.index_cast %scan3A_126 : i32 to index
      %get3A_224 = arith.constant 112 : index
      %get3A_225 = tpu.vector_load %arg9[%get3A_223, %get3A_224] {strides = array<i32>} : memref<64x768xf32, #tpu.memory_space<vmem>>, vector<1x16xf32>,
      %get3A_226 = vector.shape_cast %get3A_225 : vector<1x16xf32> to vector<16xf32>
      %get3A_227 = arith.index_cast %scan3A_126 : i32 to index
      %get3A_228 = arith.constant 112 : index
      %get3A_229 = tpu.vector_load %arg10[%get3A_227, %get3A_228] {strides = array<i32>} : memref<64x768xf32, #tpu.memory_space<vmem>>, vector<1x16xf32>,
      %get3A_230 = vector.shape_cast %get3A_229 : vector<1x16xf32> to vector<16xf32>
      %add3A_231 = arith.addf %get3A_226, %get3A_230 : vector<16xf32>
      %swap3A_232 = arith.index_cast %scan3A_126 : i32 to index
      %swap3A_233 = arith.constant 112 : index
      %swap3A_234 = tpu.vector_load %arg9[%swap3A_232, %swap3A_233] {strides = array<i32>} : memref<64x768xf32, #tpu.memory_space<vmem>>, vector<1x16xf32>,
      %swap3A_235 = vector.shape_cast %swap3A_234 : vector<1x16xf32> to vector<16xf32>
      %swap3A_236 = vector.shape_cast %add3A_231 : vector<16xf32> to vector<1x16xf32>
      tpu.vector_store %arg9[%swap3A_232, %swap3A_233], %swap3A_236 {strides = array<i32>} : memref<64x768xf32, #tpu.memory_space<vmem>>, vector<1x16xf32>,
      %get3A_237 = arith.index_cast %scan3A_126 : i32 to index
      %get3A_238 = arith.constant 128 : index
      %get3A_239 = tpu.vector_load %arg9[%get3A_237, %get3A_238] {strides = array<i32>} : memref<64x768xf32, #tpu.memory_space<vmem>>, vector<1x16xf32>,
      %get3A_240 = vector.shape_cast %get3A_239 : vector<1x16xf32> to vector<16xf32>
      %get3A_241 = arith.index_cast %scan3A_126 : i32 to index
      %get3A_242 = arith.constant 128 : index
      %get3A_243 = tpu.vector_load %arg10[%get3A_241, %get3A_242] {strides = array<i32>} : memref<64x768xf32, #tpu.memory_space<vmem>>, vector<1x16xf32>,
      %get3A_244 = vector.shape_cast %get3A_243 : vector<1x16xf32> to vector<16xf32>
      %add3A_245 = arith.addf %get3A_240, %get3A_244 : vector<16xf32>
      %swap3A_246 = arith.index_cast %scan3A_126 : i32 to index
      %swap3A_247 = arith.constant 128 : index
      %swap3A_248 = tpu.vector_load %arg9[%swap3A_246, %swap3A_247] {strides = array<i32>} : memref<64x768xf32, #tpu.memory_space<vmem>>, vector<1x16xf32>,
      %swap3A_249 = vector.shape_cast %swap3A_248 : vector<1x16xf32> to vector<16xf32>
      %swap3A_250 = vector.shape_cast %add3A_245 : vector<16xf32> to vector<1x16xf32>
      tpu.vector_store %arg9[%swap3A_246, %swap3A_247], %swap3A_250 {strides = array<i32>} : memref<64x768xf32, #tpu.memory_space<vmem>>, vector<1x16xf32>,
      %get3A_251 = arith.index_cast %scan3A_126 : i32 to index
      %get3A_252 = arith.constant 144 : index
      %get3A_253 = tpu.vector_load %arg9[%get3A_251, %get3A_252] {strides = array<i32>} : memref<64x768xf32, #tpu.memory_space<vmem>>, vector<1x16xf32>,
      %get3A_254 = vector.shape_cast %get3A_253 : vector<1x16xf32> to vector<16xf32>
      %get3A_255 = arith.index_cast %scan3A_126 : i32 to index
      %get3A_256 = arith.constant 144 : index
      %get3A_257 = tpu.vector_load %arg10[%get3A_255, %get3A_256] {strides = array<i32>} : memref<64x768xf32, #tpu.memory_space<vmem>>, vector<1x16xf32>,
      %get3A_258 = vector.shape_cast %get3A_257 : vector<1x16xf32> to vector<16xf32>
      %add3A_259 = arith.addf %get3A_254, %get3A_258 : vector<16xf32>
      %swap3A_260 = arith.index_cast %scan3A_126 : i32 to index
      %swap3A_261 = arith.constant 144 : index
      %swap3A_262 = tpu.vector_load %arg9[%swap3A_260, %swap3A_261] {strides = array<i32>} : memref<64x768xf32, #tpu.memory_space<vmem>>, vector<1x16xf32>,
      %swap3A_263 = vector.shape_cast %swap3A_262 : vector<1x16xf32> to vector<16xf32>
      %swap3A_264 = vector.shape_cast %add3A_259 : vector<16xf32> to vector<1x16xf32>
      tpu.vector_store %arg9[%swap3A_260, %swap3A_261], %swap3A_264 {strides = array<i32>} : memref<64x768xf32, #tpu.memory_space<vmem>>, vector<1x16xf32>,
      %get3A_265 = arith.index_cast %scan3A_126 : i32 to index
      %get3A_266 = arith.constant 160 : index
      %get3A_267 = tpu.vector_load %arg9[%get3A_265, %get3A_266] {strides = array<i32>} : memref<64x768xf32, #tpu.memory_space<vmem>>, vector<1x16xf32>,
      %get3A_268 = vector.shape_cast %get3A_267 : vector<1x16xf32> to vector<16xf32>
      %get3A_269 = arith.index_cast %scan3A_126 : i32 to index
      %get3A_270 = arith.constant 160 : index
      %get3A_271 = tpu.vector_load %arg10[%get3A_269, %get3A_270] {strides = array<i32>} : memref<64x768xf32, #tpu.memory_space<vmem>>, vector<1x16xf32>,
      %get3A_272 = vector.shape_cast %get3A_271 : vector<1x16xf32> to vector<16xf32>
      %add3A_273 = arith.addf %get3A_268, %get3A_272 : vector<16xf32>
      %swap3A_274 = arith.index_cast %scan3A_126 : i32 to index
      %swap3A_275 = arith.constant 160 : index
      %swap3A_276 = tpu.vector_load %arg9[%swap3A_274, %swap3A_275] {strides = array<i32>} : memref<64x768xf32, #tpu.memory_space<vmem>>, vector<1x16xf32>,
      %swap3A_277 = vector.shape_cast %swap3A_276 : vector<1x16xf32> to vector<16xf32>
      %swap3A_278 = vector.shape_cast %add3A_273 : vector<16xf32> to vector<1x16xf32>
      tpu.vector_store %arg9[%swap3A_274, %swap3A_275], %swap3A_278 {strides = array<i32>} : memref<64x768xf32, #tpu.memory_space<vmem>>, vector<1x16xf32>,
      %get3A_279 = arith.index_cast %scan3A_126 : i32 to index
      %get3A_280 = arith.constant 176 : index
      %get3A_281 = tpu.vector_load %arg9[%get3A_279, %get3A_280] {strides = array<i32>} : memref<64x768xf32, #tpu.memory_space<vmem>>, vector<1x16xf32>,
      %get3A_282 = vector.shape_cast %get3A_281 : vector<1x16xf32> to vector<16xf32>
      %get3A_283 = arith.index_cast %scan3A_126 : i32 to index
      %get3A_284 = arith.constant 176 : index
      %get3A_285 = tpu.vector_load %arg10[%get3A_283, %get3A_284] {strides = array<i32>} : memref<64x768xf32, #tpu.memory_space<vmem>>, vector<1x16xf32>,
      %get3A_286 = vector.shape_cast %get3A_285 : vector<1x16xf32> to vector<16xf32>
      %add3A_287 = arith.addf %get3A_282, %get3A_286 : vector<16xf32>
      %swap3A_288 = arith.index_cast %scan3A_126 : i32 to index
      %swap3A_289 = arith.constant 176 : index
      %swap3A_290 = tpu.vector_load %arg9[%swap3A_288, %swap3A_289] {strides = array<i32>} : memref<64x768xf32, #tpu.memory_space<vmem>>, vector<1x16xf32>,
      %swap3A_291 = vector.shape_cast %swap3A_290 : vector<1x16xf32> to vector<16xf32>
      %swap3A_292 = vector.shape_cast %add3A_287 : vector<16xf32> to vector<1x16xf32>
      tpu.vector_store %arg9[%swap3A_288, %swap3A_289], %swap3A_292 {strides = array<i32>} : memref<64x768xf32, #tpu.memory_space<vmem>>, vector<1x16xf32>,
      %get3A_293 = arith.index_cast %scan3A_126 : i32 to index
      %get3A_294 = arith.constant 192 : index
      %get3A_295 = tpu.vector_load %arg9[%get3A_293, %get3A_294] {strides = array<i32>} : memref<64x768xf32, #tpu.memory_space<vmem>>, vector<1x16xf32>,
      %get3A_296 = vector.shape_cast %get3A_295 : vector<1x16xf32> to vector<16xf32>
      %get3A_297 = arith.index_cast %scan3A_126 : i32 to index
      %get3A_298 = arith.constant 192 : index
      %get3A_299 = tpu.vector_load %arg10[%get3A_297, %get3A_298] {strides = array<i32>} : memref<64x768xf32, #tpu.memory_space<vmem>>, vector<1x16xf32>,
      %get3A_300 = vector.shape_cast %get3A_299 : vector<1x16xf32> to vector<16xf32>
      %add3A_301 = arith.addf %get3A_296, %get3A_300 : vector<16xf32>
      %swap3A_302 = arith.index_cast %scan3A_126 : i32 to index
      %swap3A_303 = arith.constant 192 : index
      %swap3A_304 = tpu.vector_load %arg9[%swap3A_302, %swap3A_303] {strides = array<i32>} : memref<64x768xf32, #tpu.memory_space<vmem>>, vector<1x16xf32>,
      %swap3A_305 = vector.shape_cast %swap3A_304 : vector<1x16xf32> to vector<16xf32>
      %swap3A_306 = vector.shape_cast %add3A_301 : vector<16xf32> to vector<1x16xf32>
      tpu.vector_store %arg9[%swap3A_302, %swap3A_303], %swap3A_306 {strides = array<i32>} : memref<64x768xf32, #tpu.memory_space<vmem>>, vector<1x16xf32>,
      %get3A_307 = arith.index_cast %scan3A_126 : i32 to index
      %get3A_308 = arith.constant 208 : index
      %get3A_309 = tpu.vector_load %arg9[%get3A_307, %get3A_308] {strides = array<i32>} : memref<64x768xf32, #tpu.memory_space<vmem>>, vector<1x16xf32>,
      %get3A_310 = vector.shape_cast %get3A_309 : vector<1x16xf32> to vector<16xf32>
      %get3A_311 = arith.index_cast %scan3A_126 : i32 to index
      %get3A_312 = arith.constant 208 : index
      %get3A_313 = tpu.vector_load %arg10[%get3A_311, %get3A_312] {strides = array<i32>} : memref<64x768xf32, #tpu.memory_space<vmem>>, vector<1x16xf32>,
      %get3A_314 = vector.shape_cast %get3A_313 : vector<1x16xf32> to vector<16xf32>
      %add3A_315 = arith.addf %get3A_310, %get3A_314 : vector<16xf32>
      %swap3A_316 = arith.index_cast %scan3A_126 : i32 to index
      %swap3A_317 = arith.constant 208 : index
      %swap3A_318 = tpu.vector_load %arg9[%swap3A_316, %swap3A_317] {strides = array<i32>} : memref<64x768xf32, #tpu.memory_space<vmem>>, vector<1x16xf32>,
      %swap3A_319 = vector.shape_cast %swap3A_318 : vector<1x16xf32> to vector<16xf32>
      %swap3A_320 = vector.shape_cast %add3A_315 : vector<16xf32> to vector<1x16xf32>
      tpu.vector_store %arg9[%swap3A_316, %swap3A_317], %swap3A_320 {strides = array<i32>} : memref<64x768xf32, #tpu.memory_space<vmem>>, vector<1x16xf32>,
      %get3A_321 = arith.index_cast %scan3A_126 : i32 to index
      %get3A_322 = arith.constant 224 : index
      %get3A_323 = tpu.vector_load %arg9[%get3A_321, %get3A_322] {strides = array<i32>} : memref<64x768xf32, #tpu.memory_space<vmem>>, vector<1x16xf32>,
      %get3A_324 = vector.shape_cast %get3A_323 : vector<1x16xf32> to vector<16xf32>
      %get3A_325 = arith.index_cast %scan3A_126 : i32 to index
      %get3A_326 = arith.constant 224 : index
      %get3A_327 = tpu.vector_load %arg10[%get3A_325, %get3A_326] {strides = array<i32>} : memref<64x768xf32, #tpu.memory_space<vmem>>, vector<1x16xf32>,
      %get3A_328 = vector.shape_cast %get3A_327 : vector<1x16xf32> to vector<16xf32>
      %add3A_329 = arith.addf %get3A_324, %get3A_328 : vector<16xf32>
      %swap3A_330 = arith.index_cast %scan3A_126 : i32 to index
      %swap3A_331 = arith.constant 224 : index
      %swap3A_332 = tpu.vector_load %arg9[%swap3A_330, %swap3A_331] {strides = array<i32>} : memref<64x768xf32, #tpu.memory_space<vmem>>, vector<1x16xf32>,
      %swap3A_333 = vector.shape_cast %swap3A_332 : vector<1x16xf32> to vector<16xf32>
      %swap3A_334 = vector.shape_cast %add3A_329 : vector<16xf32> to vector<1x16xf32>
      tpu.vector_store %arg9[%swap3A_330, %swap3A_331], %swap3A_334 {strides = array<i32>} : memref<64x768xf32, #tpu.memory_space<vmem>>, vector<1x16xf32>,
      %get3A_335 = arith.index_cast %scan3A_126 : i32 to index
      %get3A_336 = arith.constant 240 : index
      %get3A_337 = tpu.vector_load %arg9[%get3A_335, %get3A_336] {strides = array<i32>} : memref<64x768xf32, #tpu.memory_space<vmem>>, vector<1x16xf32>,
      %get3A_338 = vector.shape_cast %get3A_337 : vector<1x16xf32> to vector<16xf32>
      %get3A_339 = arith.index_cast %scan3A_126 : i32 to index
      %get3A_340 = arith.constant 240 : index
      %get3A_341 = tpu.vector_load %arg10[%get3A_339, %get3A_340] {strides = array<i32>} : memref<64x768xf32, #tpu.memory_space<vmem>>, vector<1x16xf32>,
      %get3A_342 = vector.shape_cast %get3A_341 : vector<1x16xf32> to vector<16xf32>
      %add3A_343 = arith.addf %get3A_338, %get3A_342 : vector<16xf32>
      %swap3A_344 = arith.index_cast %scan3A_126 : i32 to index
      %swap3A_345 = arith.constant 240 : index
      %swap3A_346 = tpu.vector_load %arg9[%swap3A_344, %swap3A_345] {strides = array<i32>} : memref<64x768xf32, #tpu.memory_space<vmem>>, vector<1x16xf32>,
      %swap3A_347 = vector.shape_cast %swap3A_346 : vector<1x16xf32> to vector<16xf32>
      %swap3A_348 = vector.shape_cast %add3A_343 : vector<16xf32> to vector<1x16xf32>
      tpu.vector_store %arg9[%swap3A_344, %swap3A_345], %swap3A_348 {strides = array<i32>} : memref<64x768xf32, #tpu.memory_space<vmem>>, vector<1x16xf32>,
      %get3A_349 = arith.index_cast %scan3A_126 : i32 to index
      %get3A_350 = arith.constant 256 : index
      %get3A_351 = tpu.vector_load %arg9[%get3A_349, %get3A_350] {strides = array<i32>} : memref<64x768xf32, #tpu.memory_space<vmem>>, vector<1x16xf32>,
      %get3A_352 = vector.shape_cast %get3A_351 : vector<1x16xf32> to vector<16xf32>
      %get3A_353 = arith.index_cast %scan3A_126 : i32 to index
      %get3A_354 = arith.constant 256 : index
      %get3A_355 = tpu.vector_load %arg10[%get3A_353, %get3A_354] {strides = array<i32>} : memref<64x768xf32, #tpu.memory_space<vmem>>, vector<1x16xf32>,
      %get3A_356 = vector.shape_cast %get3A_355 : vector<1x16xf32> to vector<16xf32>
      %add3A_357 = arith.addf %get3A_352, %get3A_356 : vector<16xf32>
      %swap3A_358 = arith.index_cast %scan3A_126 : i32 to index
      %swap3A_359 = arith.constant 256 : index
      %swap3A_360 = tpu.vector_load %arg9[%swap3A_358, %swap3A_359] {strides = array<i32>} : memref<64x768xf32, #tpu.memory_space<vmem>>, vector<1x16xf32>,
      %swap3A_361 = vector.shape_cast %swap3A_360 : vector<1x16xf32> to vector<16xf32>
      %swap3A_362 = vector.shape_cast %add3A_357 : vector<16xf32> to vector<1x16xf32>
      tpu.vector_store %arg9[%swap3A_358, %swap3A_359], %swap3A_362 {strides = array<i32>} : memref<64x768xf32, #tpu.memory_space<vmem>>, vector<1x16xf32>,
      %get3A_363 = arith.index_cast %scan3A_126 : i32 to index
      %get3A_364 = arith.constant 272 : index
      %get3A_365 = tpu.vector_load %arg9[%get3A_363, %get3A_364] {strides = array<i32>} : memref<64x768xf32, #tpu.memory_space<vmem>>, vector<1x16xf32>,
      %get3A_366 = vector.shape_cast %get3A_365 : vector<1x16xf32> to vector<16xf32>
      %get3A_367 = arith.index_cast %scan3A_126 : i32 to index
      %get3A_368 = arith.constant 272 : index
      %get3A_369 = tpu.vector_load %arg10[%get3A_367, %get3A_368] {strides = array<i32>} : memref<64x768xf32, #tpu.memory_space<vmem>>, vector<1x16xf32>,
      %get3A_370 = vector.shape_cast %get3A_369 : vector<1x16xf32> to vector<16xf32>
      %add3A_371 = arith.addf %get3A_366, %get3A_370 : vector<16xf32>
      %swap3A_372 = arith.index_cast %scan3A_126 : i32 to index
      %swap3A_373 = arith.constant 272 : index
      %swap3A_374 = tpu.vector_load %arg9[%swap3A_372, %swap3A_373] {strides = array<i32>} : memref<64x768xf32, #tpu.memory_space<vmem>>, vector<1x16xf32>,
      %swap3A_375 = vector.shape_cast %swap3A_374 : vector<1x16xf32> to vector<16xf32>
      %swap3A_376 = vector.shape_cast %add3A_371 : vector<16xf32> to vector<1x16xf32>
      tpu.vector_store %arg9[%swap3A_372, %swap3A_373], %swap3A_376 {strides = array<i32>} : memref<64x768xf32, #tpu.memory_space<vmem>>, vector<1x16xf32>,
      %get3A_377 = arith.index_cast %scan3A_126 : i32 to index
      %get3A_378 = arith.constant 288 : index
      %get3A_379 = tpu.vector_load %arg9[%get3A_377, %get3A_378] {strides = array<i32>} : memref<64x768xf32, #tpu.memory_space<vmem>>, vector<1x16xf32>,
      %get3A_380 = vector.shape_cast %get3A_379 : vector<1x16xf32> to vector<16xf32>
      %get3A_381 = arith.index_cast %scan3A_126 : i32 to index
      %get3A_382 = arith.constant 288 : index
      %get3A_383 = tpu.vector_load %arg10[%get3A_381, %get3A_382] {strides = array<i32>} : memref<64x768xf32, #tpu.memory_space<vmem>>, vector<1x16xf32>,
      %get3A_384 = vector.shape_cast %get3A_383 : vector<1x16xf32> to vector<16xf32>
      %add3A_385 = arith.addf %get3A_380, %get3A_384 : vector<16xf32>
      %swap3A_386 = arith.index_cast %scan3A_126 : i32 to index
      %swap3A_387 = arith.constant 288 : index
      %swap3A_388 = tpu.vector_load %arg9[%swap3A_386, %swap3A_387] {strides = array<i32>} : memref<64x768xf32, #tpu.memory_space<vmem>>, vector<1x16xf32>,
      %swap3A_389 = vector.shape_cast %swap3A_388 : vector<1x16xf32> to vector<16xf32>
      %swap3A_390 = vector.shape_cast %add3A_385 : vector<16xf32> to vector<1x16xf32>
      tpu.vector_store %arg9[%swap3A_386, %swap3A_387], %swap3A_390 {strides = array<i32>} : memref<64x768xf32, #tpu.memory_space<vmem>>, vector<1x16xf32>,
      %get3A_391 = arith.index_cast %scan3A_126 : i32 to index
      %get3A_392 = arith.constant 304 : index
      %get3A_393 = tpu.vector_load %arg9[%get3A_391, %get3A_392] {strides = array<i32>} : memref<64x768xf32, #tpu.memory_space<vmem>>, vector<1x16xf32>,
      %get3A_394 = vector.shape_cast %get3A_393 : vector<1x16xf32> to vector<16xf32>
      %get3A_395 = arith.index_cast %scan3A_126 : i32 to index
      %get3A_396 = arith.constant 304 : index
      %get3A_397 = tpu.vector_load %arg10[%get3A_395, %get3A_396] {strides = array<i32>} : memref<64x768xf32, #tpu.memory_space<vmem>>, vector<1x16xf32>,
      %get3A_398 = vector.shape_cast %get3A_397 : vector<1x16xf32> to vector<16xf32>
      %add3A_399 = arith.addf %get3A_394, %get3A_398 : vector<16xf32>
      %swap3A_400 = arith.index_cast %scan3A_126 : i32 to index
      %swap3A_401 = arith.constant 304 : index
      %swap3A_402 = tpu.vector_load %arg9[%swap3A_400, %swap3A_401] {strides = array<i32>} : memref<64x768xf32, #tpu.memory_space<vmem>>, vector<1x16xf32>,
      %swap3A_403 = vector.shape_cast %swap3A_402 : vector<1x16xf32> to vector<16xf32>
      %swap3A_404 = vector.shape_cast %add3A_399 : vector<16xf32> to vector<1x16xf32>
      tpu.vector_store %arg9[%swap3A_400, %swap3A_401], %swap3A_404 {strides = array<i32>} : memref<64x768xf32, #tpu.memory_space<vmem>>, vector<1x16xf32>,
      %get3A_405 = arith.index_cast %scan3A_126 : i32 to index
      %get3A_406 = arith.constant 320 : index
      %get3A_407 = tpu.vector_load %arg9[%get3A_405, %get3A_406] {strides = array<i32>} : memref<64x768xf32, #tpu.memory_space<vmem>>, vector<1x16xf32>,
      %get3A_408 = vector.shape_cast %get3A_407 : vector<1x16xf32> to vector<16xf32>
      %get3A_409 = arith.index_cast %scan3A_126 : i32 to index
      %get3A_410 = arith.constant 320 : index
      %get3A_411 = tpu.vector_load %arg10[%get3A_409, %get3A_410] {strides = array<i32>} : memref<64x768xf32, #tpu.memory_space<vmem>>, vector<1x16xf32>,
      %get3A_412 = vector.shape_cast %get3A_411 : vector<1x16xf32> to vector<16xf32>
      %add3A_413 = arith.addf %get3A_408, %get3A_412 : vector<16xf32>
      %swap3A_414 = arith.index_cast %scan3A_126 : i32 to index
      %swap3A_415 = arith.constant 320 : index
      %swap3A_416 = tpu.vector_load %arg9[%swap3A_414, %swap3A_415] {strides = array<i32>} : memref<64x768xf32, #tpu.memory_space<vmem>>, vector<1x16xf32>,
      %swap3A_417 = vector.shape_cast %swap3A_416 : vector<1x16xf32> to vector<16xf32>
      %swap3A_418 = vector.shape_cast %add3A_413 : vector<16xf32> to vector<1x16xf32>
      tpu.vector_store %arg9[%swap3A_414, %swap3A_415], %swap3A_418 {strides = array<i32>} : memref<64x768xf32, #tpu.memory_space<vmem>>, vector<1x16xf32>,
      %get3A_419 = arith.index_cast %scan3A_126 : i32 to index
      %get3A_420 = arith.constant 336 : index
      %get3A_421 = tpu.vector_load %arg9[%get3A_419, %get3A_420] {strides = array<i32>} : memref<64x768xf32, #tpu.memory_space<vmem>>, vector<1x16xf32>,
      %get3A_422 = vector.shape_cast %get3A_421 : vector<1x16xf32> to vector<16xf32>
      %get3A_423 = arith.index_cast %scan3A_126 : i32 to index
      %get3A_424 = arith.constant 336 : index
      %get3A_425 = tpu.vector_load %arg10[%get3A_423, %get3A_424] {strides = array<i32>} : memref<64x768xf32, #tpu.memory_space<vmem>>, vector<1x16xf32>,
      %get3A_426 = vector.shape_cast %get3A_425 : vector<1x16xf32> to vector<16xf32>
      %add3A_427 = arith.addf %get3A_422, %get3A_426 : vector<16xf32>
      %swap3A_428 = arith.index_cast %scan3A_126 : i32 to index
      %swap3A_429 = arith.constant 336 : index
      %swap3A_430 = tpu.vector_load %arg9[%swap3A_428, %swap3A_429] {strides = array<i32>} : memref<64x768xf32, #tpu.memory_space<vmem>>, vector<1x16xf32>,
      %swap3A_431 = vector.shape_cast %swap3A_430 : vector<1x16xf32> to vector<16xf32>
      %swap3A_432 = vector.shape_cast %add3A_427 : vector<16xf32> to vector<1x16xf32>
      tpu.vector_store %arg9[%swap3A_428, %swap3A_429], %swap3A_432 {strides = array<i32>} : memref<64x768xf32, #tpu.memory_space<vmem>>, vector<1x16xf32>,
      %get3A_433 = arith.index_cast %scan3A_126 : i32 to index
      %get3A_434 = arith.constant 352 : index
      %get3A_435 = tpu.vector_load %arg9[%get3A_433, %get3A_434] {strides = array<i32>} : memref<64x768xf32, #tpu.memory_space<vmem>>, vector<1x16xf32>,
      %get3A_436 = vector.shape_cast %get3A_435 : vector<1x16xf32> to vector<16xf32>
      %get3A_437 = arith.index_cast %scan3A_126 : i32 to index
      %get3A_438 = arith.constant 352 : index
      %get3A_439 = tpu.vector_load %arg10[%get3A_437, %get3A_438] {strides = array<i32>} : memref<64x768xf32, #tpu.memory_space<vmem>>, vector<1x16xf32>,
      %get3A_440 = vector.shape_cast %get3A_439 : vector<1x16xf32> to vector<16xf32>
      %add3A_441 = arith.addf %get3A_436, %get3A_440 : vector<16xf32>
      %swap3A_442 = arith.index_cast %scan3A_126 : i32 to index
      %swap3A_443 = arith.constant 352 : index
      %swap3A_444 = tpu.vector_load %arg9[%swap3A_442, %swap3A_443] {strides = array<i32>} : memref<64x768xf32, #tpu.memory_space<vmem>>, vector<1x16xf32>,
      %swap3A_445 = vector.shape_cast %swap3A_444 : vector<1x16xf32> to vector<16xf32>
      %swap3A_446 = vector.shape_cast %add3A_441 : vector<16xf32> to vector<1x16xf32>
      tpu.vector_store %arg9[%swap3A_442, %swap3A_443], %swap3A_446 {strides = array<i32>} : memref<64x768xf32, #tpu.memory_space<vmem>>, vector<1x16xf32>,
      %get3A_447 = arith.index_cast %scan3A_126 : i32 to index
      %get3A_448 = arith.constant 368 : index
      %get3A_449 = tpu.vector_load %arg9[%get3A_447, %get3A_448] {strides = array<i32>} : memref<64x768xf32, #tpu.memory_space<vmem>>, vector<1x16xf32>,
      %get3A_450 = vector.shape_cast %get3A_449 : vector<1x16xf32> to vector<16xf32>
      %get3A_451 = arith.index_cast %scan3A_126 : i32 to index
      %get3A_452 = arith.constant 368 : index
      %get3A_453 = tpu.vector_load %arg10[%get3A_451, %get3A_452] {strides = array<i32>} : memref<64x768xf32, #tpu.memory_space<vmem>>, vector<1x16xf32>,
      %get3A_454 = vector.shape_cast %get3A_453 : vector<1x16xf32> to vector<16xf32>
      %add3A_455 = arith.addf %get3A_450, %get3A_454 : vector<16xf32>
      %swap3A_456 = arith.index_cast %scan3A_126 : i32 to index
      %swap3A_457 = arith.constant 368 : index
      %swap3A_458 = tpu.vector_load %arg9[%swap3A_456, %swap3A_457] {strides = array<i32>} : memref<64x768xf32, #tpu.memory_space<vmem>>, vector<1x16xf32>,
      %swap3A_459 = vector.shape_cast %swap3A_458 : vector<1x16xf32> to vector<16xf32>
      %swap3A_460 = vector.shape_cast %add3A_455 : vector<16xf32> to vector<1x16xf32>
      tpu.vector_store %arg9[%swap3A_456, %swap3A_457], %swap3A_460 {strides = array<i32>} : memref<64x768xf32, #tpu.memory_space<vmem>>, vector<1x16xf32>,
      %get3A_461 = arith.index_cast %scan3A_126 : i32 to index
      %get3A_462 = arith.constant 384 : index
      %get3A_463 = tpu.vector_load %arg9[%get3A_461, %get3A_462] {strides = array<i32>} : memref<64x768xf32, #tpu.memory_space<vmem>>, vector<1x16xf32>,
      %get3A_464 = vector.shape_cast %get3A_463 : vector<1x16xf32> to vector<16xf32>
      %get3A_465 = arith.index_cast %scan3A_126 : i32 to index
      %get3A_466 = arith.constant 384 : index
      %get3A_467 = tpu.vector_load %arg10[%get3A_465, %get3A_466] {strides = array<i32>} : memref<64x768xf32, #tpu.memory_space<vmem>>, vector<1x16xf32>,
      %get3A_468 = vector.shape_cast %get3A_467 : vector<1x16xf32> to vector<16xf32>
      %add3A_469 = arith.addf %get3A_464, %get3A_468 : vector<16xf32>
      %swap3A_470 = arith.index_cast %scan3A_126 : i32 to index
      %swap3A_471 = arith.constant 384 : index
      %swap3A_472 = tpu.vector_load %arg9[%swap3A_470, %swap3A_471] {strides = array<i32>} : memref<64x768xf32, #tpu.memory_space<vmem>>, vector<1x16xf32>,
      %swap3A_473 = vector.shape_cast %swap3A_472 : vector<1x16xf32> to vector<16xf32>
      %swap3A_474 = vector.shape_cast %add3A_469 : vector<16xf32> to vector<1x16xf32>
      tpu.vector_store %arg9[%swap3A_470, %swap3A_471], %swap3A_474 {strides = array<i32>} : memref<64x768xf32, #tpu.memory_space<vmem>>, vector<1x16xf32>,
      %get3A_475 = arith.index_cast %scan3A_126 : i32 to index
      %get3A_476 = arith.constant 400 : index
      %get3A_477 = tpu.vector_load %arg9[%get3A_475, %get3A_476] {strides = array<i32>} : memref<64x768xf32, #tpu.memory_space<vmem>>, vector<1x16xf32>,
      %get3A_478 = vector.shape_cast %get3A_477 : vector<1x16xf32> to vector<16xf32>
      %get3A_479 = arith.index_cast %scan3A_126 : i32 to index
      %get3A_480 = arith.constant 400 : index
      %get3A_481 = tpu.vector_load %arg10[%get3A_479, %get3A_480] {strides = array<i32>} : memref<64x768xf32, #tpu.memory_space<vmem>>, vector<1x16xf32>,
      %get3A_482 = vector.shape_cast %get3A_481 : vector<1x16xf32> to vector<16xf32>
      %add3A_483 = arith.addf %get3A_478, %get3A_482 : vector<16xf32>
      %swap3A_484 = arith.index_cast %scan3A_126 : i32 to index
      %swap3A_485 = arith.constant 400 : index
      %swap3A_486 = tpu.vector_load %arg9[%swap3A_484, %swap3A_485] {strides = array<i32>} : memref<64x768xf32, #tpu.memory_space<vmem>>, vector<1x16xf32>,
      %swap3A_487 = vector.shape_cast %swap3A_486 : vector<1x16xf32> to vector<16xf32>
      %swap3A_488 = vector.shape_cast %add3A_483 : vector<16xf32> to vector<1x16xf32>
      tpu.vector_store %arg9[%swap3A_484, %swap3A_485], %swap3A_488 {strides = array<i32>} : memref<64x768xf32, #tpu.memory_space<vmem>>, vector<1x16xf32>,
      %get3A_489 = arith.index_cast %scan3A_126 : i32 to index
      %get3A_490 = arith.constant 416 : index
      %get3A_491 = tpu.vector_load %arg9[%get3A_489, %get3A_490] {strides = array<i32>} : memref<64x768xf32, #tpu.memory_space<vmem>>, vector<1x16xf32>,
      %get3A_492 = vector.shape_cast %get3A_491 : vector<1x16xf32> to vector<16xf32>
      %get3A_493 = arith.index_cast %scan3A_126 : i32 to index
      %get3A_494 = arith.constant 416 : index
      %get3A_495 = tpu.vector_load %arg10[%get3A_493, %get3A_494] {strides = array<i32>} : memref<64x768xf32, #tpu.memory_space<vmem>>, vector<1x16xf32>,
      %get3A_496 = vector.shape_cast %get3A_495 : vector<1x16xf32> to vector<16xf32>
      %add3A_497 = arith.addf %get3A_492, %get3A_496 : vector<16xf32>
      %swap3A_498 = arith.index_cast %scan3A_126 : i32 to index
      %swap3A_499 = arith.constant 416 : index
      %swap3A_500 = tpu.vector_load %arg9[%swap3A_498, %swap3A_499] {strides = array<i32>} : memref<64x768xf32, #tpu.memory_space<vmem>>, vector<1x16xf32>,
      %swap3A_501 = vector.shape_cast %swap3A_500 : vector<1x16xf32> to vector<16xf32>
      %swap3A_502 = vector.shape_cast %add3A_497 : vector<16xf32> to vector<1x16xf32>
      tpu.vector_store %arg9[%swap3A_498, %swap3A_499], %swap3A_502 {strides = array<i32>} : memref<64x768xf32, #tpu.memory_space<vmem>>, vector<1x16xf32>,
      %get3A_503 = arith.index_cast %scan3A_126 : i32 to index
      %get3A_504 = arith.constant 432 : index
      %get3A_505 = tpu.vector_load %arg9[%get3A_503, %get3A_504] {strides = array<i32>} : memref<64x768xf32, #tpu.memory_space<vmem>>, vector<1x16xf32>,
      %get3A_506 = vector.shape_cast %get3A_505 : vector<1x16xf32> to vector<16xf32>
      %get3A_507 = arith.index_cast %scan3A_126 : i32 to index
      %get3A_508 = arith.constant 432 : index
      %get3A_509 = tpu.vector_load %arg10[%get3A_507, %get3A_508] {strides = array<i32>} : memref<64x768xf32, #tpu.memory_space<vmem>>, vector<1x16xf32>,
      %get3A_510 = vector.shape_cast %get3A_509 : vector<1x16xf32> to vector<16xf32>
      %add3A_511 = arith.addf %get3A_506, %get3A_510 : vector<16xf32>
      %swap3A_512 = arith.index_cast %scan3A_126 : i32 to index
      %swap3A_513 = arith.constant 432 : index
      %swap3A_514 = tpu.vector_load %arg9[%swap3A_512, %swap3A_513] {strides = array<i32>} : memref<64x768xf32, #tpu.memory_space<vmem>>, vector<1x16xf32>,
      %swap3A_515 = vector.shape_cast %swap3A_514 : vector<1x16xf32> to vector<16xf32>
      %swap3A_516 = vector.shape_cast %add3A_511 : vector<16xf32> to vector<1x16xf32>
      tpu.vector_store %arg9[%swap3A_512, %swap3A_513], %swap3A_516 {strides = array<i32>} : memref<64x768xf32, #tpu.memory_space<vmem>>, vector<1x16xf32>,
      %get3A_517 = arith.index_cast %scan3A_126 : i32 to index
      %get3A_518 = arith.constant 448 : index
      %get3A_519 = tpu.vector_load %arg9[%get3A_517, %get3A_518] {strides = array<i32>} : memref<64x768xf32, #tpu.memory_space<vmem>>, vector<1x16xf32>,
      %get3A_520 = vector.shape_cast %get3A_519 : vector<1x16xf32> to vector<16xf32>
      %get3A_521 = arith.index_cast %scan3A_126 : i32 to index
      %get3A_522 = arith.constant 448 : index
      %get3A_523 = tpu.vector_load %arg10[%get3A_521, %get3A_522] {strides = array<i32>} : memref<64x768xf32, #tpu.memory_space<vmem>>, vector<1x16xf32>,
      %get3A_524 = vector.shape_cast %get3A_523 : vector<1x16xf32> to vector<16xf32>
      %add3A_525 = arith.addf %get3A_520, %get3A_524 : vector<16xf32>
      %swap3A_526 = arith.index_cast %scan3A_126 : i32 to index
      %swap3A_527 = arith.constant 448 : index
      %swap3A_528 = tpu.vector_load %arg9[%swap3A_526, %swap3A_527] {strides = array<i32>} : memref<64x768xf32, #tpu.memory_space<vmem>>, vector<1x16xf32>,
      %swap3A_529 = vector.shape_cast %swap3A_528 : vector<1x16xf32> to vector<16xf32>
      %swap3A_530 = vector.shape_cast %add3A_525 : vector<16xf32> to vector<1x16xf32>
      tpu.vector_store %arg9[%swap3A_526, %swap3A_527], %swap3A_530 {strides = array<i32>} : memref<64x768xf32, #tpu.memory_space<vmem>>, vector<1x16xf32>,
      %get3A_531 = arith.index_cast %scan3A_126 : i32 to index
      %get3A_532 = arith.constant 464 : index
      %get3A_533 = tpu.vector_load %arg9[%get3A_531, %get3A_532] {strides = array<i32>} : memref<64x768xf32, #tpu.memory_space<vmem>>, vector<1x16xf32>,
      %get3A_534 = vector.shape_cast %get3A_533 : vector<1x16xf32> to vector<16xf32>
      %get3A_535 = arith.index_cast %scan3A_126 : i32 to index
      %get3A_536 = arith.constant 464 : index
      %get3A_537 = tpu.vector_load %arg10[%get3A_535, %get3A_536] {strides = array<i32>} : memref<64x768xf32, #tpu.memory_space<vmem>>, vector<1x16xf32>,
      %get3A_538 = vector.shape_cast %get3A_537 : vector<1x16xf32> to vector<16xf32>
      %add3A_539 = arith.addf %get3A_534, %get3A_538 : vector<16xf32>
      %swap3A_540 = arith.index_cast %scan3A_126 : i32 to index
      %swap3A_541 = arith.constant 464 : index
      %swap3A_542 = tpu.vector_load %arg9[%swap3A_540, %swap3A_541] {strides = array<i32>} : memref<64x768xf32, #tpu.memory_space<vmem>>, vector<1x16xf32>,
      %swap3A_543 = vector.shape_cast %swap3A_542 : vector<1x16xf32> to vector<16xf32>
      %swap3A_544 = vector.shape_cast %add3A_539 : vector<16xf32> to vector<1x16xf32>
      tpu.vector_store %arg9[%swap3A_540, %swap3A_541], %swap3A_544 {strides = array<i32>} : memref<64x768xf32, #tpu.memory_space<vmem>>, vector<1x16xf32>,
      %get3A_545 = arith.index_cast %scan3A_126 : i32 to index
      %get3A_546 = arith.constant 480 : index
      %get3A_547 = tpu.vector_load %arg9[%get3A_545, %get3A_546] {strides = array<i32>} : memref<64x768xf32, #tpu.memory_space<vmem>>, vector<1x16xf32>,
      %get3A_548 = vector.shape_cast %get3A_547 : vector<1x16xf32> to vector<16xf32>
      %get3A_549 = arith.index_cast %scan3A_126 : i32 to index
      %get3A_550 = arith.constant 480 : index
      %get3A_551 = tpu.vector_load %arg10[%get3A_549, %get3A_550] {strides = array<i32>} : memref<64x768xf32, #tpu.memory_space<vmem>>, vector<1x16xf32>,
      %get3A_552 = vector.shape_cast %get3A_551 : vector<1x16xf32> to vector<16xf32>
      %add3A_553 = arith.addf %get3A_548, %get3A_552 : vector<16xf32>
      %swap3A_554 = arith.index_cast %scan3A_126 : i32 to index
      %swap3A_555 = arith.constant 480 : index
      %swap3A_556 = tpu.vector_load %arg9[%swap3A_554, %swap3A_555] {strides = array<i32>} : memref<64x768xf32, #tpu.memory_space<vmem>>, vector<1x16xf32>,
      %swap3A_557 = vector.shape_cast %swap3A_556 : vector<1x16xf32> to vector<16xf32>
      %swap3A_558 = vector.shape_cast %add3A_553 : vector<16xf32> to vector<1x16xf32>
      tpu.vector_store %arg9[%swap3A_554, %swap3A_555], %swap3A_558 {strides = array<i32>} : memref<64x768xf32, #tpu.memory_space<vmem>>, vector<1x16xf32>,
      %get3A_559 = arith.index_cast %scan3A_126 : i32 to index
      %get3A_560 = arith.constant 496 : index
      %get3A_561 = tpu.vector_load %arg9[%get3A_559, %get3A_560] {strides = array<i32>} : memref<64x768xf32, #tpu.memory_space<vmem>>, vector<1x16xf32>,
      %get3A_562 = vector.shape_cast %get3A_561 : vector<1x16xf32> to vector<16xf32>
      %get3A_563 = arith.index_cast %scan3A_126 : i32 to index
      %get3A_564 = arith.constant 496 : index
      %get3A_565 = tpu.vector_load %arg10[%get3A_563, %get3A_564] {strides = array<i32>} : memref<64x768xf32, #tpu.memory_space<vmem>>, vector<1x16xf32>,
      %get3A_566 = vector.shape_cast %get3A_565 : vector<1x16xf32> to vector<16xf32>
      %add3A_567 = arith.addf %get3A_562, %get3A_566 : vector<16xf32>
      %swap3A_568 = arith.index_cast %scan3A_126 : i32 to index
      %swap3A_569 = arith.constant 496 : index
      %swap3A_570 = tpu.vector_load %arg9[%swap3A_568, %swap3A_569] {strides = array<i32>} : memref<64x768xf32, #tpu.memory_space<vmem>>, vector<1x16xf32>,
      %swap3A_571 = vector.shape_cast %swap3A_570 : vector<1x16xf32> to vector<16xf32>
      %swap3A_572 = vector.shape_cast %add3A_567 : vector<16xf32> to vector<1x16xf32>
      tpu.vector_store %arg9[%swap3A_568, %swap3A_569], %swap3A_572 {strides = array<i32>} : memref<64x768xf32, #tpu.memory_space<vmem>>, vector<1x16xf32>,
      %get3A_573 = arith.index_cast %scan3A_126 : i32 to index
      %get3A_574 = arith.constant 512 : index
      %get3A_575 = tpu.vector_load %arg9[%get3A_573, %get3A_574] {strides = array<i32>} : memref<64x768xf32, #tpu.memory_space<vmem>>, vector<1x16xf32>,
      %get3A_576 = vector.shape_cast %get3A_575 : vector<1x16xf32> to vector<16xf32>
      %get3A_577 = arith.index_cast %scan3A_126 : i32 to index
      %get3A_578 = arith.constant 512 : index
      %get3A_579 = tpu.vector_load %arg10[%get3A_577, %get3A_578] {strides = array<i32>} : memref<64x768xf32, #tpu.memory_space<vmem>>, vector<1x16xf32>,
      %get3A_580 = vector.shape_cast %get3A_579 : vector<1x16xf32> to vector<16xf32>
      %add3A_581 = arith.addf %get3A_576, %get3A_580 : vector<16xf32>
      %swap3A_582 = arith.index_cast %scan3A_126 : i32 to index
      %swap3A_583 = arith.constant 512 : index
      %swap3A_584 = tpu.vector_load %arg9[%swap3A_582, %swap3A_583] {strides = array<i32>} : memref<64x768xf32, #tpu.memory_space<vmem>>, vector<1x16xf32>,
      %swap3A_585 = vector.shape_cast %swap3A_584 : vector<1x16xf32> to vector<16xf32>
      %swap3A_586 = vector.shape_cast %add3A_581 : vector<16xf32> to vector<1x16xf32>
      tpu.vector_store %arg9[%swap3A_582, %swap3A_583], %swap3A_586 {strides = array<i32>} : memref<64x768xf32, #tpu.memory_space<vmem>>, vector<1x16xf32>,
      %get3A_587 = arith.index_cast %scan3A_126 : i32 to index
      %get3A_588 = arith.constant 528 : index
      %get3A_589 = tpu.vector_load %arg9[%get3A_587, %get3A_588] {strides = array<i32>} : memref<64x768xf32, #tpu.memory_space<vmem>>, vector<1x16xf32>,
      %get3A_590 = vector.shape_cast %get3A_589 : vector<1x16xf32> to vector<16xf32>
      %get3A_591 = arith.index_cast %scan3A_126 : i32 to index
      %get3A_592 = arith.constant 528 : index
      %get3A_593 = tpu.vector_load %arg10[%get3A_591, %get3A_592] {strides = array<i32>} : memref<64x768xf32, #tpu.memory_space<vmem>>, vector<1x16xf32>,
      %get3A_594 = vector.shape_cast %get3A_593 : vector<1x16xf32> to vector<16xf32>
      %add3A_595 = arith.addf %get3A_590, %get3A_594 : vector<16xf32>
      %swap3A_596 = arith.index_cast %scan3A_126 : i32 to index
      %swap3A_597 = arith.constant 528 : index
      %swap3A_598 = tpu.vector_load %arg9[%swap3A_596, %swap3A_597] {strides = array<i32>} : memref<64x768xf32, #tpu.memory_space<vmem>>, vector<1x16xf32>,
      %swap3A_599 = vector.shape_cast %swap3A_598 : vector<1x16xf32> to vector<16xf32>
      %swap3A_600 = vector.shape_cast %add3A_595 : vector<16xf32> to vector<1x16xf32>
      tpu.vector_store %arg9[%swap3A_596, %swap3A_597], %swap3A_600 {strides = array<i32>} : memref<64x768xf32, #tpu.memory_space<vmem>>, vector<1x16xf32>,
      %get3A_601 = arith.index_cast %scan3A_126 : i32 to index
      %get3A_602 = arith.constant 544 : index
      %get3A_603 = tpu.vector_load %arg9[%get3A_601, %get3A_602] {strides = array<i32>} : memref<64x768xf32, #tpu.memory_space<vmem>>, vector<1x16xf32>,
      %get3A_604 = vector.shape_cast %get3A_603 : vector<1x16xf32> to vector<16xf32>
      %get3A_605 = arith.index_cast %scan3A_126 : i32 to index
      %get3A_606 = arith.constant 544 : index
      %get3A_607 = tpu.vector_load %arg10[%get3A_605, %get3A_606] {strides = array<i32>} : memref<64x768xf32, #tpu.memory_space<vmem>>, vector<1x16xf32>,
      %get3A_608 = vector.shape_cast %get3A_607 : vector<1x16xf32> to vector<16xf32>
      %add3A_609 = arith.addf %get3A_604, %get3A_608 : vector<16xf32>
      %swap3A_610 = arith.index_cast %scan3A_126 : i32 to index
      %swap3A_611 = arith.constant 544 : index
      %swap3A_612 = tpu.vector_load %arg9[%swap3A_610, %swap3A_611] {strides = array<i32>} : memref<64x768xf32, #tpu.memory_space<vmem>>, vector<1x16xf32>,
      %swap3A_613 = vector.shape_cast %swap3A_612 : vector<1x16xf32> to vector<16xf32>
      %swap3A_614 = vector.shape_cast %add3A_609 : vector<16xf32> to vector<1x16xf32>
      tpu.vector_store %arg9[%swap3A_610, %swap3A_611], %swap3A_614 {strides = array<i32>} : memref<64x768xf32, #tpu.memory_space<vmem>>, vector<1x16xf32>,
      %get3A_615 = arith.index_cast %scan3A_126 : i32 to index
      %get3A_616 = arith.constant 560 : index
      %get3A_617 = tpu.vector_load %arg9[%get3A_615, %get3A_616] {strides = array<i32>} : memref<64x768xf32, #tpu.memory_space<vmem>>, vector<1x16xf32>,
      %get3A_618 = vector.shape_cast %get3A_617 : vector<1x16xf32> to vector<16xf32>
      %get3A_619 = arith.index_cast %scan3A_126 : i32 to index
      %get3A_620 = arith.constant 560 : index
      %get3A_621 = tpu.vector_load %arg10[%get3A_619, %get3A_620] {strides = array<i32>} : memref<64x768xf32, #tpu.memory_space<vmem>>, vector<1x16xf32>,
      %get3A_622 = vector.shape_cast %get3A_621 : vector<1x16xf32> to vector<16xf32>
      %add3A_623 = arith.addf %get3A_618, %get3A_622 : vector<16xf32>
      %swap3A_624 = arith.index_cast %scan3A_126 : i32 to index
      %swap3A_625 = arith.constant 560 : index
      %swap3A_626 = tpu.vector_load %arg9[%swap3A_624, %swap3A_625] {strides = array<i32>} : memref<64x768xf32, #tpu.memory_space<vmem>>, vector<1x16xf32>,
      %swap3A_627 = vector.shape_cast %swap3A_626 : vector<1x16xf32> to vector<16xf32>
      %swap3A_628 = vector.shape_cast %add3A_623 : vector<16xf32> to vector<1x16xf32>
      tpu.vector_store %arg9[%swap3A_624, %swap3A_625], %swap3A_628 {strides = array<i32>} : memref<64x768xf32, #tpu.memory_space<vmem>>, vector<1x16xf32>,
      %get3A_629 = arith.index_cast %scan3A_126 : i32 to index
      %get3A_630 = arith.constant 576 : index
      %get3A_631 = tpu.vector_load %arg9[%get3A_629, %get3A_630] {strides = array<i32>} : memref<64x768xf32, #tpu.memory_space<vmem>>, vector<1x16xf32>,
      %get3A_632 = vector.shape_cast %get3A_631 : vector<1x16xf32> to vector<16xf32>
      %get3A_633 = arith.index_cast %scan3A_126 : i32 to index
      %get3A_634 = arith.constant 576 : index
      %get3A_635 = tpu.vector_load %arg10[%get3A_633, %get3A_634] {strides = array<i32>} : memref<64x768xf32, #tpu.memory_space<vmem>>, vector<1x16xf32>,
      %get3A_636 = vector.shape_cast %get3A_635 : vector<1x16xf32> to vector<16xf32>
      %add3A_637 = arith.addf %get3A_632, %get3A_636 : vector<16xf32>
      %swap3A_638 = arith.index_cast %scan3A_126 : i32 to index
      %swap3A_639 = arith.constant 576 : index
      %swap3A_640 = tpu.vector_load %arg9[%swap3A_638, %swap3A_639] {strides = array<i32>} : memref<64x768xf32, #tpu.memory_space<vmem>>, vector<1x16xf32>,
      %swap3A_641 = vector.shape_cast %swap3A_640 : vector<1x16xf32> to vector<16xf32>
      %swap3A_642 = vector.shape_cast %add3A_637 : vector<16xf32> to vector<1x16xf32>
      tpu.vector_store %arg9[%swap3A_638, %swap3A_639], %swap3A_642 {strides = array<i32>} : memref<64x768xf32, #tpu.memory_space<vmem>>, vector<1x16xf32>,
      %get3A_643 = arith.index_cast %scan3A_126 : i32 to index
      %get3A_644 = arith.constant 592 : index
      %get3A_645 = tpu.vector_load %arg9[%get3A_643, %get3A_644] {strides = array<i32>} : memref<64x768xf32, #tpu.memory_space<vmem>>, vector<1x16xf32>,
      %get3A_646 = vector.shape_cast %get3A_645 : vector<1x16xf32> to vector<16xf32>
      %get3A_647 = arith.index_cast %scan3A_126 : i32 to index
      %get3A_648 = arith.constant 592 : index
      %get3A_649 = tpu.vector_load %arg10[%get3A_647, %get3A_648] {strides = array<i32>} : memref<64x768xf32, #tpu.memory_space<vmem>>, vector<1x16xf32>,
      %get3A_650 = vector.shape_cast %get3A_649 : vector<1x16xf32> to vector<16xf32>
      %add3A_651 = arith.addf %get3A_646, %get3A_650 : vector<16xf32>
      %swap3A_652 = arith.index_cast %scan3A_126 : i32 to index
      %swap3A_653 = arith.constant 592 : index
      %swap3A_654 = tpu.vector_load %arg9[%swap3A_652, %swap3A_653] {strides = array<i32>} : memref<64x768xf32, #tpu.memory_space<vmem>>, vector<1x16xf32>,
      %swap3A_655 = vector.shape_cast %swap3A_654 : vector<1x16xf32> to vector<16xf32>
      %swap3A_656 = vector.shape_cast %add3A_651 : vector<16xf32> to vector<1x16xf32>
      tpu.vector_store %arg9[%swap3A_652, %swap3A_653], %swap3A_656 {strides = array<i32>} : memref<64x768xf32, #tpu.memory_space<vmem>>, vector<1x16xf32>,
      %get3A_657 = arith.index_cast %scan3A_126 : i32 to index
      %get3A_658 = arith.constant 608 : index
      %get3A_659 = tpu.vector_load %arg9[%get3A_657, %get3A_658] {strides = array<i32>} : memref<64x768xf32, #tpu.memory_space<vmem>>, vector<1x16xf32>,
      %get3A_660 = vector.shape_cast %get3A_659 : vector<1x16xf32> to vector<16xf32>
      %get3A_661 = arith.index_cast %scan3A_126 : i32 to index
      %get3A_662 = arith.constant 608 : index
      %get3A_663 = tpu.vector_load %arg10[%get3A_661, %get3A_662] {strides = array<i32>} : memref<64x768xf32, #tpu.memory_space<vmem>>, vector<1x16xf32>,
      %get3A_664 = vector.shape_cast %get3A_663 : vector<1x16xf32> to vector<16xf32>
      %add3A_665 = arith.addf %get3A_660, %get3A_664 : vector<16xf32>
      %swap3A_666 = arith.index_cast %scan3A_126 : i32 to index
      %swap3A_667 = arith.constant 608 : index
      %swap3A_668 = tpu.vector_load %arg9[%swap3A_666, %swap3A_667] {strides = array<i32>} : memref<64x768xf32, #tpu.memory_space<vmem>>, vector<1x16xf32>,
      %swap3A_669 = vector.shape_cast %swap3A_668 : vector<1x16xf32> to vector<16xf32>
      %swap3A_670 = vector.shape_cast %add3A_665 : vector<16xf32> to vector<1x16xf32>
      tpu.vector_store %arg9[%swap3A_666, %swap3A_667], %swap3A_670 {strides = array<i32>} : memref<64x768xf32, #tpu.memory_space<vmem>>, vector<1x16xf32>,
      %get3A_671 = arith.index_cast %scan3A_126 : i32 to index
      %get3A_672 = arith.constant 624 : index
      %get3A_673 = tpu.vector_load %arg9[%get3A_671, %get3A_672] {strides = array<i32>} : memref<64x768xf32, #tpu.memory_space<vmem>>, vector<1x16xf32>,
      %get3A_674 = vector.shape_cast %get3A_673 : vector<1x16xf32> to vector<16xf32>
      %get3A_675 = arith.index_cast %scan3A_126 : i32 to index
      %get3A_676 = arith.constant 624 : index
      %get3A_677 = tpu.vector_load %arg10[%get3A_675, %get3A_676] {strides = array<i32>} : memref<64x768xf32, #tpu.memory_space<vmem>>, vector<1x16xf32>,
      %get3A_678 = vector.shape_cast %get3A_677 : vector<1x16xf32> to vector<16xf32>
      %add3A_679 = arith.addf %get3A_674, %get3A_678 : vector<16xf32>
      %swap3A_680 = arith.index_cast %scan3A_126 : i32 to index
      %swap3A_681 = arith.constant 624 : index
      %swap3A_682 = tpu.vector_load %arg9[%swap3A_680, %swap3A_681] {strides = array<i32>} : memref<64x768xf32, #tpu.memory_space<vmem>>, vector<1x16xf32>,
      %swap3A_683 = vector.shape_cast %swap3A_682 : vector<1x16xf32> to vector<16xf32>
      %swap3A_684 = vector.shape_cast %add3A_679 : vector<16xf32> to vector<1x16xf32>
      tpu.vector_store %arg9[%swap3A_680, %swap3A_681], %swap3A_684 {strides = array<i32>} : memref<64x768xf32, #tpu.memory_space<vmem>>, vector<1x16xf32>,
      %get3A_685 = arith.index_cast %scan3A_126 : i32 to index
      %get3A_686 = arith.constant 640 : index
      %get3A_687 = tpu.vector_load %arg9[%get3A_685, %get3A_686] {strides = array<i32>} : memref<64x768xf32, #tpu.memory_space<vmem>>, vector<1x16xf32>,
      %get3A_688 = vector.shape_cast %get3A_687 : vector<1x16xf32> to vector<16xf32>
      %get3A_689 = arith.index_cast %scan3A_126 : i32 to index
      %get3A_690 = arith.constant 640 : index
      %get3A_691 = tpu.vector_load %arg10[%get3A_689, %get3A_690] {strides = array<i32>} : memref<64x768xf32, #tpu.memory_space<vmem>>, vector<1x16xf32>,
      %get3A_692 = vector.shape_cast %get3A_691 : vector<1x16xf32> to vector<16xf32>
      %add3A_693 = arith.addf %get3A_688, %get3A_692 : vector<16xf32>
      %swap3A_694 = arith.index_cast %scan3A_126 : i32 to index
      %swap3A_695 = arith.constant 640 : index
      %swap3A_696 = tpu.vector_load %arg9[%swap3A_694, %swap3A_695] {strides = array<i32>} : memref<64x768xf32, #tpu.memory_space<vmem>>, vector<1x16xf32>,
      %swap3A_697 = vector.shape_cast %swap3A_696 : vector<1x16xf32> to vector<16xf32>
      %swap3A_698 = vector.shape_cast %add3A_693 : vector<16xf32> to vector<1x16xf32>
      tpu.vector_store %arg9[%swap3A_694, %swap3A_695], %swap3A_698 {strides = array<i32>} : memref<64x768xf32, #tpu.memory_space<vmem>>, vector<1x16xf32>,
      %get3A_699 = arith.index_cast %scan3A_126 : i32 to index
      %get3A_700 = arith.constant 656 : index
      %get3A_701 = tpu.vector_load %arg9[%get3A_699, %get3A_700] {strides = array<i32>} : memref<64x768xf32, #tpu.memory_space<vmem>>, vector<1x16xf32>,
      %get3A_702 = vector.shape_cast %get3A_701 : vector<1x16xf32> to vector<16xf32>
      %get3A_703 = arith.index_cast %scan3A_126 : i32 to index
      %get3A_704 = arith.constant 656 : index
      %get3A_705 = tpu.vector_load %arg10[%get3A_703, %get3A_704] {strides = array<i32>} : memref<64x768xf32, #tpu.memory_space<vmem>>, vector<1x16xf32>,
      %get3A_706 = vector.shape_cast %get3A_705 : vector<1x16xf32> to vector<16xf32>
      %add3A_707 = arith.addf %get3A_702, %get3A_706 : vector<16xf32>
      %swap3A_708 = arith.index_cast %scan3A_126 : i32 to index
      %swap3A_709 = arith.constant 656 : index
      %swap3A_710 = tpu.vector_load %arg9[%swap3A_708, %swap3A_709] {strides = array<i32>} : memref<64x768xf32, #tpu.memory_space<vmem>>, vector<1x16xf32>,
      %swap3A_711 = vector.shape_cast %swap3A_710 : vector<1x16xf32> to vector<16xf32>
      %swap3A_712 = vector.shape_cast %add3A_707 : vector<16xf32> to vector<1x16xf32>
      tpu.vector_store %arg9[%swap3A_708, %swap3A_709], %swap3A_712 {strides = array<i32>} : memref<64x768xf32, #tpu.memory_space<vmem>>, vector<1x16xf32>,
      %get3A_713 = arith.index_cast %scan3A_126 : i32 to index
      %get3A_714 = arith.constant 672 : index
      %get3A_715 = tpu.vector_load %arg9[%get3A_713, %get3A_714] {strides = array<i32>} : memref<64x768xf32, #tpu.memory_space<vmem>>, vector<1x16xf32>,
      %get3A_716 = vector.shape_cast %get3A_715 : vector<1x16xf32> to vector<16xf32>
      %get3A_717 = arith.index_cast %scan3A_126 : i32 to index
      %get3A_718 = arith.constant 672 : index
      %get3A_719 = tpu.vector_load %arg10[%get3A_717, %get3A_718] {strides = array<i32>} : memref<64x768xf32, #tpu.memory_space<vmem>>, vector<1x16xf32>,
      %get3A_720 = vector.shape_cast %get3A_719 : vector<1x16xf32> to vector<16xf32>
      %add3A_721 = arith.addf %get3A_716, %get3A_720 : vector<16xf32>
      %swap3A_722 = arith.index_cast %scan3A_126 : i32 to index
      %swap3A_723 = arith.constant 672 : index
      %swap3A_724 = tpu.vector_load %arg9[%swap3A_722, %swap3A_723] {strides = array<i32>} : memref<64x768xf32, #tpu.memory_space<vmem>>, vector<1x16xf32>,
      %swap3A_725 = vector.shape_cast %swap3A_724 : vector<1x16xf32> to vector<16xf32>
      %swap3A_726 = vector.shape_cast %add3A_721 : vector<16xf32> to vector<1x16xf32>
      tpu.vector_store %arg9[%swap3A_722, %swap3A_723], %swap3A_726 {strides = array<i32>} : memref<64x768xf32, #tpu.memory_space<vmem>>, vector<1x16xf32>,
      %get3A_727 = arith.index_cast %scan3A_126 : i32 to index
      %get3A_728 = arith.constant 688 : index
      %get3A_729 = tpu.vector_load %arg9[%get3A_727, %get3A_728] {strides = array<i32>} : memref<64x768xf32, #tpu.memory_space<vmem>>, vector<1x16xf32>,
      %get3A_730 = vector.shape_cast %get3A_729 : vector<1x16xf32> to vector<16xf32>
      %get3A_731 = arith.index_cast %scan3A_126 : i32 to index
      %get3A_732 = arith.constant 688 : index
      %get3A_733 = tpu.vector_load %arg10[%get3A_731, %get3A_732] {strides = array<i32>} : memref<64x768xf32, #tpu.memory_space<vmem>>, vector<1x16xf32>,
      %get3A_734 = vector.shape_cast %get3A_733 : vector<1x16xf32> to vector<16xf32>
      %add3A_735 = arith.addf %get3A_730, %get3A_734 : vector<16xf32>
      %swap3A_736 = arith.index_cast %scan3A_126 : i32 to index
      %swap3A_737 = arith.constant 688 : index
      %swap3A_738 = tpu.vector_load %arg9[%swap3A_736, %swap3A_737] {strides = array<i32>} : memref<64x768xf32, #tpu.memory_space<vmem>>, vector<1x16xf32>,
      %swap3A_739 = vector.shape_cast %swap3A_738 : vector<1x16xf32> to vector<16xf32>
      %swap3A_740 = vector.shape_cast %add3A_735 : vector<16xf32> to vector<1x16xf32>
      tpu.vector_store %arg9[%swap3A_736, %swap3A_737], %swap3A_740 {strides = array<i32>} : memref<64x768xf32, #tpu.memory_space<vmem>>, vector<1x16xf32>,
      %get3A_741 = arith.index_cast %scan3A_126 : i32 to index
      %get3A_742 = arith.constant 704 : index
      %get3A_743 = tpu.vector_load %arg9[%get3A_741, %get3A_742] {strides = array<i32>} : memref<64x768xf32, #tpu.memory_space<vmem>>, vector<1x16xf32>,
      %get3A_744 = vector.shape_cast %get3A_743 : vector<1x16xf32> to vector<16xf32>
      %get3A_745 = arith.index_cast %scan3A_126 : i32 to index
      %get3A_746 = arith.constant 704 : index
      %get3A_747 = tpu.vector_load %arg10[%get3A_745, %get3A_746] {strides = array<i32>} : memref<64x768xf32, #tpu.memory_space<vmem>>, vector<1x16xf32>,
      %get3A_748 = vector.shape_cast %get3A_747 : vector<1x16xf32> to vector<16xf32>
      %add3A_749 = arith.addf %get3A_744, %get3A_748 : vector<16xf32>
      %swap3A_750 = arith.index_cast %scan3A_126 : i32 to index
      %swap3A_751 = arith.constant 704 : index
      %swap3A_752 = tpu.vector_load %arg9[%swap3A_750, %swap3A_751] {strides = array<i32>} : memref<64x768xf32, #tpu.memory_space<vmem>>, vector<1x16xf32>,
      %swap3A_753 = vector.shape_cast %swap3A_752 : vector<1x16xf32> to vector<16xf32>
      %swap3A_754 = vector.shape_cast %add3A_749 : vector<16xf32> to vector<1x16xf32>
      tpu.vector_store %arg9[%swap3A_750, %swap3A_751], %swap3A_754 {strides = array<i32>} : memref<64x768xf32, #tpu.memory_space<vmem>>, vector<1x16xf32>,
      %get3A_755 = arith.index_cast %scan3A_126 : i32 to index
      %get3A_756 = arith.constant 720 : index
      %get3A_757 = tpu.vector_load %arg9[%get3A_755, %get3A_756] {strides = array<i32>} : memref<64x768xf32, #tpu.memory_space<vmem>>, vector<1x16xf32>,
      %get3A_758 = vector.shape_cast %get3A_757 : vector<1x16xf32> to vector<16xf32>
      %get3A_759 = arith.index_cast %scan3A_126 : i32 to index
      %get3A_760 = arith.constant 720 : index
      %get3A_761 = tpu.vector_load %arg10[%get3A_759, %get3A_760] {strides = array<i32>} : memref<64x768xf32, #tpu.memory_space<vmem>>, vector<1x16xf32>,
      %get3A_762 = vector.shape_cast %get3A_761 : vector<1x16xf32> to vector<16xf32>
      %add3A_763 = arith.addf %get3A_758, %get3A_762 : vector<16xf32>
      %swap3A_764 = arith.index_cast %scan3A_126 : i32 to index
      %swap3A_765 = arith.constant 720 : index
      %swap3A_766 = tpu.vector_load %arg9[%swap3A_764, %swap3A_765] {strides = array<i32>} : memref<64x768xf32, #tpu.memory_space<vmem>>, vector<1x16xf32>,
      %swap3A_767 = vector.shape_cast %swap3A_766 : vector<1x16xf32> to vector<16xf32>
      %swap3A_768 = vector.shape_cast %add3A_763 : vector<16xf32> to vector<1x16xf32>
      tpu.vector_store %arg9[%swap3A_764, %swap3A_765], %swap3A_768 {strides = array<i32>} : memref<64x768xf32, #tpu.memory_space<vmem>>, vector<1x16xf32>,
      %get3A_769 = arith.index_cast %scan3A_126 : i32 to index
      %get3A_770 = arith.constant 736 : index
      %get3A_771 = tpu.vector_load %arg9[%get3A_769, %get3A_770] {strides = array<i32>} : memref<64x768xf32, #tpu.memory_space<vmem>>, vector<1x16xf32>,
      %get3A_772 = vector.shape_cast %get3A_771 : vector<1x16xf32> to vector<16xf32>
      %get3A_773 = arith.index_cast %scan3A_126 : i32 to index
      %get3A_774 = arith.constant 736 : index
      %get3A_775 = tpu.vector_load %arg10[%get3A_773, %get3A_774] {strides = array<i32>} : memref<64x768xf32, #tpu.memory_space<vmem>>, vector<1x16xf32>,
      %get3A_776 = vector.shape_cast %get3A_775 : vector<1x16xf32> to vector<16xf32>
      %add3A_777 = arith.addf %get3A_772, %get3A_776 : vector<16xf32>
      %swap3A_778 = arith.index_cast %scan3A_126 : i32 to index
      %swap3A_779 = arith.constant 736 : index
      %swap3A_780 = tpu.vector_load %arg9[%swap3A_778, %swap3A_779] {strides = array<i32>} : memref<64x768xf32, #tpu.memory_space<vmem>>, vector<1x16xf32>,
      %swap3A_781 = vector.shape_cast %swap3A_780 : vector<1x16xf32> to vector<16xf32>
      %swap3A_782 = vector.shape_cast %add3A_777 : vector<16xf32> to vector<1x16xf32>
      tpu.vector_store %arg9[%swap3A_778, %swap3A_779], %swap3A_782 {strides = array<i32>} : memref<64x768xf32, #tpu.memory_space<vmem>>, vector<1x16xf32>,
      %get3A_783 = arith.index_cast %scan3A_126 : i32 to index
      %get3A_784 = arith.constant 752 : index
      %get3A_785 = tpu.vector_load %arg9[%get3A_783, %get3A_784] {strides = array<i32>} : memref<64x768xf32, #tpu.memory_space<vmem>>, vector<1x16xf32>,
      %get3A_786 = vector.shape_cast %get3A_785 : vector<1x16xf32> to vector<16xf32>
      %get3A_787 = arith.index_cast %scan3A_126 : i32 to index
      %get3A_788 = arith.constant 752 : index
      %get3A_789 = tpu.vector_load %arg10[%get3A_787, %get3A_788] {strides = array<i32>} : memref<64x768xf32, #tpu.memory_space<vmem>>, vector<1x16xf32>,
      %get3A_790 = vector.shape_cast %get3A_789 : vector<1x16xf32> to vector<16xf32>
      %add3A_791 = arith.addf %get3A_786, %get3A_790 : vector<16xf32>
      %swap3A_792 = arith.index_cast %scan3A_126 : i32 to index
      %swap3A_793 = arith.constant 752 : index
      %swap3A_794 = tpu.vector_load %arg9[%swap3A_792, %swap3A_793] {strides = array<i32>} : memref<64x768xf32, #tpu.memory_space<vmem>>, vector<1x16xf32>,
      %swap3A_795 = vector.shape_cast %swap3A_794 : vector<1x16xf32> to vector<16xf32>
      %swap3A_796 = vector.shape_cast %add3A_791 : vector<16xf32> to vector<1x16xf32>
      tpu.vector_store %arg9[%swap3A_792, %swap3A_793], %swap3A_796 {strides = array<i32>} : memref<64x768xf32, #tpu.memory_space<vmem>>, vector<1x16xf32>,
    }
    %scan3A_85 = arith.constant 32 : i32
    %dma_start3A_86 = arith.constant 0 : i32
    %dma_start3A_87 = arith.constant 0 : i32
    %dma_start3A_88 = tpu.memref_slice %arg9[%dma_start3A_86, %dma_start3A_87] : memref<64x768xf32, #tpu.memory_space<vmem>> -> memref<32x768xf32, #tpu.memory_space<vmem>>
    %dma_start3A_89 = arith.constant 0 : i32
    %dma_start3A_90 = tpu.memref_slice %arg4[%mul3A_2, %dma_start3A_89] : memref<2048x768xf32, #tpu.memory_space<hbm>> -> memref<32x768xf32, #tpu.memory_space<hbm>>
    %dma_start3A_91 = arith.constant 0 : i32
    %dma_start3A_92 = tpu.memref_slice %arg4[%mul3A_2, %dma_start3A_91] : memref<2048x768xf32, #tpu.memory_space<hbm>> -> memref<32x768xf32, #tpu.memory_space<hbm>>
    %dma_start3A_93 = arith.constant 0 : i32
    %dma_start3A_94 = arith.constant 0 : i32
    %dma_start3A_95 = tpu.memref_slice %arg9[%dma_start3A_93, %dma_start3A_94] : memref<64x768xf32, #tpu.memory_space<vmem>> -> memref<32x768xf32, #tpu.memory_space<vmem>>
    tpu.enqueue_dma source(%dma_start3A_95 : memref<32x768xf32, #tpu.memory_space<vmem>>) target(%dma_start3A_92 : memref<32x768xf32, #tpu.memory_space<hbm>>) target_semaphore(%arg15 : memref<!tpu.dma_semaphore, #tpu.memory_space<semaphore_mem>>)
    %dma_wait3A_96 = arith.constant 32 : i32
    %dma_wait3A_97 = arith.constant 0 : i32
    %dma_wait3A_98 = tpu.memref_slice %arg9[%dma_wait3A_96, %dma_wait3A_97] : memref<64x768xf32, #tpu.memory_space<vmem>> -> memref<32x768xf32, #tpu.memory_space<vmem>>
    %dma_wait3A_99 = arith.constant 0 : i32
    %dma_wait3A_100 = arith.constant 0 : i32
    %dma_wait3A_101 = tpu.memref_slice %arg2[%dma_wait3A_99, %dma_wait3A_100] : memref<12288x768xf32, #tpu.memory_space<hbm>> -> memref<12288x768xf32, #tpu.memory_space<hbm>>
    tpu.wait_indirect_dma semaphore(%arg13 : memref<!tpu.dma_semaphore, #tpu.memory_space<semaphore_mem>>) src(%dma_wait3A_101 : memref<12288x768xf32, #tpu.memory_space<hbm>>) dst(%dma_wait3A_98 : memref<32x768xf32, #tpu.memory_space<vmem>>)
    %dma_wait3A_102 = arith.constant 32 : i32
    %dma_wait3A_103 = arith.constant 0 : i32
    %dma_wait3A_104 = tpu.memref_slice %arg10[%dma_wait3A_102, %dma_wait3A_103] : memref<64x768xf32, #tpu.memory_space<vmem>> -> memref<32x768xf32, #tpu.memory_space<vmem>>
    %dma_wait3A_105 = arith.constant 0 : i32
    %dma_wait3A_106 = arith.constant 0 : i32
    %dma_wait3A_107 = tpu.memref_slice %arg2[%dma_wait3A_105, %dma_wait3A_106] : memref<12288x768xf32, #tpu.memory_space<hbm>> -> memref<12288x768xf32, #tpu.memory_space<hbm>>
    tpu.wait_indirect_dma semaphore(%arg14 : memref<!tpu.dma_semaphore, #tpu.memory_space<semaphore_mem>>) src(%dma_wait3A_107 : memref<12288x768xf32, #tpu.memory_space<hbm>>) dst(%dma_wait3A_104 : memref<32x768xf32, #tpu.memory_space<vmem>>)
    %scan3A_108 = arith.constant 0 : i32
    %scan3A_109 = arith.constant 32 : i32
    %scan3A_110 = arith.constant 32 : i32
    %scan3A_111 = arith.addi %scan3A_109, %scan3A_110 : i32
    %scan3A_112 = arith.constant 1 : i32
    scf.for %scan3A_126 = %scan3A_109 to %scan3A_111 step %scan3A_112  : i32 {
      %get3A = arith.index_cast %scan3A_126 : i32 to index
      %get3A_127 = arith.constant 0 : index
      %get3A_128 = tpu.vector_load %arg9[%get3A, %get3A_127] {strides = array<i32>} : memref<64x768xf32, #tpu.memory_space<vmem>>, vector<1x16xf32>,
      %get3A_129 = vector.shape_cast %get3A_128 : vector<1x16xf32> to vector<16xf32>
      %get3A_130 = arith.index_cast %scan3A_126 : i32 to index
      %get3A_131 = arith.constant 0 : index
      %get3A_132 = tpu.vector_load %arg10[%get3A_130, %get3A_131] {strides = array<i32>} : memref<64x768xf32, #tpu.memory_space<vmem>>, vector<1x16xf32>,
      %get3A_133 = vector.shape_cast %get3A_132 : vector<1x16xf32> to vector<16xf32>
      %add3A_134 = arith.addf %get3A_129, %get3A_133 : vector<16xf32>
      %swap3A = arith.index_cast %scan3A_126 : i32 to index
      %swap3A_135 = arith.constant 0 : index
      %swap3A_136 = tpu.vector_load %arg9[%swap3A, %swap3A_135] {strides = array<i32>} : memref<64x768xf32, #tpu.memory_space<vmem>>, vector<1x16xf32>,
      %swap3A_137 = vector.shape_cast %swap3A_136 : vector<1x16xf32> to vector<16xf32>
      %swap3A_138 = vector.shape_cast %add3A_134 : vector<16xf32> to vector<1x16xf32>
      tpu.vector_store %arg9[%swap3A, %swap3A_135], %swap3A_138 {strides = array<i32>} : memref<64x768xf32, #tpu.memory_space<vmem>>, vector<1x16xf32>,
      %get3A_139 = arith.index_cast %scan3A_126 : i32 to index
      %get3A_140 = arith.constant 16 : index
      %get3A_141 = tpu.vector_load %arg9[%get3A_139, %get3A_140] {strides = array<i32>} : memref<64x768xf32, #tpu.memory_space<vmem>>, vector<1x16xf32>,
      %get3A_142 = vector.shape_cast %get3A_141 : vector<1x16xf32> to vector<16xf32>
      %get3A_143 = arith.index_cast %scan3A_126 : i32 to index
      %get3A_144 = arith.constant 16 : index
      %get3A_145 = tpu.vector_load %arg10[%get3A_143, %get3A_144] {strides = array<i32>} : memref<64x768xf32, #tpu.memory_space<vmem>>, vector<1x16xf32>,
      %get3A_146 = vector.shape_cast %get3A_145 : vector<1x16xf32> to vector<16xf32>
      %add3A_147 = arith.addf %get3A_142, %get3A_146 : vector<16xf32>
      %swap3A_148 = arith.index_cast %scan3A_126 : i32 to index
      %swap3A_149 = arith.constant 16 : index
      %swap3A_150 = tpu.vector_load %arg9[%swap3A_148, %swap3A_149] {strides = array<i32>} : memref<64x768xf32, #tpu.memory_space<vmem>>, vector<1x16xf32>,
      %swap3A_151 = vector.shape_cast %swap3A_150 : vector<1x16xf32> to vector<16xf32>
      %swap3A_152 = vector.shape_cast %add3A_147 : vector<16xf32> to vector<1x16xf32>
      tpu.vector_store %arg9[%swap3A_148, %swap3A_149], %swap3A_152 {strides = array<i32>} : memref<64x768xf32, #tpu.memory_space<vmem>>, vector<1x16xf32>,
      %get3A_153 = arith.index_cast %scan3A_126 : i32 to index
      %get3A_154 = arith.constant 32 : index
      %get3A_155 = tpu.vector_load %arg9[%get3A_153, %get3A_154] {strides = array<i32>} : memref<64x768xf32, #tpu.memory_space<vmem>>, vector<1x16xf32>,
      %get3A_156 = vector.shape_cast %get3A_155 : vector<1x16xf32> to vector<16xf32>
      %get3A_157 = arith.index_cast %scan3A_126 : i32 to index
      %get3A_158 = arith.constant 32 : index
      %get3A_159 = tpu.vector_load %arg10[%get3A_157, %get3A_158] {strides = array<i32>} : memref<64x768xf32, #tpu.memory_space<vmem>>, vector<1x16xf32>,
      %get3A_160 = vector.shape_cast %get3A_159 : vector<1x16xf32> to vector<16xf32>
      %add3A_161 = arith.addf %get3A_156, %get3A_160 : vector<16xf32>
      %swap3A_162 = arith.index_cast %scan3A_126 : i32 to index
      %swap3A_163 = arith.constant 32 : index
      %swap3A_164 = tpu.vector_load %arg9[%swap3A_162, %swap3A_163] {strides = array<i32>} : memref<64x768xf32, #tpu.memory_space<vmem>>, vector<1x16xf32>,
      %swap3A_165 = vector.shape_cast %swap3A_164 : vector<1x16xf32> to vector<16xf32>
      %swap3A_166 = vector.shape_cast %add3A_161 : vector<16xf32> to vector<1x16xf32>
      tpu.vector_store %arg9[%swap3A_162, %swap3A_163], %swap3A_166 {strides = array<i32>} : memref<64x768xf32, #tpu.memory_space<vmem>>, vector<1x16xf32>,
      %get3A_167 = arith.index_cast %scan3A_126 : i32 to index
      %get3A_168 = arith.constant 48 : index
      %get3A_169 = tpu.vector_load %arg9[%get3A_167, %get3A_168] {strides = array<i32>} : memref<64x768xf32, #tpu.memory_space<vmem>>, vector<1x16xf32>,
      %get3A_170 = vector.shape_cast %get3A_169 : vector<1x16xf32> to vector<16xf32>
      %get3A_171 = arith.index_cast %scan3A_126 : i32 to index
      %get3A_172 = arith.constant 48 : index
      %get3A_173 = tpu.vector_load %arg10[%get3A_171, %get3A_172] {strides = array<i32>} : memref<64x768xf32, #tpu.memory_space<vmem>>, vector<1x16xf32>,
      %get3A_174 = vector.shape_cast %get3A_173 : vector<1x16xf32> to vector<16xf32>
      %add3A_175 = arith.addf %get3A_170, %get3A_174 : vector<16xf32>
      %swap3A_176 = arith.index_cast %scan3A_126 : i32 to index
      %swap3A_177 = arith.constant 48 : index
      %swap3A_178 = tpu.vector_load %arg9[%swap3A_176, %swap3A_177] {strides = array<i32>} : memref<64x768xf32, #tpu.memory_space<vmem>>, vector<1x16xf32>,
      %swap3A_179 = vector.shape_cast %swap3A_178 : vector<1x16xf32> to vector<16xf32>
      %swap3A_180 = vector.shape_cast %add3A_175 : vector<16xf32> to vector<1x16xf32>
      tpu.vector_store %arg9[%swap3A_176, %swap3A_177], %swap3A_180 {strides = array<i32>} : memref<64x768xf32, #tpu.memory_space<vmem>>, vector<1x16xf32>,
      %get3A_181 = arith.index_cast %scan3A_126 : i32 to index
      %get3A_182 = arith.constant 64 : index
      %get3A_183 = tpu.vector_load %arg9[%get3A_181, %get3A_182] {strides = array<i32>} : memref<64x768xf32, #tpu.memory_space<vmem>>, vector<1x16xf32>,
      %get3A_184 = vector.shape_cast %get3A_183 : vector<1x16xf32> to vector<16xf32>
      %get3A_185 = arith.index_cast %scan3A_126 : i32 to index
      %get3A_186 = arith.constant 64 : index
      %get3A_187 = tpu.vector_load %arg10[%get3A_185, %get3A_186] {strides = array<i32>} : memref<64x768xf32, #tpu.memory_space<vmem>>, vector<1x16xf32>,
      %get3A_188 = vector.shape_cast %get3A_187 : vector<1x16xf32> to vector<16xf32>
      %add3A_189 = arith.addf %get3A_184, %get3A_188 : vector<16xf32>
      %swap3A_190 = arith.index_cast %scan3A_126 : i32 to index
      %swap3A_191 = arith.constant 64 : index
      %swap3A_192 = tpu.vector_load %arg9[%swap3A_190, %swap3A_191] {strides = array<i32>} : memref<64x768xf32, #tpu.memory_space<vmem>>, vector<1x16xf32>,
      %swap3A_193 = vector.shape_cast %swap3A_192 : vector<1x16xf32> to vector<16xf32>
      %swap3A_194 = vector.shape_cast %add3A_189 : vector<16xf32> to vector<1x16xf32>
      tpu.vector_store %arg9[%swap3A_190, %swap3A_191], %swap3A_194 {strides = array<i32>} : memref<64x768xf32, #tpu.memory_space<vmem>>, vector<1x16xf32>,
      %get3A_195 = arith.index_cast %scan3A_126 : i32 to index
      %get3A_196 = arith.constant 80 : index
      %get3A_197 = tpu.vector_load %arg9[%get3A_195, %get3A_196] {strides = array<i32>} : memref<64x768xf32, #tpu.memory_space<vmem>>, vector<1x16xf32>,
      %get3A_198 = vector.shape_cast %get3A_197 : vector<1x16xf32> to vector<16xf32>
      %get3A_199 = arith.index_cast %scan3A_126 : i32 to index
      %get3A_200 = arith.constant 80 : index
      %get3A_201 = tpu.vector_load %arg10[%get3A_199, %get3A_200] {strides = array<i32>} : memref<64x768xf32, #tpu.memory_space<vmem>>, vector<1x16xf32>,
      %get3A_202 = vector.shape_cast %get3A_201 : vector<1x16xf32> to vector<16xf32>
      %add3A_203 = arith.addf %get3A_198, %get3A_202 : vector<16xf32>
      %swap3A_204 = arith.index_cast %scan3A_126 : i32 to index
      %swap3A_205 = arith.constant 80 : index
      %swap3A_206 = tpu.vector_load %arg9[%swap3A_204, %swap3A_205] {strides = array<i32>} : memref<64x768xf32, #tpu.memory_space<vmem>>, vector<1x16xf32>,
      %swap3A_207 = vector.shape_cast %swap3A_206 : vector<1x16xf32> to vector<16xf32>
      %swap3A_208 = vector.shape_cast %add3A_203 : vector<16xf32> to vector<1x16xf32>
      tpu.vector_store %arg9[%swap3A_204, %swap3A_205], %swap3A_208 {strides = array<i32>} : memref<64x768xf32, #tpu.memory_space<vmem>>, vector<1x16xf32>,
      %get3A_209 = arith.index_cast %scan3A_126 : i32 to index
      %get3A_210 = arith.constant 96 : index
      %get3A_211 = tpu.vector_load %arg9[%get3A_209, %get3A_210] {strides = array<i32>} : memref<64x768xf32, #tpu.memory_space<vmem>>, vector<1x16xf32>,
      %get3A_212 = vector.shape_cast %get3A_211 : vector<1x16xf32> to vector<16xf32>
      %get3A_213 = arith.index_cast %scan3A_126 : i32 to index
      %get3A_214 = arith.constant 96 : index
      %get3A_215 = tpu.vector_load %arg10[%get3A_213, %get3A_214] {strides = array<i32>} : memref<64x768xf32, #tpu.memory_space<vmem>>, vector<1x16xf32>,
      %get3A_216 = vector.shape_cast %get3A_215 : vector<1x16xf32> to vector<16xf32>
      %add3A_217 = arith.addf %get3A_212, %get3A_216 : vector<16xf32>
      %swap3A_218 = arith.index_cast %scan3A_126 : i32 to index
      %swap3A_219 = arith.constant 96 : index
      %swap3A_220 = tpu.vector_load %arg9[%swap3A_218, %swap3A_219] {strides = array<i32>} : memref<64x768xf32, #tpu.memory_space<vmem>>, vector<1x16xf32>,
      %swap3A_221 = vector.shape_cast %swap3A_220 : vector<1x16xf32> to vector<16xf32>
      %swap3A_222 = vector.shape_cast %add3A_217 : vector<16xf32> to vector<1x16xf32>
      tpu.vector_store %arg9[%swap3A_218, %swap3A_219], %swap3A_222 {strides = array<i32>} : memref<64x768xf32, #tpu.memory_space<vmem>>, vector<1x16xf32>,
      %get3A_223 = arith.index_cast %scan3A_126 : i32 to index
      %get3A_224 = arith.constant 112 : index
      %get3A_225 = tpu.vector_load %arg9[%get3A_223, %get3A_224] {strides = array<i32>} : memref<64x768xf32, #tpu.memory_space<vmem>>, vector<1x16xf32>,
      %get3A_226 = vector.shape_cast %get3A_225 : vector<1x16xf32> to vector<16xf32>
      %get3A_227 = arith.index_cast %scan3A_126 : i32 to index
      %get3A_228 = arith.constant 112 : index
      %get3A_229 = tpu.vector_load %arg10[%get3A_227, %get3A_228] {strides = array<i32>} : memref<64x768xf32, #tpu.memory_space<vmem>>, vector<1x16xf32>,
      %get3A_230 = vector.shape_cast %get3A_229 : vector<1x16xf32> to vector<16xf32>
      %add3A_231 = arith.addf %get3A_226, %get3A_230 : vector<16xf32>
      %swap3A_232 = arith.index_cast %scan3A_126 : i32 to index
      %swap3A_233 = arith.constant 112 : index
      %swap3A_234 = tpu.vector_load %arg9[%swap3A_232, %swap3A_233] {strides = array<i32>} : memref<64x768xf32, #tpu.memory_space<vmem>>, vector<1x16xf32>,
      %swap3A_235 = vector.shape_cast %swap3A_234 : vector<1x16xf32> to vector<16xf32>
      %swap3A_236 = vector.shape_cast %add3A_231 : vector<16xf32> to vector<1x16xf32>
      tpu.vector_store %arg9[%swap3A_232, %swap3A_233], %swap3A_236 {strides = array<i32>} : memref<64x768xf32, #tpu.memory_space<vmem>>, vector<1x16xf32>,
      %get3A_237 = arith.index_cast %scan3A_126 : i32 to index
      %get3A_238 = arith.constant 128 : index
      %get3A_239 = tpu.vector_load %arg9[%get3A_237, %get3A_238] {strides = array<i32>} : memref<64x768xf32, #tpu.memory_space<vmem>>, vector<1x16xf32>,
      %get3A_240 = vector.shape_cast %get3A_239 : vector<1x16xf32> to vector<16xf32>
      %get3A_241 = arith.index_cast %scan3A_126 : i32 to index
      %get3A_242 = arith.constant 128 : index
      %get3A_243 = tpu.vector_load %arg10[%get3A_241, %get3A_242] {strides = array<i32>} : memref<64x768xf32, #tpu.memory_space<vmem>>, vector<1x16xf32>,
      %get3A_244 = vector.shape_cast %get3A_243 : vector<1x16xf32> to vector<16xf32>
      %add3A_245 = arith.addf %get3A_240, %get3A_244 : vector<16xf32>
      %swap3A_246 = arith.index_cast %scan3A_126 : i32 to index
      %swap3A_247 = arith.constant 128 : index
      %swap3A_248 = tpu.vector_load %arg9[%swap3A_246, %swap3A_247] {strides = array<i32>} : memref<64x768xf32, #tpu.memory_space<vmem>>, vector<1x16xf32>,
      %swap3A_249 = vector.shape_cast %swap3A_248 : vector<1x16xf32> to vector<16xf32>
      %swap3A_250 = vector.shape_cast %add3A_245 : vector<16xf32> to vector<1x16xf32>
      tpu.vector_store %arg9[%swap3A_246, %swap3A_247], %swap3A_250 {strides = array<i32>} : memref<64x768xf32, #tpu.memory_space<vmem>>, vector<1x16xf32>,
      %get3A_251 = arith.index_cast %scan3A_126 : i32 to index
      %get3A_252 = arith.constant 144 : index
      %get3A_253 = tpu.vector_load %arg9[%get3A_251, %get3A_252] {strides = array<i32>} : memref<64x768xf32, #tpu.memory_space<vmem>>, vector<1x16xf32>,
      %get3A_254 = vector.shape_cast %get3A_253 : vector<1x16xf32> to vector<16xf32>
      %get3A_255 = arith.index_cast %scan3A_126 : i32 to index
      %get3A_256 = arith.constant 144 : index
      %get3A_257 = tpu.vector_load %arg10[%get3A_255, %get3A_256] {strides = array<i32>} : memref<64x768xf32, #tpu.memory_space<vmem>>, vector<1x16xf32>,
      %get3A_258 = vector.shape_cast %get3A_257 : vector<1x16xf32> to vector<16xf32>
      %add3A_259 = arith.addf %get3A_254, %get3A_258 : vector<16xf32>
      %swap3A_260 = arith.index_cast %scan3A_126 : i32 to index
      %swap3A_261 = arith.constant 144 : index
      %swap3A_262 = tpu.vector_load %arg9[%swap3A_260, %swap3A_261] {strides = array<i32>} : memref<64x768xf32, #tpu.memory_space<vmem>>, vector<1x16xf32>,
      %swap3A_263 = vector.shape_cast %swap3A_262 : vector<1x16xf32> to vector<16xf32>
      %swap3A_264 = vector.shape_cast %add3A_259 : vector<16xf32> to vector<1x16xf32>
      tpu.vector_store %arg9[%swap3A_260, %swap3A_261], %swap3A_264 {strides = array<i32>} : memref<64x768xf32, #tpu.memory_space<vmem>>, vector<1x16xf32>,
      %get3A_265 = arith.index_cast %scan3A_126 : i32 to index
      %get3A_266 = arith.constant 160 : index
      %get3A_267 = tpu.vector_load %arg9[%get3A_265, %get3A_266] {strides = array<i32>} : memref<64x768xf32, #tpu.memory_space<vmem>>, vector<1x16xf32>,
      %get3A_268 = vector.shape_cast %get3A_267 : vector<1x16xf32> to vector<16xf32>
      %get3A_269 = arith.index_cast %scan3A_126 : i32 to index
      %get3A_270 = arith.constant 160 : index
      %get3A_271 = tpu.vector_load %arg10[%get3A_269, %get3A_270] {strides = array<i32>} : memref<64x768xf32, #tpu.memory_space<vmem>>, vector<1x16xf32>,
      %get3A_272 = vector.shape_cast %get3A_271 : vector<1x16xf32> to vector<16xf32>
      %add3A_273 = arith.addf %get3A_268, %get3A_272 : vector<16xf32>
      %swap3A_274 = arith.index_cast %scan3A_126 : i32 to index
      %swap3A_275 = arith.constant 160 : index
      %swap3A_276 = tpu.vector_load %arg9[%swap3A_274, %swap3A_275] {strides = array<i32>} : memref<64x768xf32, #tpu.memory_space<vmem>>, vector<1x16xf32>,
      %swap3A_277 = vector.shape_cast %swap3A_276 : vector<1x16xf32> to vector<16xf32>
      %swap3A_278 = vector.shape_cast %add3A_273 : vector<16xf32> to vector<1x16xf32>
      tpu.vector_store %arg9[%swap3A_274, %swap3A_275], %swap3A_278 {strides = array<i32>} : memref<64x768xf32, #tpu.memory_space<vmem>>, vector<1x16xf32>,
      %get3A_279 = arith.index_cast %scan3A_126 : i32 to index
      %get3A_280 = arith.constant 176 : index
      %get3A_281 = tpu.vector_load %arg9[%get3A_279, %get3A_280] {strides = array<i32>} : memref<64x768xf32, #tpu.memory_space<vmem>>, vector<1x16xf32>,
      %get3A_282 = vector.shape_cast %get3A_281 : vector<1x16xf32> to vector<16xf32>
      %get3A_283 = arith.index_cast %scan3A_126 : i32 to index
      %get3A_284 = arith.constant 176 : index
      %get3A_285 = tpu.vector_load %arg10[%get3A_283, %get3A_284] {strides = array<i32>} : memref<64x768xf32, #tpu.memory_space<vmem>>, vector<1x16xf32>,
      %get3A_286 = vector.shape_cast %get3A_285 : vector<1x16xf32> to vector<16xf32>
      %add3A_287 = arith.addf %get3A_282, %get3A_286 : vector<16xf32>
      %swap3A_288 = arith.index_cast %scan3A_126 : i32 to index
      %swap3A_289 = arith.constant 176 : index
      %swap3A_290 = tpu.vector_load %arg9[%swap3A_288, %swap3A_289] {strides = array<i32>} : memref<64x768xf32, #tpu.memory_space<vmem>>, vector<1x16xf32>,
      %swap3A_291 = vector.shape_cast %swap3A_290 : vector<1x16xf32> to vector<16xf32>
      %swap3A_292 = vector.shape_cast %add3A_287 : vector<16xf32> to vector<1x16xf32>
      tpu.vector_store %arg9[%swap3A_288, %swap3A_289], %swap3A_292 {strides = array<i32>} : memref<64x768xf32, #tpu.memory_space<vmem>>, vector<1x16xf32>,
      %get3A_293 = arith.index_cast %scan3A_126 : i32 to index
      %get3A_294 = arith.constant 192 : index
      %get3A_295 = tpu.vector_load %arg9[%get3A_293, %get3A_294] {strides = array<i32>} : memref<64x768xf32, #tpu.memory_space<vmem>>, vector<1x16xf32>,
      %get3A_296 = vector.shape_cast %get3A_295 : vector<1x16xf32> to vector<16xf32>
      %get3A_297 = arith.index_cast %scan3A_126 : i32 to index
      %get3A_298 = arith.constant 192 : index
      %get3A_299 = tpu.vector_load %arg10[%get3A_297, %get3A_298] {strides = array<i32>} : memref<64x768xf32, #tpu.memory_space<vmem>>, vector<1x16xf32>,
      %get3A_300 = vector.shape_cast %get3A_299 : vector<1x16xf32> to vector<16xf32>
      %add3A_301 = arith.addf %get3A_296, %get3A_300 : vector<16xf32>
      %swap3A_302 = arith.index_cast %scan3A_126 : i32 to index
      %swap3A_303 = arith.constant 192 : index
      %swap3A_304 = tpu.vector_load %arg9[%swap3A_302, %swap3A_303] {strides = array<i32>} : memref<64x768xf32, #tpu.memory_space<vmem>>, vector<1x16xf32>,
      %swap3A_305 = vector.shape_cast %swap3A_304 : vector<1x16xf32> to vector<16xf32>
      %swap3A_306 = vector.shape_cast %add3A_301 : vector<16xf32> to vector<1x16xf32>
      tpu.vector_store %arg9[%swap3A_302, %swap3A_303], %swap3A_306 {strides = array<i32>} : memref<64x768xf32, #tpu.memory_space<vmem>>, vector<1x16xf32>,
      %get3A_307 = arith.index_cast %scan3A_126 : i32 to index
      %get3A_308 = arith.constant 208 : index
      %get3A_309 = tpu.vector_load %arg9[%get3A_307, %get3A_308] {strides = array<i32>} : memref<64x768xf32, #tpu.memory_space<vmem>>, vector<1x16xf32>,
      %get3A_310 = vector.shape_cast %get3A_309 : vector<1x16xf32> to vector<16xf32>
      %get3A_311 = arith.index_cast %scan3A_126 : i32 to index
      %get3A_312 = arith.constant 208 : index
      %get3A_313 = tpu.vector_load %arg10[%get3A_311, %get3A_312] {strides = array<i32>} : memref<64x768xf32, #tpu.memory_space<vmem>>, vector<1x16xf32>,
      %get3A_314 = vector.shape_cast %get3A_313 : vector<1x16xf32> to vector<16xf32>
      %add3A_315 = arith.addf %get3A_310, %get3A_314 : vector<16xf32>
      %swap3A_316 = arith.index_cast %scan3A_126 : i32 to index
      %swap3A_317 = arith.constant 208 : index
      %swap3A_318 = tpu.vector_load %arg9[%swap3A_316, %swap3A_317] {strides = array<i32>} : memref<64x768xf32, #tpu.memory_space<vmem>>, vector<1x16xf32>,
      %swap3A_319 = vector.shape_cast %swap3A_318 : vector<1x16xf32> to vector<16xf32>
      %swap3A_320 = vector.shape_cast %add3A_315 : vector<16xf32> to vector<1x16xf32>
      tpu.vector_store %arg9[%swap3A_316, %swap3A_317], %swap3A_320 {strides = array<i32>} : memref<64x768xf32, #tpu.memory_space<vmem>>, vector<1x16xf32>,
      %get3A_321 = arith.index_cast %scan3A_126 : i32 to index
      %get3A_322 = arith.constant 224 : index
      %get3A_323 = tpu.vector_load %arg9[%get3A_321, %get3A_322] {strides = array<i32>} : memref<64x768xf32, #tpu.memory_space<vmem>>, vector<1x16xf32>,
      %get3A_324 = vector.shape_cast %get3A_323 : vector<1x16xf32> to vector<16xf32>
      %get3A_325 = arith.index_cast %scan3A_126 : i32 to index
      %get3A_326 = arith.constant 224 : index
      %get3A_327 = tpu.vector_load %arg10[%get3A_325, %get3A_326] {strides = array<i32>} : memref<64x768xf32, #tpu.memory_space<vmem>>, vector<1x16xf32>,
      %get3A_328 = vector.shape_cast %get3A_327 : vector<1x16xf32> to vector<16xf32>
      %add3A_329 = arith.addf %get3A_324, %get3A_328 : vector<16xf32>
      %swap3A_330 = arith.index_cast %scan3A_126 : i32 to index
      %swap3A_331 = arith.constant 224 : index
      %swap3A_332 = tpu.vector_load %arg9[%swap3A_330, %swap3A_331] {strides = array<i32>} : memref<64x768xf32, #tpu.memory_space<vmem>>, vector<1x16xf32>,
      %swap3A_333 = vector.shape_cast %swap3A_332 : vector<1x16xf32> to vector<16xf32>
      %swap3A_334 = vector.shape_cast %add3A_329 : vector<16xf32> to vector<1x16xf32>
      tpu.vector_store %arg9[%swap3A_330, %swap3A_331], %swap3A_334 {strides = array<i32>} : memref<64x768xf32, #tpu.memory_space<vmem>>, vector<1x16xf32>,
      %get3A_335 = arith.index_cast %scan3A_126 : i32 to index
      %get3A_336 = arith.constant 240 : index
      %get3A_337 = tpu.vector_load %arg9[%get3A_335, %get3A_336] {strides = array<i32>} : memref<64x768xf32, #tpu.memory_space<vmem>>, vector<1x16xf32>,
      %get3A_338 = vector.shape_cast %get3A_337 : vector<1x16xf32> to vector<16xf32>
      %get3A_339 = arith.index_cast %scan3A_126 : i32 to index
      %get3A_340 = arith.constant 240 : index
      %get3A_341 = tpu.vector_load %arg10[%get3A_339, %get3A_340] {strides = array<i32>} : memref<64x768xf32, #tpu.memory_space<vmem>>, vector<1x16xf32>,
      %get3A_342 = vector.shape_cast %get3A_341 : vector<1x16xf32> to vector<16xf32>
      %add3A_343 = arith.addf %get3A_338, %get3A_342 : vector<16xf32>
      %swap3A_344 = arith.index_cast %scan3A_126 : i32 to index
      %swap3A_345 = arith.constant 240 : index
      %swap3A_346 = tpu.vector_load %arg9[%swap3A_344, %swap3A_345] {strides = array<i32>} : memref<64x768xf32, #tpu.memory_space<vmem>>, vector<1x16xf32>,
      %swap3A_347 = vector.shape_cast %swap3A_346 : vector<1x16xf32> to vector<16xf32>
      %swap3A_348 = vector.shape_cast %add3A_343 : vector<16xf32> to vector<1x16xf32>
      tpu.vector_store %arg9[%swap3A_344, %swap3A_345], %swap3A_348 {strides = array<i32>} : memref<64x768xf32, #tpu.memory_space<vmem>>, vector<1x16xf32>,
      %get3A_349 = arith.index_cast %scan3A_126 : i32 to index
      %get3A_350 = arith.constant 256 : index
      %get3A_351 = tpu.vector_load %arg9[%get3A_349, %get3A_350] {strides = array<i32>} : memref<64x768xf32, #tpu.memory_space<vmem>>, vector<1x16xf32>,
      %get3A_352 = vector.shape_cast %get3A_351 : vector<1x16xf32> to vector<16xf32>
      %get3A_353 = arith.index_cast %scan3A_126 : i32 to index
      %get3A_354 = arith.constant 256 : index
      %get3A_355 = tpu.vector_load %arg10[%get3A_353, %get3A_354] {strides = array<i32>} : memref<64x768xf32, #tpu.memory_space<vmem>>, vector<1x16xf32>,
      %get3A_356 = vector.shape_cast %get3A_355 : vector<1x16xf32> to vector<16xf32>
      %add3A_357 = arith.addf %get3A_352, %get3A_356 : vector<16xf32>
      %swap3A_358 = arith.index_cast %scan3A_126 : i32 to index
      %swap3A_359 = arith.constant 256 : index
      %swap3A_360 = tpu.vector_load %arg9[%swap3A_358, %swap3A_359] {strides = array<i32>} : memref<64x768xf32, #tpu.memory_space<vmem>>, vector<1x16xf32>,
      %swap3A_361 = vector.shape_cast %swap3A_360 : vector<1x16xf32> to vector<16xf32>
      %swap3A_362 = vector.shape_cast %add3A_357 : vector<16xf32> to vector<1x16xf32>
      tpu.vector_store %arg9[%swap3A_358, %swap3A_359], %swap3A_362 {strides = array<i32>} : memref<64x768xf32, #tpu.memory_space<vmem>>, vector<1x16xf32>,
      %get3A_363 = arith.index_cast %scan3A_126 : i32 to index
      %get3A_364 = arith.constant 272 : index
      %get3A_365 = tpu.vector_load %arg9[%get3A_363, %get3A_364] {strides = array<i32>} : memref<64x768xf32, #tpu.memory_space<vmem>>, vector<1x16xf32>,
      %get3A_366 = vector.shape_cast %get3A_365 : vector<1x16xf32> to vector<16xf32>
      %get3A_367 = arith.index_cast %scan3A_126 : i32 to index
      %get3A_368 = arith.constant 272 : index
      %get3A_369 = tpu.vector_load %arg10[%get3A_367, %get3A_368] {strides = array<i32>} : memref<64x768xf32, #tpu.memory_space<vmem>>, vector<1x16xf32>,
      %get3A_370 = vector.shape_cast %get3A_369 : vector<1x16xf32> to vector<16xf32>
      %add3A_371 = arith.addf %get3A_366, %get3A_370 : vector<16xf32>
      %swap3A_372 = arith.index_cast %scan3A_126 : i32 to index
      %swap3A_373 = arith.constant 272 : index
      %swap3A_374 = tpu.vector_load %arg9[%swap3A_372, %swap3A_373] {strides = array<i32>} : memref<64x768xf32, #tpu.memory_space<vmem>>, vector<1x16xf32>,
      %swap3A_375 = vector.shape_cast %swap3A_374 : vector<1x16xf32> to vector<16xf32>
      %swap3A_376 = vector.shape_cast %add3A_371 : vector<16xf32> to vector<1x16xf32>
      tpu.vector_store %arg9[%swap3A_372, %swap3A_373], %swap3A_376 {strides = array<i32>} : memref<64x768xf32, #tpu.memory_space<vmem>>, vector<1x16xf32>,
      %get3A_377 = arith.index_cast %scan3A_126 : i32 to index
      %get3A_378 = arith.constant 288 : index
      %get3A_379 = tpu.vector_load %arg9[%get3A_377, %get3A_378] {strides = array<i32>} : memref<64x768xf32, #tpu.memory_space<vmem>>, vector<1x16xf32>,
      %get3A_380 = vector.shape_cast %get3A_379 : vector<1x16xf32> to vector<16xf32>
      %get3A_381 = arith.index_cast %scan3A_126 : i32 to index
      %get3A_382 = arith.constant 288 : index
      %get3A_383 = tpu.vector_load %arg10[%get3A_381, %get3A_382] {strides = array<i32>} : memref<64x768xf32, #tpu.memory_space<vmem>>, vector<1x16xf32>,
      %get3A_384 = vector.shape_cast %get3A_383 : vector<1x16xf32> to vector<16xf32>
      %add3A_385 = arith.addf %get3A_380, %get3A_384 : vector<16xf32>
      %swap3A_386 = arith.index_cast %scan3A_126 : i32 to index
      %swap3A_387 = arith.constant 288 : index
      %swap3A_388 = tpu.vector_load %arg9[%swap3A_386, %swap3A_387] {strides = array<i32>} : memref<64x768xf32, #tpu.memory_space<vmem>>, vector<1x16xf32>,
      %swap3A_389 = vector.shape_cast %swap3A_388 : vector<1x16xf32> to vector<16xf32>
      %swap3A_390 = vector.shape_cast %add3A_385 : vector<16xf32> to vector<1x16xf32>
      tpu.vector_store %arg9[%swap3A_386, %swap3A_387], %swap3A_390 {strides = array<i32>} : memref<64x768xf32, #tpu.memory_space<vmem>>, vector<1x16xf32>,
      %get3A_391 = arith.index_cast %scan3A_126 : i32 to index
      %get3A_392 = arith.constant 304 : index
      %get3A_393 = tpu.vector_load %arg9[%get3A_391, %get3A_392] {strides = array<i32>} : memref<64x768xf32, #tpu.memory_space<vmem>>, vector<1x16xf32>,
      %get3A_394 = vector.shape_cast %get3A_393 : vector<1x16xf32> to vector<16xf32>
      %get3A_395 = arith.index_cast %scan3A_126 : i32 to index
      %get3A_396 = arith.constant 304 : index
      %get3A_397 = tpu.vector_load %arg10[%get3A_395, %get3A_396] {strides = array<i32>} : memref<64x768xf32, #tpu.memory_space<vmem>>, vector<1x16xf32>,
      %get3A_398 = vector.shape_cast %get3A_397 : vector<1x16xf32> to vector<16xf32>
      %add3A_399 = arith.addf %get3A_394, %get3A_398 : vector<16xf32>
      %swap3A_400 = arith.index_cast %scan3A_126 : i32 to index
      %swap3A_401 = arith.constant 304 : index
      %swap3A_402 = tpu.vector_load %arg9[%swap3A_400, %swap3A_401] {strides = array<i32>} : memref<64x768xf32, #tpu.memory_space<vmem>>, vector<1x16xf32>,
      %swap3A_403 = vector.shape_cast %swap3A_402 : vector<1x16xf32> to vector<16xf32>
      %swap3A_404 = vector.shape_cast %add3A_399 : vector<16xf32> to vector<1x16xf32>
      tpu.vector_store %arg9[%swap3A_400, %swap3A_401], %swap3A_404 {strides = array<i32>} : memref<64x768xf32, #tpu.memory_space<vmem>>, vector<1x16xf32>,
      %get3A_405 = arith.index_cast %scan3A_126 : i32 to index
      %get3A_406 = arith.constant 320 : index
      %get3A_407 = tpu.vector_load %arg9[%get3A_405, %get3A_406] {strides = array<i32>} : memref<64x768xf32, #tpu.memory_space<vmem>>, vector<1x16xf32>,
      %get3A_408 = vector.shape_cast %get3A_407 : vector<1x16xf32> to vector<16xf32>
      %get3A_409 = arith.index_cast %scan3A_126 : i32 to index
      %get3A_410 = arith.constant 320 : index
      %get3A_411 = tpu.vector_load %arg10[%get3A_409, %get3A_410] {strides = array<i32>} : memref<64x768xf32, #tpu.memory_space<vmem>>, vector<1x16xf32>,
      %get3A_412 = vector.shape_cast %get3A_411 : vector<1x16xf32> to vector<16xf32>
      %add3A_413 = arith.addf %get3A_408, %get3A_412 : vector<16xf32>
      %swap3A_414 = arith.index_cast %scan3A_126 : i32 to index
      %swap3A_415 = arith.constant 320 : index
      %swap3A_416 = tpu.vector_load %arg9[%swap3A_414, %swap3A_415] {strides = array<i32>} : memref<64x768xf32, #tpu.memory_space<vmem>>, vector<1x16xf32>,
      %swap3A_417 = vector.shape_cast %swap3A_416 : vector<1x16xf32> to vector<16xf32>
      %swap3A_418 = vector.shape_cast %add3A_413 : vector<16xf32> to vector<1x16xf32>
      tpu.vector_store %arg9[%swap3A_414, %swap3A_415], %swap3A_418 {strides = array<i32>} : memref<64x768xf32, #tpu.memory_space<vmem>>, vector<1x16xf32>,
      %get3A_419 = arith.index_cast %scan3A_126 : i32 to index
      %get3A_420 = arith.constant 336 : index
      %get3A_421 = tpu.vector_load %arg9[%get3A_419, %get3A_420] {strides = array<i32>} : memref<64x768xf32, #tpu.memory_space<vmem>>, vector<1x16xf32>,
      %get3A_422 = vector.shape_cast %get3A_421 : vector<1x16xf32> to vector<16xf32>
      %get3A_423 = arith.index_cast %scan3A_126 : i32 to index
      %get3A_424 = arith.constant 336 : index
      %get3A_425 = tpu.vector_load %arg10[%get3A_423, %get3A_424] {strides = array<i32>} : memref<64x768xf32, #tpu.memory_space<vmem>>, vector<1x16xf32>,
      %get3A_426 = vector.shape_cast %get3A_425 : vector<1x16xf32> to vector<16xf32>
      %add3A_427 = arith.addf %get3A_422, %get3A_426 : vector<16xf32>
      %swap3A_428 = arith.index_cast %scan3A_126 : i32 to index
      %swap3A_429 = arith.constant 336 : index
      %swap3A_430 = tpu.vector_load %arg9[%swap3A_428, %swap3A_429] {strides = array<i32>} : memref<64x768xf32, #tpu.memory_space<vmem>>, vector<1x16xf32>,
      %swap3A_431 = vector.shape_cast %swap3A_430 : vector<1x16xf32> to vector<16xf32>
      %swap3A_432 = vector.shape_cast %add3A_427 : vector<16xf32> to vector<1x16xf32>
      tpu.vector_store %arg9[%swap3A_428, %swap3A_429], %swap3A_432 {strides = array<i32>} : memref<64x768xf32, #tpu.memory_space<vmem>>, vector<1x16xf32>,
      %get3A_433 = arith.index_cast %scan3A_126 : i32 to index
      %get3A_434 = arith.constant 352 : index
      %get3A_435 = tpu.vector_load %arg9[%get3A_433, %get3A_434] {strides = array<i32>} : memref<64x768xf32, #tpu.memory_space<vmem>>, vector<1x16xf32>,
      %get3A_436 = vector.shape_cast %get3A_435 : vector<1x16xf32> to vector<16xf32>
      %get3A_437 = arith.index_cast %scan3A_126 : i32 to index
      %get3A_438 = arith.constant 352 : index
      %get3A_439 = tpu.vector_load %arg10[%get3A_437, %get3A_438] {strides = array<i32>} : memref<64x768xf32, #tpu.memory_space<vmem>>, vector<1x16xf32>,
      %get3A_440 = vector.shape_cast %get3A_439 : vector<1x16xf32> to vector<16xf32>
      %add3A_441 = arith.addf %get3A_436, %get3A_440 : vector<16xf32>
      %swap3A_442 = arith.index_cast %scan3A_126 : i32 to index
      %swap3A_443 = arith.constant 352 : index
      %swap3A_444 = tpu.vector_load %arg9[%swap3A_442, %swap3A_443] {strides = array<i32>} : memref<64x768xf32, #tpu.memory_space<vmem>>, vector<1x16xf32>,
      %swap3A_445 = vector.shape_cast %swap3A_444 : vector<1x16xf32> to vector<16xf32>
      %swap3A_446 = vector.shape_cast %add3A_441 : vector<16xf32> to vector<1x16xf32>
      tpu.vector_store %arg9[%swap3A_442, %swap3A_443], %swap3A_446 {strides = array<i32>} : memref<64x768xf32, #tpu.memory_space<vmem>>, vector<1x16xf32>,
      %get3A_447 = arith.index_cast %scan3A_126 : i32 to index
      %get3A_448 = arith.constant 368 : index
      %get3A_449 = tpu.vector_load %arg9[%get3A_447, %get3A_448] {strides = array<i32>} : memref<64x768xf32, #tpu.memory_space<vmem>>, vector<1x16xf32>,
      %get3A_450 = vector.shape_cast %get3A_449 : vector<1x16xf32> to vector<16xf32>
      %get3A_451 = arith.index_cast %scan3A_126 : i32 to index
      %get3A_452 = arith.constant 368 : index
      %get3A_453 = tpu.vector_load %arg10[%get3A_451, %get3A_452] {strides = array<i32>} : memref<64x768xf32, #tpu.memory_space<vmem>>, vector<1x16xf32>,
      %get3A_454 = vector.shape_cast %get3A_453 : vector<1x16xf32> to vector<16xf32>
      %add3A_455 = arith.addf %get3A_450, %get3A_454 : vector<16xf32>
      %swap3A_456 = arith.index_cast %scan3A_126 : i32 to index
      %swap3A_457 = arith.constant 368 : index
      %swap3A_458 = tpu.vector_load %arg9[%swap3A_456, %swap3A_457] {strides = array<i32>} : memref<64x768xf32, #tpu.memory_space<vmem>>, vector<1x16xf32>,
      %swap3A_459 = vector.shape_cast %swap3A_458 : vector<1x16xf32> to vector<16xf32>
      %swap3A_460 = vector.shape_cast %add3A_455 : vector<16xf32> to vector<1x16xf32>
      tpu.vector_store %arg9[%swap3A_456, %swap3A_457], %swap3A_460 {strides = array<i32>} : memref<64x768xf32, #tpu.memory_space<vmem>>, vector<1x16xf32>,
      %get3A_461 = arith.index_cast %scan3A_126 : i32 to index
      %get3A_462 = arith.constant 384 : index
      %get3A_463 = tpu.vector_load %arg9[%get3A_461, %get3A_462] {strides = array<i32>} : memref<64x768xf32, #tpu.memory_space<vmem>>, vector<1x16xf32>,
      %get3A_464 = vector.shape_cast %get3A_463 : vector<1x16xf32> to vector<16xf32>
      %get3A_465 = arith.index_cast %scan3A_126 : i32 to index
      %get3A_466 = arith.constant 384 : index
      %get3A_467 = tpu.vector_load %arg10[%get3A_465, %get3A_466] {strides = array<i32>} : memref<64x768xf32, #tpu.memory_space<vmem>>, vector<1x16xf32>,
      %get3A_468 = vector.shape_cast %get3A_467 : vector<1x16xf32> to vector<16xf32>
      %add3A_469 = arith.addf %get3A_464, %get3A_468 : vector<16xf32>
      %swap3A_470 = arith.index_cast %scan3A_126 : i32 to index
      %swap3A_471 = arith.constant 384 : index
      %swap3A_472 = tpu.vector_load %arg9[%swap3A_470, %swap3A_471] {strides = array<i32>} : memref<64x768xf32, #tpu.memory_space<vmem>>, vector<1x16xf32>,
      %swap3A_473 = vector.shape_cast %swap3A_472 : vector<1x16xf32> to vector<16xf32>
      %swap3A_474 = vector.shape_cast %add3A_469 : vector<16xf32> to vector<1x16xf32>
      tpu.vector_store %arg9[%swap3A_470, %swap3A_471], %swap3A_474 {strides = array<i32>} : memref<64x768xf32, #tpu.memory_space<vmem>>, vector<1x16xf32>,
      %get3A_475 = arith.index_cast %scan3A_126 : i32 to index
      %get3A_476 = arith.constant 400 : index
      %get3A_477 = tpu.vector_load %arg9[%get3A_475, %get3A_476] {strides = array<i32>} : memref<64x768xf32, #tpu.memory_space<vmem>>, vector<1x16xf32>,
      %get3A_478 = vector.shape_cast %get3A_477 : vector<1x16xf32> to vector<16xf32>
      %get3A_479 = arith.index_cast %scan3A_126 : i32 to index
      %get3A_480 = arith.constant 400 : index
      %get3A_481 = tpu.vector_load %arg10[%get3A_479, %get3A_480] {strides = array<i32>} : memref<64x768xf32, #tpu.memory_space<vmem>>, vector<1x16xf32>,
      %get3A_482 = vector.shape_cast %get3A_481 : vector<1x16xf32> to vector<16xf32>
      %add3A_483 = arith.addf %get3A_478, %get3A_482 : vector<16xf32>
      %swap3A_484 = arith.index_cast %scan3A_126 : i32 to index
      %swap3A_485 = arith.constant 400 : index
      %swap3A_486 = tpu.vector_load %arg9[%swap3A_484, %swap3A_485] {strides = array<i32>} : memref<64x768xf32, #tpu.memory_space<vmem>>, vector<1x16xf32>,
      %swap3A_487 = vector.shape_cast %swap3A_486 : vector<1x16xf32> to vector<16xf32>
      %swap3A_488 = vector.shape_cast %add3A_483 : vector<16xf32> to vector<1x16xf32>
      tpu.vector_store %arg9[%swap3A_484, %swap3A_485], %swap3A_488 {strides = array<i32>} : memref<64x768xf32, #tpu.memory_space<vmem>>, vector<1x16xf32>,
      %get3A_489 = arith.index_cast %scan3A_126 : i32 to index
      %get3A_490 = arith.constant 416 : index
      %get3A_491 = tpu.vector_load %arg9[%get3A_489, %get3A_490] {strides = array<i32>} : memref<64x768xf32, #tpu.memory_space<vmem>>, vector<1x16xf32>,
      %get3A_492 = vector.shape_cast %get3A_491 : vector<1x16xf32> to vector<16xf32>
      %get3A_493 = arith.index_cast %scan3A_126 : i32 to index
      %get3A_494 = arith.constant 416 : index
      %get3A_495 = tpu.vector_load %arg10[%get3A_493, %get3A_494] {strides = array<i32>} : memref<64x768xf32, #tpu.memory_space<vmem>>, vector<1x16xf32>,
      %get3A_496 = vector.shape_cast %get3A_495 : vector<1x16xf32> to vector<16xf32>
      %add3A_497 = arith.addf %get3A_492, %get3A_496 : vector<16xf32>
      %swap3A_498 = arith.index_cast %scan3A_126 : i32 to index
      %swap3A_499 = arith.constant 416 : index
      %swap3A_500 = tpu.vector_load %arg9[%swap3A_498, %swap3A_499] {strides = array<i32>} : memref<64x768xf32, #tpu.memory_space<vmem>>, vector<1x16xf32>,
      %swap3A_501 = vector.shape_cast %swap3A_500 : vector<1x16xf32> to vector<16xf32>
      %swap3A_502 = vector.shape_cast %add3A_497 : vector<16xf32> to vector<1x16xf32>
      tpu.vector_store %arg9[%swap3A_498, %swap3A_499], %swap3A_502 {strides = array<i32>} : memref<64x768xf32, #tpu.memory_space<vmem>>, vector<1x16xf32>,
      %get3A_503 = arith.index_cast %scan3A_126 : i32 to index
      %get3A_504 = arith.constant 432 : index
      %get3A_505 = tpu.vector_load %arg9[%get3A_503, %get3A_504] {strides = array<i32>} : memref<64x768xf32, #tpu.memory_space<vmem>>, vector<1x16xf32>,
      %get3A_506 = vector.shape_cast %get3A_505 : vector<1x16xf32> to vector<16xf32>
      %get3A_507 = arith.index_cast %scan3A_126 : i32 to index
      %get3A_508 = arith.constant 432 : index
      %get3A_509 = tpu.vector_load %arg10[%get3A_507, %get3A_508] {strides = array<i32>} : memref<64x768xf32, #tpu.memory_space<vmem>>, vector<1x16xf32>,
      %get3A_510 = vector.shape_cast %get3A_509 : vector<1x16xf32> to vector<16xf32>
      %add3A_511 = arith.addf %get3A_506, %get3A_510 : vector<16xf32>
      %swap3A_512 = arith.index_cast %scan3A_126 : i32 to index
      %swap3A_513 = arith.constant 432 : index
      %swap3A_514 = tpu.vector_load %arg9[%swap3A_512, %swap3A_513] {strides = array<i32>} : memref<64x768xf32, #tpu.memory_space<vmem>>, vector<1x16xf32>,
      %swap3A_515 = vector.shape_cast %swap3A_514 : vector<1x16xf32> to vector<16xf32>
      %swap3A_516 = vector.shape_cast %add3A_511 : vector<16xf32> to vector<1x16xf32>
      tpu.vector_store %arg9[%swap3A_512, %swap3A_513], %swap3A_516 {strides = array<i32>} : memref<64x768xf32, #tpu.memory_space<vmem>>, vector<1x16xf32>,
      %get3A_517 = arith.index_cast %scan3A_126 : i32 to index
      %get3A_518 = arith.constant 448 : index
      %get3A_519 = tpu.vector_load %arg9[%get3A_517, %get3A_518] {strides = array<i32>} : memref<64x768xf32, #tpu.memory_space<vmem>>, vector<1x16xf32>,
      %get3A_520 = vector.shape_cast %get3A_519 : vector<1x16xf32> to vector<16xf32>
      %get3A_521 = arith.index_cast %scan3A_126 : i32 to index
      %get3A_522 = arith.constant 448 : index
      %get3A_523 = tpu.vector_load %arg10[%get3A_521, %get3A_522] {strides = array<i32>} : memref<64x768xf32, #tpu.memory_space<vmem>>, vector<1x16xf32>,
      %get3A_524 = vector.shape_cast %get3A_523 : vector<1x16xf32> to vector<16xf32>
      %add3A_525 = arith.addf %get3A_520, %get3A_524 : vector<16xf32>
      %swap3A_526 = arith.index_cast %scan3A_126 : i32 to index
      %swap3A_527 = arith.constant 448 : index
      %swap3A_528 = tpu.vector_load %arg9[%swap3A_526, %swap3A_527] {strides = array<i32>} : memref<64x768xf32, #tpu.memory_space<vmem>>, vector<1x16xf32>,
      %swap3A_529 = vector.shape_cast %swap3A_528 : vector<1x16xf32> to vector<16xf32>
      %swap3A_530 = vector.shape_cast %add3A_525 : vector<16xf32> to vector<1x16xf32>
      tpu.vector_store %arg9[%swap3A_526, %swap3A_527], %swap3A_530 {strides = array<i32>} : memref<64x768xf32, #tpu.memory_space<vmem>>, vector<1x16xf32>,
      %get3A_531 = arith.index_cast %scan3A_126 : i32 to index
      %get3A_532 = arith.constant 464 : index
      %get3A_533 = tpu.vector_load %arg9[%get3A_531, %get3A_532] {strides = array<i32>} : memref<64x768xf32, #tpu.memory_space<vmem>>, vector<1x16xf32>,
      %get3A_534 = vector.shape_cast %get3A_533 : vector<1x16xf32> to vector<16xf32>
      %get3A_535 = arith.index_cast %scan3A_126 : i32 to index
      %get3A_536 = arith.constant 464 : index
      %get3A_537 = tpu.vector_load %arg10[%get3A_535, %get3A_536] {strides = array<i32>} : memref<64x768xf32, #tpu.memory_space<vmem>>, vector<1x16xf32>,
      %get3A_538 = vector.shape_cast %get3A_537 : vector<1x16xf32> to vector<16xf32>
      %add3A_539 = arith.addf %get3A_534, %get3A_538 : vector<16xf32>
      %swap3A_540 = arith.index_cast %scan3A_126 : i32 to index
      %swap3A_541 = arith.constant 464 : index
      %swap3A_542 = tpu.vector_load %arg9[%swap3A_540, %swap3A_541] {strides = array<i32>} : memref<64x768xf32, #tpu.memory_space<vmem>>, vector<1x16xf32>,
      %swap3A_543 = vector.shape_cast %swap3A_542 : vector<1x16xf32> to vector<16xf32>
      %swap3A_544 = vector.shape_cast %add3A_539 : vector<16xf32> to vector<1x16xf32>
      tpu.vector_store %arg9[%swap3A_540, %swap3A_541], %swap3A_544 {strides = array<i32>} : memref<64x768xf32, #tpu.memory_space<vmem>>, vector<1x16xf32>,
      %get3A_545 = arith.index_cast %scan3A_126 : i32 to index
      %get3A_546 = arith.constant 480 : index
      %get3A_547 = tpu.vector_load %arg9[%get3A_545, %get3A_546] {strides = array<i32>} : memref<64x768xf32, #tpu.memory_space<vmem>>, vector<1x16xf32>,
      %get3A_548 = vector.shape_cast %get3A_547 : vector<1x16xf32> to vector<16xf32>
      %get3A_549 = arith.index_cast %scan3A_126 : i32 to index
      %get3A_550 = arith.constant 480 : index
      %get3A_551 = tpu.vector_load %arg10[%get3A_549, %get3A_550] {strides = array<i32>} : memref<64x768xf32, #tpu.memory_space<vmem>>, vector<1x16xf32>,
      %get3A_552 = vector.shape_cast %get3A_551 : vector<1x16xf32> to vector<16xf32>
      %add3A_553 = arith.addf %get3A_548, %get3A_552 : vector<16xf32>
      %swap3A_554 = arith.index_cast %scan3A_126 : i32 to index
      %swap3A_555 = arith.constant 480 : index
      %swap3A_556 = tpu.vector_load %arg9[%swap3A_554, %swap3A_555] {strides = array<i32>} : memref<64x768xf32, #tpu.memory_space<vmem>>, vector<1x16xf32>,
      %swap3A_557 = vector.shape_cast %swap3A_556 : vector<1x16xf32> to vector<16xf32>
      %swap3A_558 = vector.shape_cast %add3A_553 : vector<16xf32> to vector<1x16xf32>
      tpu.vector_store %arg9[%swap3A_554, %swap3A_555], %swap3A_558 {strides = array<i32>} : memref<64x768xf32, #tpu.memory_space<vmem>>, vector<1x16xf32>,
      %get3A_559 = arith.index_cast %scan3A_126 : i32 to index
      %get3A_560 = arith.constant 496 : index
      %get3A_561 = tpu.vector_load %arg9[%get3A_559, %get3A_560] {strides = array<i32>} : memref<64x768xf32, #tpu.memory_space<vmem>>, vector<1x16xf32>,
      %get3A_562 = vector.shape_cast %get3A_561 : vector<1x16xf32> to vector<16xf32>
      %get3A_563 = arith.index_cast %scan3A_126 : i32 to index
      %get3A_564 = arith.constant 496 : index
      %get3A_565 = tpu.vector_load %arg10[%get3A_563, %get3A_564] {strides = array<i32>} : memref<64x768xf32, #tpu.memory_space<vmem>>, vector<1x16xf32>,
      %get3A_566 = vector.shape_cast %get3A_565 : vector<1x16xf32> to vector<16xf32>
      %add3A_567 = arith.addf %get3A_562, %get3A_566 : vector<16xf32>
      %swap3A_568 = arith.index_cast %scan3A_126 : i32 to index
      %swap3A_569 = arith.constant 496 : index
      %swap3A_570 = tpu.vector_load %arg9[%swap3A_568, %swap3A_569] {strides = array<i32>} : memref<64x768xf32, #tpu.memory_space<vmem>>, vector<1x16xf32>,
      %swap3A_571 = vector.shape_cast %swap3A_570 : vector<1x16xf32> to vector<16xf32>
      %swap3A_572 = vector.shape_cast %add3A_567 : vector<16xf32> to vector<1x16xf32>
      tpu.vector_store %arg9[%swap3A_568, %swap3A_569], %swap3A_572 {strides = array<i32>} : memref<64x768xf32, #tpu.memory_space<vmem>>, vector<1x16xf32>,
      %get3A_573 = arith.index_cast %scan3A_126 : i32 to index
      %get3A_574 = arith.constant 512 : index
      %get3A_575 = tpu.vector_load %arg9[%get3A_573, %get3A_574] {strides = array<i32>} : memref<64x768xf32, #tpu.memory_space<vmem>>, vector<1x16xf32>,
      %get3A_576 = vector.shape_cast %get3A_575 : vector<1x16xf32> to vector<16xf32>
      %get3A_577 = arith.index_cast %scan3A_126 : i32 to index
      %get3A_578 = arith.constant 512 : index
      %get3A_579 = tpu.vector_load %arg10[%get3A_577, %get3A_578] {strides = array<i32>} : memref<64x768xf32, #tpu.memory_space<vmem>>, vector<1x16xf32>,
      %get3A_580 = vector.shape_cast %get3A_579 : vector<1x16xf32> to vector<16xf32>
      %add3A_581 = arith.addf %get3A_576, %get3A_580 : vector<16xf32>
      %swap3A_582 = arith.index_cast %scan3A_126 : i32 to index
      %swap3A_583 = arith.constant 512 : index
      %swap3A_584 = tpu.vector_load %arg9[%swap3A_582, %swap3A_583] {strides = array<i32>} : memref<64x768xf32, #tpu.memory_space<vmem>>, vector<1x16xf32>,
      %swap3A_585 = vector.shape_cast %swap3A_584 : vector<1x16xf32> to vector<16xf32>
      %swap3A_586 = vector.shape_cast %add3A_581 : vector<16xf32> to vector<1x16xf32>
      tpu.vector_store %arg9[%swap3A_582, %swap3A_583], %swap3A_586 {strides = array<i32>} : memref<64x768xf32, #tpu.memory_space<vmem>>, vector<1x16xf32>,
      %get3A_587 = arith.index_cast %scan3A_126 : i32 to index
      %get3A_588 = arith.constant 528 : index
      %get3A_589 = tpu.vector_load %arg9[%get3A_587, %get3A_588] {strides = array<i32>} : memref<64x768xf32, #tpu.memory_space<vmem>>, vector<1x16xf32>,
      %get3A_590 = vector.shape_cast %get3A_589 : vector<1x16xf32> to vector<16xf32>
      %get3A_591 = arith.index_cast %scan3A_126 : i32 to index
      %get3A_592 = arith.constant 528 : index
      %get3A_593 = tpu.vector_load %arg10[%get3A_591, %get3A_592] {strides = array<i32>} : memref<64x768xf32, #tpu.memory_space<vmem>>, vector<1x16xf32>,
      %get3A_594 = vector.shape_cast %get3A_593 : vector<1x16xf32> to vector<16xf32>
      %add3A_595 = arith.addf %get3A_590, %get3A_594 : vector<16xf32>
      %swap3A_596 = arith.index_cast %scan3A_126 : i32 to index
      %swap3A_597 = arith.constant 528 : index
      %swap3A_598 = tpu.vector_load %arg9[%swap3A_596, %swap3A_597] {strides = array<i32>} : memref<64x768xf32, #tpu.memory_space<vmem>>, vector<1x16xf32>,
      %swap3A_599 = vector.shape_cast %swap3A_598 : vector<1x16xf32> to vector<16xf32>
      %swap3A_600 = vector.shape_cast %add3A_595 : vector<16xf32> to vector<1x16xf32>
      tpu.vector_store %arg9[%swap3A_596, %swap3A_597], %swap3A_600 {strides = array<i32>} : memref<64x768xf32, #tpu.memory_space<vmem>>, vector<1x16xf32>,
      %get3A_601 = arith.index_cast %scan3A_126 : i32 to index
      %get3A_602 = arith.constant 544 : index
      %get3A_603 = tpu.vector_load %arg9[%get3A_601, %get3A_602] {strides = array<i32>} : memref<64x768xf32, #tpu.memory_space<vmem>>, vector<1x16xf32>,
      %get3A_604 = vector.shape_cast %get3A_603 : vector<1x16xf32> to vector<16xf32>
      %get3A_605 = arith.index_cast %scan3A_126 : i32 to index
      %get3A_606 = arith.constant 544 : index
      %get3A_607 = tpu.vector_load %arg10[%get3A_605, %get3A_606] {strides = array<i32>} : memref<64x768xf32, #tpu.memory_space<vmem>>, vector<1x16xf32>,
      %get3A_608 = vector.shape_cast %get3A_607 : vector<1x16xf32> to vector<16xf32>
      %add3A_609 = arith.addf %get3A_604, %get3A_608 : vector<16xf32>
      %swap3A_610 = arith.index_cast %scan3A_126 : i32 to index
      %swap3A_611 = arith.constant 544 : index
      %swap3A_612 = tpu.vector_load %arg9[%swap3A_610, %swap3A_611] {strides = array<i32>} : memref<64x768xf32, #tpu.memory_space<vmem>>, vector<1x16xf32>,
      %swap3A_613 = vector.shape_cast %swap3A_612 : vector<1x16xf32> to vector<16xf32>
      %swap3A_614 = vector.shape_cast %add3A_609 : vector<16xf32> to vector<1x16xf32>
      tpu.vector_store %arg9[%swap3A_610, %swap3A_611], %swap3A_614 {strides = array<i32>} : memref<64x768xf32, #tpu.memory_space<vmem>>, vector<1x16xf32>,
      %get3A_615 = arith.index_cast %scan3A_126 : i32 to index
      %get3A_616 = arith.constant 560 : index
      %get3A_617 = tpu.vector_load %arg9[%get3A_615, %get3A_616] {strides = array<i32>} : memref<64x768xf32, #tpu.memory_space<vmem>>, vector<1x16xf32>,
      %get3A_618 = vector.shape_cast %get3A_617 : vector<1x16xf32> to vector<16xf32>
      %get3A_619 = arith.index_cast %scan3A_126 : i32 to index
      %get3A_620 = arith.constant 560 : index
      %get3A_621 = tpu.vector_load %arg10[%get3A_619, %get3A_620] {strides = array<i32>} : memref<64x768xf32, #tpu.memory_space<vmem>>, vector<1x16xf32>,
      %get3A_622 = vector.shape_cast %get3A_621 : vector<1x16xf32> to vector<16xf32>
      %add3A_623 = arith.addf %get3A_618, %get3A_622 : vector<16xf32>
      %swap3A_624 = arith.index_cast %scan3A_126 : i32 to index
      %swap3A_625 = arith.constant 560 : index
      %swap3A_626 = tpu.vector_load %arg9[%swap3A_624, %swap3A_625] {strides = array<i32>} : memref<64x768xf32, #tpu.memory_space<vmem>>, vector<1x16xf32>,
      %swap3A_627 = vector.shape_cast %swap3A_626 : vector<1x16xf32> to vector<16xf32>
      %swap3A_628 = vector.shape_cast %add3A_623 : vector<16xf32> to vector<1x16xf32>
      tpu.vector_store %arg9[%swap3A_624, %swap3A_625], %swap3A_628 {strides = array<i32>} : memref<64x768xf32, #tpu.memory_space<vmem>>, vector<1x16xf32>,
      %get3A_629 = arith.index_cast %scan3A_126 : i32 to index
      %get3A_630 = arith.constant 576 : index
      %get3A_631 = tpu.vector_load %arg9[%get3A_629, %get3A_630] {strides = array<i32>} : memref<64x768xf32, #tpu.memory_space<vmem>>, vector<1x16xf32>,
      %get3A_632 = vector.shape_cast %get3A_631 : vector<1x16xf32> to vector<16xf32>
      %get3A_633 = arith.index_cast %scan3A_126 : i32 to index
      %get3A_634 = arith.constant 576 : index
      %get3A_635 = tpu.vector_load %arg10[%get3A_633, %get3A_634] {strides = array<i32>} : memref<64x768xf32, #tpu.memory_space<vmem>>, vector<1x16xf32>,
      %get3A_636 = vector.shape_cast %get3A_635 : vector<1x16xf32> to vector<16xf32>
      %add3A_637 = arith.addf %get3A_632, %get3A_636 : vector<16xf32>
      %swap3A_638 = arith.index_cast %scan3A_126 : i32 to index
      %swap3A_639 = arith.constant 576 : index
      %swap3A_640 = tpu.vector_load %arg9[%swap3A_638, %swap3A_639] {strides = array<i32>} : memref<64x768xf32, #tpu.memory_space<vmem>>, vector<1x16xf32>,
      %swap3A_641 = vector.shape_cast %swap3A_640 : vector<1x16xf32> to vector<16xf32>
      %swap3A_642 = vector.shape_cast %add3A_637 : vector<16xf32> to vector<1x16xf32>
      tpu.vector_store %arg9[%swap3A_638, %swap3A_639], %swap3A_642 {strides = array<i32>} : memref<64x768xf32, #tpu.memory_space<vmem>>, vector<1x16xf32>,
      %get3A_643 = arith.index_cast %scan3A_126 : i32 to index
      %get3A_644 = arith.constant 592 : index
      %get3A_645 = tpu.vector_load %arg9[%get3A_643, %get3A_644] {strides = array<i32>} : memref<64x768xf32, #tpu.memory_space<vmem>>, vector<1x16xf32>,
      %get3A_646 = vector.shape_cast %get3A_645 : vector<1x16xf32> to vector<16xf32>
      %get3A_647 = arith.index_cast %scan3A_126 : i32 to index
      %get3A_648 = arith.constant 592 : index
      %get3A_649 = tpu.vector_load %arg10[%get3A_647, %get3A_648] {strides = array<i32>} : memref<64x768xf32, #tpu.memory_space<vmem>>, vector<1x16xf32>,
      %get3A_650 = vector.shape_cast %get3A_649 : vector<1x16xf32> to vector<16xf32>
      %add3A_651 = arith.addf %get3A_646, %get3A_650 : vector<16xf32>
      %swap3A_652 = arith.index_cast %scan3A_126 : i32 to index
      %swap3A_653 = arith.constant 592 : index
      %swap3A_654 = tpu.vector_load %arg9[%swap3A_652, %swap3A_653] {strides = array<i32>} : memref<64x768xf32, #tpu.memory_space<vmem>>, vector<1x16xf32>,
      %swap3A_655 = vector.shape_cast %swap3A_654 : vector<1x16xf32> to vector<16xf32>
      %swap3A_656 = vector.shape_cast %add3A_651 : vector<16xf32> to vector<1x16xf32>
      tpu.vector_store %arg9[%swap3A_652, %swap3A_653], %swap3A_656 {strides = array<i32>} : memref<64x768xf32, #tpu.memory_space<vmem>>, vector<1x16xf32>,
      %get3A_657 = arith.index_cast %scan3A_126 : i32 to index
      %get3A_658 = arith.constant 608 : index
      %get3A_659 = tpu.vector_load %arg9[%get3A_657, %get3A_658] {strides = array<i32>} : memref<64x768xf32, #tpu.memory_space<vmem>>, vector<1x16xf32>,
      %get3A_660 = vector.shape_cast %get3A_659 : vector<1x16xf32> to vector<16xf32>
      %get3A_661 = arith.index_cast %scan3A_126 : i32 to index
      %get3A_662 = arith.constant 608 : index
      %get3A_663 = tpu.vector_load %arg10[%get3A_661, %get3A_662] {strides = array<i32>} : memref<64x768xf32, #tpu.memory_space<vmem>>, vector<1x16xf32>,
      %get3A_664 = vector.shape_cast %get3A_663 : vector<1x16xf32> to vector<16xf32>
      %add3A_665 = arith.addf %get3A_660, %get3A_664 : vector<16xf32>
      %swap3A_666 = arith.index_cast %scan3A_126 : i32 to index
      %swap3A_667 = arith.constant 608 : index
      %swap3A_668 = tpu.vector_load %arg9[%swap3A_666, %swap3A_667] {strides = array<i32>} : memref<64x768xf32, #tpu.memory_space<vmem>>, vector<1x16xf32>,
      %swap3A_669 = vector.shape_cast %swap3A_668 : vector<1x16xf32> to vector<16xf32>
      %swap3A_670 = vector.shape_cast %add3A_665 : vector<16xf32> to vector<1x16xf32>
      tpu.vector_store %arg9[%swap3A_666, %swap3A_667], %swap3A_670 {strides = array<i32>} : memref<64x768xf32, #tpu.memory_space<vmem>>, vector<1x16xf32>,
      %get3A_671 = arith.index_cast %scan3A_126 : i32 to index
      %get3A_672 = arith.constant 624 : index
      %get3A_673 = tpu.vector_load %arg9[%get3A_671, %get3A_672] {strides = array<i32>} : memref<64x768xf32, #tpu.memory_space<vmem>>, vector<1x16xf32>,
      %get3A_674 = vector.shape_cast %get3A_673 : vector<1x16xf32> to vector<16xf32>
      %get3A_675 = arith.index_cast %scan3A_126 : i32 to index
      %get3A_676 = arith.constant 624 : index
      %get3A_677 = tpu.vector_load %arg10[%get3A_675, %get3A_676] {strides = array<i32>} : memref<64x768xf32, #tpu.memory_space<vmem>>, vector<1x16xf32>,
      %get3A_678 = vector.shape_cast %get3A_677 : vector<1x16xf32> to vector<16xf32>
      %add3A_679 = arith.addf %get3A_674, %get3A_678 : vector<16xf32>
      %swap3A_680 = arith.index_cast %scan3A_126 : i32 to index
      %swap3A_681 = arith.constant 624 : index
      %swap3A_682 = tpu.vector_load %arg9[%swap3A_680, %swap3A_681] {strides = array<i32>} : memref<64x768xf32, #tpu.memory_space<vmem>>, vector<1x16xf32>,
      %swap3A_683 = vector.shape_cast %swap3A_682 : vector<1x16xf32> to vector<16xf32>
      %swap3A_684 = vector.shape_cast %add3A_679 : vector<16xf32> to vector<1x16xf32>
      tpu.vector_store %arg9[%swap3A_680, %swap3A_681], %swap3A_684 {strides = array<i32>} : memref<64x768xf32, #tpu.memory_space<vmem>>, vector<1x16xf32>,
      %get3A_685 = arith.index_cast %scan3A_126 : i32 to index
      %get3A_686 = arith.constant 640 : index
      %get3A_687 = tpu.vector_load %arg9[%get3A_685, %get3A_686] {strides = array<i32>} : memref<64x768xf32, #tpu.memory_space<vmem>>, vector<1x16xf32>,
      %get3A_688 = vector.shape_cast %get3A_687 : vector<1x16xf32> to vector<16xf32>
      %get3A_689 = arith.index_cast %scan3A_126 : i32 to index
      %get3A_690 = arith.constant 640 : index
      %get3A_691 = tpu.vector_load %arg10[%get3A_689, %get3A_690] {strides = array<i32>} : memref<64x768xf32, #tpu.memory_space<vmem>>, vector<1x16xf32>,
      %get3A_692 = vector.shape_cast %get3A_691 : vector<1x16xf32> to vector<16xf32>
      %add3A_693 = arith.addf %get3A_688, %get3A_692 : vector<16xf32>
      %swap3A_694 = arith.index_cast %scan3A_126 : i32 to index
      %swap3A_695 = arith.constant 640 : index
      %swap3A_696 = tpu.vector_load %arg9[%swap3A_694, %swap3A_695] {strides = array<i32>} : memref<64x768xf32, #tpu.memory_space<vmem>>, vector<1x16xf32>,
      %swap3A_697 = vector.shape_cast %swap3A_696 : vector<1x16xf32> to vector<16xf32>
      %swap3A_698 = vector.shape_cast %add3A_693 : vector<16xf32> to vector<1x16xf32>
      tpu.vector_store %arg9[%swap3A_694, %swap3A_695], %swap3A_698 {strides = array<i32>} : memref<64x768xf32, #tpu.memory_space<vmem>>, vector<1x16xf32>,
      %get3A_699 = arith.index_cast %scan3A_126 : i32 to index
      %get3A_700 = arith.constant 656 : index
      %get3A_701 = tpu.vector_load %arg9[%get3A_699, %get3A_700] {strides = array<i32>} : memref<64x768xf32, #tpu.memory_space<vmem>>, vector<1x16xf32>,
      %get3A_702 = vector.shape_cast %get3A_701 : vector<1x16xf32> to vector<16xf32>
      %get3A_703 = arith.index_cast %scan3A_126 : i32 to index
      %get3A_704 = arith.constant 656 : index
      %get3A_705 = tpu.vector_load %arg10[%get3A_703, %get3A_704] {strides = array<i32>} : memref<64x768xf32, #tpu.memory_space<vmem>>, vector<1x16xf32>,
      %get3A_706 = vector.shape_cast %get3A_705 : vector<1x16xf32> to vector<16xf32>
      %add3A_707 = arith.addf %get3A_702, %get3A_706 : vector<16xf32>
      %swap3A_708 = arith.index_cast %scan3A_126 : i32 to index
      %swap3A_709 = arith.constant 656 : index
      %swap3A_710 = tpu.vector_load %arg9[%swap3A_708, %swap3A_709] {strides = array<i32>} : memref<64x768xf32, #tpu.memory_space<vmem>>, vector<1x16xf32>,
      %swap3A_711 = vector.shape_cast %swap3A_710 : vector<1x16xf32> to vector<16xf32>
      %swap3A_712 = vector.shape_cast %add3A_707 : vector<16xf32> to vector<1x16xf32>
      tpu.vector_store %arg9[%swap3A_708, %swap3A_709], %swap3A_712 {strides = array<i32>} : memref<64x768xf32, #tpu.memory_space<vmem>>, vector<1x16xf32>,
      %get3A_713 = arith.index_cast %scan3A_126 : i32 to index
      %get3A_714 = arith.constant 672 : index
      %get3A_715 = tpu.vector_load %arg9[%get3A_713, %get3A_714] {strides = array<i32>} : memref<64x768xf32, #tpu.memory_space<vmem>>, vector<1x16xf32>,
      %get3A_716 = vector.shape_cast %get3A_715 : vector<1x16xf32> to vector<16xf32>
      %get3A_717 = arith.index_cast %scan3A_126 : i32 to index
      %get3A_718 = arith.constant 672 : index
      %get3A_719 = tpu.vector_load %arg10[%get3A_717, %get3A_718] {strides = array<i32>} : memref<64x768xf32, #tpu.memory_space<vmem>>, vector<1x16xf32>,
      %get3A_720 = vector.shape_cast %get3A_719 : vector<1x16xf32> to vector<16xf32>
      %add3A_721 = arith.addf %get3A_716, %get3A_720 : vector<16xf32>
      %swap3A_722 = arith.index_cast %scan3A_126 : i32 to index
      %swap3A_723 = arith.constant 672 : index
      %swap3A_724 = tpu.vector_load %arg9[%swap3A_722, %swap3A_723] {strides = array<i32>} : memref<64x768xf32, #tpu.memory_space<vmem>>, vector<1x16xf32>,
      %swap3A_725 = vector.shape_cast %swap3A_724 : vector<1x16xf32> to vector<16xf32>
      %swap3A_726 = vector.shape_cast %add3A_721 : vector<16xf32> to vector<1x16xf32>
      tpu.vector_store %arg9[%swap3A_722, %swap3A_723], %swap3A_726 {strides = array<i32>} : memref<64x768xf32, #tpu.memory_space<vmem>>, vector<1x16xf32>,
      %get3A_727 = arith.index_cast %scan3A_126 : i32 to index
      %get3A_728 = arith.constant 688 : index
      %get3A_729 = tpu.vector_load %arg9[%get3A_727, %get3A_728] {strides = array<i32>} : memref<64x768xf32, #tpu.memory_space<vmem>>, vector<1x16xf32>,
      %get3A_730 = vector.shape_cast %get3A_729 : vector<1x16xf32> to vector<16xf32>
      %get3A_731 = arith.index_cast %scan3A_126 : i32 to index
      %get3A_732 = arith.constant 688 : index
      %get3A_733 = tpu.vector_load %arg10[%get3A_731, %get3A_732] {strides = array<i32>} : memref<64x768xf32, #tpu.memory_space<vmem>>, vector<1x16xf32>,
      %get3A_734 = vector.shape_cast %get3A_733 : vector<1x16xf32> to vector<16xf32>
      %add3A_735 = arith.addf %get3A_730, %get3A_734 : vector<16xf32>
      %swap3A_736 = arith.index_cast %scan3A_126 : i32 to index
      %swap3A_737 = arith.constant 688 : index
      %swap3A_738 = tpu.vector_load %arg9[%swap3A_736, %swap3A_737] {strides = array<i32>} : memref<64x768xf32, #tpu.memory_space<vmem>>, vector<1x16xf32>,
      %swap3A_739 = vector.shape_cast %swap3A_738 : vector<1x16xf32> to vector<16xf32>
      %swap3A_740 = vector.shape_cast %add3A_735 : vector<16xf32> to vector<1x16xf32>
      tpu.vector_store %arg9[%swap3A_736, %swap3A_737], %swap3A_740 {strides = array<i32>} : memref<64x768xf32, #tpu.memory_space<vmem>>, vector<1x16xf32>,
      %get3A_741 = arith.index_cast %scan3A_126 : i32 to index
      %get3A_742 = arith.constant 704 : index
      %get3A_743 = tpu.vector_load %arg9[%get3A_741, %get3A_742] {strides = array<i32>} : memref<64x768xf32, #tpu.memory_space<vmem>>, vector<1x16xf32>,
      %get3A_744 = vector.shape_cast %get3A_743 : vector<1x16xf32> to vector<16xf32>
      %get3A_745 = arith.index_cast %scan3A_126 : i32 to index
      %get3A_746 = arith.constant 704 : index
      %get3A_747 = tpu.vector_load %arg10[%get3A_745, %get3A_746] {strides = array<i32>} : memref<64x768xf32, #tpu.memory_space<vmem>>, vector<1x16xf32>,
      %get3A_748 = vector.shape_cast %get3A_747 : vector<1x16xf32> to vector<16xf32>
      %add3A_749 = arith.addf %get3A_744, %get3A_748 : vector<16xf32>
      %swap3A_750 = arith.index_cast %scan3A_126 : i32 to index
      %swap3A_751 = arith.constant 704 : index
      %swap3A_752 = tpu.vector_load %arg9[%swap3A_750, %swap3A_751] {strides = array<i32>} : memref<64x768xf32, #tpu.memory_space<vmem>>, vector<1x16xf32>,
      %swap3A_753 = vector.shape_cast %swap3A_752 : vector<1x16xf32> to vector<16xf32>
      %swap3A_754 = vector.shape_cast %add3A_749 : vector<16xf32> to vector<1x16xf32>
      tpu.vector_store %arg9[%swap3A_750, %swap3A_751], %swap3A_754 {strides = array<i32>} : memref<64x768xf32, #tpu.memory_space<vmem>>, vector<1x16xf32>,
      %get3A_755 = arith.index_cast %scan3A_126 : i32 to index
      %get3A_756 = arith.constant 720 : index
      %get3A_757 = tpu.vector_load %arg9[%get3A_755, %get3A_756] {strides = array<i32>} : memref<64x768xf32, #tpu.memory_space<vmem>>, vector<1x16xf32>,
      %get3A_758 = vector.shape_cast %get3A_757 : vector<1x16xf32> to vector<16xf32>
      %get3A_759 = arith.index_cast %scan3A_126 : i32 to index
      %get3A_760 = arith.constant 720 : index
      %get3A_761 = tpu.vector_load %arg10[%get3A_759, %get3A_760] {strides = array<i32>} : memref<64x768xf32, #tpu.memory_space<vmem>>, vector<1x16xf32>,
      %get3A_762 = vector.shape_cast %get3A_761 : vector<1x16xf32> to vector<16xf32>
      %add3A_763 = arith.addf %get3A_758, %get3A_762 : vector<16xf32>
      %swap3A_764 = arith.index_cast %scan3A_126 : i32 to index
      %swap3A_765 = arith.constant 720 : index
      %swap3A_766 = tpu.vector_load %arg9[%swap3A_764, %swap3A_765] {strides = array<i32>} : memref<64x768xf32, #tpu.memory_space<vmem>>, vector<1x16xf32>,
      %swap3A_767 = vector.shape_cast %swap3A_766 : vector<1x16xf32> to vector<16xf32>
      %swap3A_768 = vector.shape_cast %add3A_763 : vector<16xf32> to vector<1x16xf32>
      tpu.vector_store %arg9[%swap3A_764, %swap3A_765], %swap3A_768 {strides = array<i32>} : memref<64x768xf32, #tpu.memory_space<vmem>>, vector<1x16xf32>,
      %get3A_769 = arith.index_cast %scan3A_126 : i32 to index
      %get3A_770 = arith.constant 736 : index
      %get3A_771 = tpu.vector_load %arg9[%get3A_769, %get3A_770] {strides = array<i32>} : memref<64x768xf32, #tpu.memory_space<vmem>>, vector<1x16xf32>,
      %get3A_772 = vector.shape_cast %get3A_771 : vector<1x16xf32> to vector<16xf32>
      %get3A_773 = arith.index_cast %scan3A_126 : i32 to index
      %get3A_774 = arith.constant 736 : index
      %get3A_775 = tpu.vector_load %arg10[%get3A_773, %get3A_774] {strides = array<i32>} : memref<64x768xf32, #tpu.memory_space<vmem>>, vector<1x16xf32>,
      %get3A_776 = vector.shape_cast %get3A_775 : vector<1x16xf32> to vector<16xf32>
      %add3A_777 = arith.addf %get3A_772, %get3A_776 : vector<16xf32>
      %swap3A_778 = arith.index_cast %scan3A_126 : i32 to index
      %swap3A_779 = arith.constant 736 : index
      %swap3A_780 = tpu.vector_load %arg9[%swap3A_778, %swap3A_779] {strides = array<i32>} : memref<64x768xf32, #tpu.memory_space<vmem>>, vector<1x16xf32>,
      %swap3A_781 = vector.shape_cast %swap3A_780 : vector<1x16xf32> to vector<16xf32>
      %swap3A_782 = vector.shape_cast %add3A_777 : vector<16xf32> to vector<1x16xf32>
      tpu.vector_store %arg9[%swap3A_778, %swap3A_779], %swap3A_782 {strides = array<i32>} : memref<64x768xf32, #tpu.memory_space<vmem>>, vector<1x16xf32>,
      %get3A_783 = arith.index_cast %scan3A_126 : i32 to index
      %get3A_784 = arith.constant 752 : index
      %get3A_785 = tpu.vector_load %arg9[%get3A_783, %get3A_784] {strides = array<i32>} : memref<64x768xf32, #tpu.memory_space<vmem>>, vector<1x16xf32>,
      %get3A_786 = vector.shape_cast %get3A_785 : vector<1x16xf32> to vector<16xf32>
      %get3A_787 = arith.index_cast %scan3A_126 : i32 to index
      %get3A_788 = arith.constant 752 : index
      %get3A_789 = tpu.vector_load %arg10[%get3A_787, %get3A_788] {strides = array<i32>} : memref<64x768xf32, #tpu.memory_space<vmem>>, vector<1x16xf32>,
      %get3A_790 = vector.shape_cast %get3A_789 : vector<1x16xf32> to vector<16xf32>
      %add3A_791 = arith.addf %get3A_786, %get3A_790 : vector<16xf32>
      %swap3A_792 = arith.index_cast %scan3A_126 : i32 to index
      %swap3A_793 = arith.constant 752 : index
      %swap3A_794 = tpu.vector_load %arg9[%swap3A_792, %swap3A_793] {strides = array<i32>} : memref<64x768xf32, #tpu.memory_space<vmem>>, vector<1x16xf32>,
      %swap3A_795 = vector.shape_cast %swap3A_794 : vector<1x16xf32> to vector<16xf32>
      %swap3A_796 = vector.shape_cast %add3A_791 : vector<16xf32> to vector<1x16xf32>
      tpu.vector_store %arg9[%swap3A_792, %swap3A_793], %swap3A_796 {strides = array<i32>} : memref<64x768xf32, #tpu.memory_space<vmem>>, vector<1x16xf32>,
    }
    %scan3A_113 = arith.constant 32 : i32
    %dma_wait3A_114 = arith.constant 0 : i32
    %dma_wait3A_115 = arith.constant 0 : i32
    %dma_wait3A_116 = tpu.memref_slice %arg9[%dma_wait3A_114, %dma_wait3A_115] : memref<64x768xf32, #tpu.memory_space<vmem>> -> memref<32x768xf32, #tpu.memory_space<vmem>>
    %dma_wait3A_117 = arith.constant 0 : i32
    %dma_wait3A_118 = tpu.memref_slice %arg4[%mul3A_2, %dma_wait3A_117] : memref<2048x768xf32, #tpu.memory_space<hbm>> -> memref<32x768xf32, #tpu.memory_space<hbm>>
    %dma_wait3A_119 = arith.constant 0 : i32
    %dma_wait3A_120 = tpu.memref_slice %arg4[%mul3A_2, %dma_wait3A_119] : memref<2048x768xf32, #tpu.memory_space<hbm>> -> memref<32x768xf32, #tpu.memory_space<hbm>>
    %dma_wait3A_121 = arith.constant 0 : i32
    %dma_wait3A_122 = arith.constant 0 : i32
    %dma_wait3A_123 = tpu.memref_slice %arg9[%dma_wait3A_121, %dma_wait3A_122] : memref<64x768xf32, #tpu.memory_space<vmem>> -> memref<32x768xf32, #tpu.memory_space<vmem>>
    tpu.wait_dma2 semaphore(%arg15 : memref<!tpu.dma_semaphore, #tpu.memory_space<semaphore_mem>>) src(%dma_wait3A_123 : memref<32x768xf32, #tpu.memory_space<vmem>>) dst(%dma_wait3A_120 : memref<32x768xf32, #tpu.memory_space<hbm>>)
    %add3A_124 = arith.constant 32 : i32
    %add3A_125 = arith.addi %mul3A_2, %add3A_124 : i32
    "tpu.region"() ({
      %run_scoped3A = tpu.sem_alloc : memref<!tpu.dma_semaphore, #tpu.memory_space<semaphore_mem>>
      %dma_start3A_126 = arith.constant 32 : i32
      %dma_start3A_127 = arith.constant 0 : i32
      %dma_start3A_128 = tpu.memref_slice %arg9[%dma_start3A_126, %dma_start3A_127] : memref<64x768xf32, #tpu.memory_space<vmem>> -> memref<32x768xf32, #tpu.memory_space<vmem>>
      %dma_start3A_129 = arith.constant 0 : i32
      %dma_start3A_130 = tpu.memref_slice %arg4[%add3A_125, %dma_start3A_129] : memref<2048x768xf32, #tpu.memory_space<hbm>> -> memref<32x768xf32, #tpu.memory_space<hbm>>
      %dma_start3A_131 = arith.constant 0 : i32
      %dma_start3A_132 = tpu.memref_slice %arg4[%add3A_125, %dma_start3A_131] : memref<2048x768xf32, #tpu.memory_space<hbm>> -> memref<32x768xf32, #tpu.memory_space<hbm>>
      %dma_start3A_133 = arith.constant 32 : i32
      %dma_start3A_134 = arith.constant 0 : i32
      %dma_start3A_135 = tpu.memref_slice %arg9[%dma_start3A_133, %dma_start3A_134] : memref<64x768xf32, #tpu.memory_space<vmem>> -> memref<32x768xf32, #tpu.memory_space<vmem>>
      tpu.enqueue_dma source(%dma_start3A_135 : memref<32x768xf32, #tpu.memory_space<vmem>>) target(%dma_start3A_132 : memref<32x768xf32, #tpu.memory_space<hbm>>) target_semaphore(%run_scoped3A : memref<!tpu.dma_semaphore, #tpu.memory_space<semaphore_mem>>)
      %dma_wait3A_136 = arith.constant 32 : i32
      %dma_wait3A_137 = arith.constant 0 : i32
      %dma_wait3A_138 = tpu.memref_slice %arg9[%dma_wait3A_136, %dma_wait3A_137] : memref<64x768xf32, #tpu.memory_space<vmem>> -> memref<32x768xf32, #tpu.memory_space<vmem>>
      %dma_wait3A_139 = arith.constant 0 : i32
      %dma_wait3A_140 = tpu.memref_slice %arg4[%add3A_125, %dma_wait3A_139] : memref<2048x768xf32, #tpu.memory_space<hbm>> -> memref<32x768xf32, #tpu.memory_space<hbm>>
      %dma_wait3A_141 = arith.constant 0 : i32
      %dma_wait3A_142 = tpu.memref_slice %arg4[%add3A_125, %dma_wait3A_141] : memref<2048x768xf32, #tpu.memory_space<hbm>> -> memref<32x768xf32, #tpu.memory_space<hbm>>
      %dma_wait3A_143 = arith.constant 32 : i32
      %dma_wait3A_144 = arith.constant 0 : i32
      %dma_wait3A_145 = tpu.memref_slice %arg9[%dma_wait3A_143, %dma_wait3A_144] : memref<64x768xf32, #tpu.memory_space<vmem>> -> memref<32x768xf32, #tpu.memory_space<vmem>>
      tpu.wait_dma2 semaphore(%run_scoped3A : memref<!tpu.dma_semaphore, #tpu.memory_space<semaphore_mem>>) src(%dma_wait3A_145 : memref<32x768xf32, #tpu.memory_space<vmem>>) dst(%dma_wait3A_142 : memref<32x768xf32, #tpu.memory_space<hbm>>)
      tpu.yield
    }) : () -> ()
    return
  }
}

#map = affine_map<(d0, d1) -> (0, 0)>
module attributes {stable_mosaic.version = 14 : i64} {
  func.func @_sc_scatter(%arg0: i32, %arg1: i32, %arg2: memref<2048x384xi32, #tpu.memory_space<hbm>>, %arg3: memref<2048x384xi32, #tpu.memory_space<hbm>>, %arg4: memref<2x2048xi32, #tpu.memory_space<hbm>>, %arg5: memref<12288x384xi32, #tpu.memory_space<hbm>>, %arg6: memref<64xi32, #tpu.memory_space<vmem>>, %arg7: memref<64xi32, #tpu.memory_space<vmem>>, %arg8: memref<64x384xi32, #tpu.memory_space<vmem>>, %arg9: memref<64x384xi32, #tpu.memory_space<vmem>>, %arg10: memref<!tpu.dma_semaphore, #tpu.memory_space<semaphore_mem>>, %arg11: memref<!tpu.dma_semaphore, #tpu.memory_space<semaphore_mem>>, %arg12: memref<!tpu.dma_semaphore, #tpu.memory_space<semaphore_mem>>, %arg13: memref<!tpu.dma_semaphore, #tpu.memory_space<semaphore_mem>>) attributes {dimension_semantics = [#tpu.dimension_semantics<core_parallel>, #tpu.dimension_semantics<subcore_parallel>], iteration_bounds = array<i64: 2, 16>, scalar_prefetch = 0 : i64, scratch_operands = 8 : i64, tpu.core_type = #tpu.core_type<sc_vector_subcore>, window_params = [{transform_indices = #map}, {transform_indices = #map}, {transform_indices = #map}, {transform_indices = #map}]} {
    %mul3A = arith.constant 2 : i32
    %mul3A_0 = arith.muli %arg1, %mul3A : i32
    %add3A = arith.addi %mul3A_0, %arg0 : i32
    %mul3A_1 = arith.constant 64 : i32
    %mul3A_2 = arith.muli %add3A, %mul3A_1 : i32
    %dma_start3A = arith.constant 0 : i32
    %dma_start3A_3 = tpu.memref_slice %arg4[%dma_start3A, %mul3A_2] : memref<2x2048xi32, #tpu.memory_space<hbm>> -> memref<1x64xi32, #tpu.memory_space<hbm>>
    %dma_start3A_4 = tpu.memref_squeeze %dma_start3A_3 : memref<1x64xi32, #tpu.memory_space<hbm>> -> memref<64xi32, #tpu.memory_space<hbm>>
    %dma_start3A_5 = tpu.memref_slice %arg4[%dma_start3A, %mul3A_2] : memref<2x2048xi32, #tpu.memory_space<hbm>> -> memref<1x64xi32, #tpu.memory_space<hbm>>
    %dma_start3A_6 = tpu.memref_squeeze %dma_start3A_5 : memref<1x64xi32, #tpu.memory_space<hbm>> -> memref<64xi32, #tpu.memory_space<hbm>>
    tpu.enqueue_dma source(%dma_start3A_6 : memref<64xi32, #tpu.memory_space<hbm>>) target(%arg6 : memref<64xi32, #tpu.memory_space<vmem>>) target_semaphore(%arg10 : memref<!tpu.dma_semaphore, #tpu.memory_space<semaphore_mem>>)
    %dma_start3A_7 = arith.constant 1 : i32
    %dma_start3A_8 = tpu.memref_slice %arg4[%dma_start3A_7, %mul3A_2] : memref<2x2048xi32, #tpu.memory_space<hbm>> -> memref<1x64xi32, #tpu.memory_space<hbm>>
    %dma_start3A_9 = tpu.memref_squeeze %dma_start3A_8 : memref<1x64xi32, #tpu.memory_space<hbm>> -> memref<64xi32, #tpu.memory_space<hbm>>
    %dma_start3A_10 = tpu.memref_slice %arg4[%dma_start3A_7, %mul3A_2] : memref<2x2048xi32, #tpu.memory_space<hbm>> -> memref<1x64xi32, #tpu.memory_space<hbm>>
    %dma_start3A_11 = tpu.memref_squeeze %dma_start3A_10 : memref<1x64xi32, #tpu.memory_space<hbm>> -> memref<64xi32, #tpu.memory_space<hbm>>
    tpu.enqueue_dma source(%dma_start3A_11 : memref<64xi32, #tpu.memory_space<hbm>>) target(%arg7 : memref<64xi32, #tpu.memory_space<vmem>>) target_semaphore(%arg11 : memref<!tpu.dma_semaphore, #tpu.memory_space<semaphore_mem>>)
    %dma_start3A_12 = arith.constant 0 : i32
    %dma_start3A_13 = tpu.memref_slice %arg2[%mul3A_2, %dma_start3A_12] : memref<2048x384xi32, #tpu.memory_space<hbm>> -> memref<64x384xi32, #tpu.memory_space<hbm>>
    %dma_start3A_14 = arith.constant 0 : i32
    %dma_start3A_15 = tpu.memref_slice %arg2[%mul3A_2, %dma_start3A_14] : memref<2048x384xi32, #tpu.memory_space<hbm>> -> memref<64x384xi32, #tpu.memory_space<hbm>>
    tpu.enqueue_dma source(%dma_start3A_15 : memref<64x384xi32, #tpu.memory_space<hbm>>) target(%arg8 : memref<64x384xi32, #tpu.memory_space<vmem>>) target_semaphore(%arg12 : memref<!tpu.dma_semaphore, #tpu.memory_space<semaphore_mem>>)
    %dma_start3A_16 = arith.constant 0 : i32
    %dma_start3A_17 = tpu.memref_slice %arg3[%mul3A_2, %dma_start3A_16] : memref<2048x384xi32, #tpu.memory_space<hbm>> -> memref<64x384xi32, #tpu.memory_space<hbm>>
    %dma_start3A_18 = arith.constant 0 : i32
    %dma_start3A_19 = tpu.memref_slice %arg3[%mul3A_2, %dma_start3A_18] : memref<2048x384xi32, #tpu.memory_space<hbm>> -> memref<64x384xi32, #tpu.memory_space<hbm>>
    tpu.enqueue_dma source(%dma_start3A_19 : memref<64x384xi32, #tpu.memory_space<hbm>>) target(%arg9 : memref<64x384xi32, #tpu.memory_space<vmem>>) target_semaphore(%arg13 : memref<!tpu.dma_semaphore, #tpu.memory_space<semaphore_mem>>)
    %dma_wait3A = arith.constant 0 : i32
    %dma_wait3A_20 = tpu.memref_slice %arg4[%dma_wait3A, %mul3A_2] : memref<2x2048xi32, #tpu.memory_space<hbm>> -> memref<1x64xi32, #tpu.memory_space<hbm>>
    %dma_wait3A_21 = tpu.memref_squeeze %dma_wait3A_20 : memref<1x64xi32, #tpu.memory_space<hbm>> -> memref<64xi32, #tpu.memory_space<hbm>>
    %dma_wait3A_22 = tpu.memref_slice %arg4[%dma_wait3A, %mul3A_2] : memref<2x2048xi32, #tpu.memory_space<hbm>> -> memref<1x64xi32, #tpu.memory_space<hbm>>
    %dma_wait3A_23 = tpu.memref_squeeze %dma_wait3A_22 : memref<1x64xi32, #tpu.memory_space<hbm>> -> memref<64xi32, #tpu.memory_space<hbm>>
    tpu.wait_dma2 semaphore(%arg10 : memref<!tpu.dma_semaphore, #tpu.memory_space<semaphore_mem>>) src(%dma_wait3A_23 : memref<64xi32, #tpu.memory_space<hbm>>) dst(%arg6 : memref<64xi32, #tpu.memory_space<vmem>>)
    %dma_wait3A_24 = arith.constant 0 : i32
    %dma_wait3A_25 = tpu.memref_slice %arg2[%mul3A_2, %dma_wait3A_24] : memref<2048x384xi32, #tpu.memory_space<hbm>> -> memref<64x384xi32, #tpu.memory_space<hbm>>
    %dma_wait3A_26 = arith.constant 0 : i32
    %dma_wait3A_27 = tpu.memref_slice %arg2[%mul3A_2, %dma_wait3A_26] : memref<2048x384xi32, #tpu.memory_space<hbm>> -> memref<64x384xi32, #tpu.memory_space<hbm>>
    tpu.wait_dma2 semaphore(%arg12 : memref<!tpu.dma_semaphore, #tpu.memory_space<semaphore_mem>>) src(%dma_wait3A_27 : memref<64x384xi32, #tpu.memory_space<hbm>>) dst(%arg8 : memref<64x384xi32, #tpu.memory_space<vmem>>)
    %dma_start3A_28 = arith.constant 0 : i32
    %dma_start3A_29 = arith.constant 0 : i32
    %dma_start3A_30 = tpu.memref_slice %arg5[%dma_start3A_28, %dma_start3A_29] : memref<12288x384xi32, #tpu.memory_space<hbm>> -> memref<12288x384xi32, #tpu.memory_space<hbm>>
    tpu.enqueue_indirect_dma source(%arg8 : memref<64x384xi32, #tpu.memory_space<vmem>>) target(%dma_start3A_30 : memref<12288x384xi32, #tpu.memory_space<hbm>>) offsets(%arg6 : memref<64xi32, #tpu.memory_space<vmem>>) semaphore(%arg10 : memref<!tpu.dma_semaphore, #tpu.memory_space<semaphore_mem>>)
    %dma_wait3A_31 = arith.constant 1 : i32
    %dma_wait3A_32 = tpu.memref_slice %arg4[%dma_wait3A_31, %mul3A_2] : memref<2x2048xi32, #tpu.memory_space<hbm>> -> memref<1x64xi32, #tpu.memory_space<hbm>>
    %dma_wait3A_33 = tpu.memref_squeeze %dma_wait3A_32 : memref<1x64xi32, #tpu.memory_space<hbm>> -> memref<64xi32, #tpu.memory_space<hbm>>
    %dma_wait3A_34 = tpu.memref_slice %arg4[%dma_wait3A_31, %mul3A_2] : memref<2x2048xi32, #tpu.memory_space<hbm>> -> memref<1x64xi32, #tpu.memory_space<hbm>>
    %dma_wait3A_35 = tpu.memref_squeeze %dma_wait3A_34 : memref<1x64xi32, #tpu.memory_space<hbm>> -> memref<64xi32, #tpu.memory_space<hbm>>
    tpu.wait_dma2 semaphore(%arg11 : memref<!tpu.dma_semaphore, #tpu.memory_space<semaphore_mem>>) src(%dma_wait3A_35 : memref<64xi32, #tpu.memory_space<hbm>>) dst(%arg7 : memref<64xi32, #tpu.memory_space<vmem>>)
    %dma_wait3A_36 = arith.constant 0 : i32
    %dma_wait3A_37 = tpu.memref_slice %arg3[%mul3A_2, %dma_wait3A_36] : memref<2048x384xi32, #tpu.memory_space<hbm>> -> memref<64x384xi32, #tpu.memory_space<hbm>>
    %dma_wait3A_38 = arith.constant 0 : i32
    %dma_wait3A_39 = tpu.memref_slice %arg3[%mul3A_2, %dma_wait3A_38] : memref<2048x384xi32, #tpu.memory_space<hbm>> -> memref<64x384xi32, #tpu.memory_space<hbm>>
    tpu.wait_dma2 semaphore(%arg13 : memref<!tpu.dma_semaphore, #tpu.memory_space<semaphore_mem>>) src(%dma_wait3A_39 : memref<64x384xi32, #tpu.memory_space<hbm>>) dst(%arg9 : memref<64x384xi32, #tpu.memory_space<vmem>>)
    %dma_start3A_40 = arith.constant 0 : i32
    %dma_start3A_41 = arith.constant 0 : i32
    %dma_start3A_42 = tpu.memref_slice %arg5[%dma_start3A_40, %dma_start3A_41] : memref<12288x384xi32, #tpu.memory_space<hbm>> -> memref<12288x384xi32, #tpu.memory_space<hbm>>
    tpu.enqueue_indirect_dma source(%arg9 : memref<64x384xi32, #tpu.memory_space<vmem>>) target(%dma_start3A_42 : memref<12288x384xi32, #tpu.memory_space<hbm>>) offsets(%arg7 : memref<64xi32, #tpu.memory_space<vmem>>) semaphore(%arg11 : memref<!tpu.dma_semaphore, #tpu.memory_space<semaphore_mem>>)
    %dma_wait3A_43 = arith.constant 0 : i32
    %dma_wait3A_44 = arith.constant 0 : i32
    %dma_wait3A_45 = tpu.memref_slice %arg5[%dma_wait3A_43, %dma_wait3A_44] : memref<12288x384xi32, #tpu.memory_space<hbm>> -> memref<12288x384xi32, #tpu.memory_space<hbm>>
    tpu.wait_indirect_dma semaphore(%arg10 : memref<!tpu.dma_semaphore, #tpu.memory_space<semaphore_mem>>) src(%arg8 : memref<64x384xi32, #tpu.memory_space<vmem>>) dst(%dma_wait3A_45 : memref<12288x384xi32, #tpu.memory_space<hbm>>)
    %dma_wait3A_46 = arith.constant 0 : i32
    %dma_wait3A_47 = arith.constant 0 : i32
    %dma_wait3A_48 = tpu.memref_slice %arg5[%dma_wait3A_46, %dma_wait3A_47] : memref<12288x384xi32, #tpu.memory_space<hbm>> -> memref<12288x384xi32, #tpu.memory_space<hbm>>
    tpu.wait_indirect_dma semaphore(%arg11 : memref<!tpu.dma_semaphore, #tpu.memory_space<semaphore_mem>>) src(%arg9 : memref<64x384xi32, #tpu.memory_space<vmem>>) dst(%dma_wait3A_48 : memref<12288x384xi32, #tpu.memory_space<hbm>>)
    return
  }
}

module attributes {stable_mosaic.version = 14 : i64} {
  func.func @_gemm_body(%arg0: i32, %arg1: memref<128xi32, #tpu.memory_space<smem>>, %arg2: memref<128xi32, #tpu.memory_space<smem>>, %arg3: memref<128xi32, #tpu.memory_space<smem>>, %arg4: memref<128xi32, #tpu.memory_space<smem>>, %arg5: memref<128x384xi32, #tpu.memory_space<vmem>>, %arg6: memref<1x768x768xf32, #tpu.memory_space<vmem>>, %arg7: memref<128x768xf32, #tpu.memory_space<vmem>>) attributes {dimension_semantics = [#tpu.dimension_semantics<arbitrary>], iteration_bounds = array<i64: 96>, scalar_prefetch = 4 : i64, scratch_operands = 0 : i64, tpu.core_type = #tpu.core_type<tc>, window_params = [{transform_indices = @transform_0, window_bounds = array<i64: 128, 384>}, {transform_indices = @transform_1, window_bounds = array<i64: 1, 768, 768>}, {transform_indices = @transform_2, window_bounds = array<i64: 128, 768>}]} {
    %get3A = arith.index_cast %arg0 : i32 to index
    %get3A_0 = memref.load %arg1[%get3A] : memref<128xi32, #tpu.memory_space<smem>>
    %get3A_1 = arith.index_cast %arg0 : i32 to index
    %get3A_2 = memref.load %arg3[%get3A_1] : memref<128xi32, #tpu.memory_space<smem>>
    %get3A_3 = arith.index_cast %arg0 : i32 to index
    %get3A_4 = memref.load %arg4[%get3A_3] : memref<128xi32, #tpu.memory_space<smem>>
    %lt3A = arith.cmpi slt, %get3A_2, %get3A_4 : i32
    %convert_element_type3A = arith.extui %lt3A : i1 to i32
    %cond3A = arith.constant 0 : i32
    %cond3A_5 = arith.cmpi ne, %convert_element_type3A, %cond3A : i32
    scf.if %cond3A_5 {
      %mul3A = arith.constant 128 : i32
      %mul3A_6 = arith.muli %get3A_0, %mul3A : i32
      %iota3A = tpu.iota {dimensions = array<i32: 0>} : vector<128x1xi32>
      %add3A = vector.broadcast %mul3A_6 : i32 to vector<128x1xi32>
      %add3A_7 = arith.addi %add3A, %iota3A : vector<128x1xi32>
      %lt3A_8 = vector.broadcast %get3A_4 : i32 to vector<128x1xi32>
      %lt3A_9 = arith.cmpi slt, %add3A_7, %lt3A_8 : vector<128x1xi32>
      %get3A_10 = arith.constant 0 : index
      %get3A_11 = arith.constant 0 : index
      %get3A_12 = vector.load %arg5[%get3A_10, %get3A_11] : memref<128x384xi32, #tpu.memory_space<vmem>>, vector<128x384xi32>
      %shift_left3A = arith.constant 16 : i32
      %shift_left3A_13 = vector.broadcast %shift_left3A : i32 to vector<128x384xi32>
      %shift_left3A_14 = arith.shli %get3A_12, %shift_left3A_13 : vector<128x384xi32>
      %bitcast_convert_type3A = tpu.bitcast %shift_left3A_14 : vector<128x384xi32> -> vector<128x384xf32>
      %and3A = arith.constant -65536 : i32
      %and3A_15 = vector.broadcast %and3A : i32 to vector<128x384xi32>
      %and3A_16 = arith.andi %get3A_12, %and3A_15 : vector<128x384xi32>
      %bitcast_convert_type3A_17 = tpu.bitcast %and3A_16 : vector<128x384xi32> -> vector<128x384xf32>
      %concatenate3A = tpu.concatenate %bitcast_convert_type3A, %bitcast_convert_type3A_17 in 1 : vector<128x384xf32>, vector<128x384xf32> -> vector<128x768xf32>
      %jit3A = arith.constant 0.000000e+00 : f32
      %broadcast_in_dim3A = vector.shape_cast %lt3A_9 : vector<128x1xi1> to vector<128x1xi1>
      %broadcast_in_dim3A_18 = vector.broadcast %broadcast_in_dim3A : vector<128x1xi1> to vector<128x768xi1>
      %broadcast_in_dim3A_19 = vector.broadcast %jit3A : f32 to vector<128x768xf32>
      %select_n3A = arith.select %broadcast_in_dim3A_18, %concatenate3A, %broadcast_in_dim3A_19 : vector<128x768xi1>, vector<128x768xf32>
      %get3A_20 = arith.constant 0 : index
      %get3A_21 = arith.constant 0 : index
      %get3A_22 = arith.constant 0 : index
      %get3A_23 = vector.load %arg6[%get3A_20, %get3A_21, %get3A_22] : memref<1x768x768xf32, #tpu.memory_space<vmem>>, vector<1x768x768xf32>
      %get3A_24 = vector.shape_cast %get3A_23 : vector<1x768x768xf32> to vector<768x768xf32>
      %dot_general3A = arith.constant dense<0.000000e+00> : vector<128x768xf32>
      %dot_general3A_25 = tpu.matmul %select_n3A, %get3A_24, %dot_general3A {dimension_numbers = #tpu.dot_dimension_numbers<[1], [0], [0], [1], [0, 0, 1, 1], [], []>, transpose_lhs_hint = false} : vector<128x768xf32>, vector<768x768xf32>, vector<128x768xf32> -> vector<128x768xf32>
      %swap3A = arith.constant 0 : index
      %swap3A_26 = arith.constant 0 : index
      %swap3A_27 = vector.load %arg7[%swap3A, %swap3A_26] : memref<128x768xf32, #tpu.memory_space<vmem>>, vector<128x768xf32>
      tpu.vector_store %arg7[%swap3A, %swap3A_26], %dot_general3A_25 {strides = array<i32>} : memref<128x768xf32, #tpu.memory_space<vmem>>, vector<128x768xf32>,
    } else {
    }
    return
  }
  func.func @transform_0(%arg0: i32, %arg1: memref<128xi32, #tpu.memory_space<smem>>, %arg2: memref<128xi32, #tpu.memory_space<smem>>, %arg3: memref<128xi32, #tpu.memory_space<smem>>, %arg4: memref<128xi32, #tpu.memory_space<smem>>) -> (i32, i32) {
    %get3A = arith.index_cast %arg0 : i32 to index
    %get3A_0 = memref.load %arg1[%get3A] : memref<128xi32, #tpu.memory_space<smem>>
    %c0_i32 = arith.constant 0 : i32
    %c0_i32_1 = arith.constant 0 : i32
    return %get3A_0, %c0_i32 : i32, i32
  }
  func.func @transform_1(%arg0: i32, %arg1: memref<128xi32, #tpu.memory_space<smem>>, %arg2: memref<128xi32, #tpu.memory_space<smem>>, %arg3: memref<128xi32, #tpu.memory_space<smem>>, %arg4: memref<128xi32, #tpu.memory_space<smem>>) -> (i32, i32, i32) {
    %get3A = arith.index_cast %arg0 : i32 to index
    %get3A_0 = memref.load %arg2[%get3A] : memref<128xi32, #tpu.memory_space<smem>>
    %c0_i32 = arith.constant 0 : i32
    %c0_i32_1 = arith.constant 0 : i32
    %c0_i32_2 = arith.constant 0 : i32
    return %get3A_0, %c0_i32, %c0_i32_1 : i32, i32, i32
  }
  func.func @transform_2(%arg0: i32, %arg1: memref<128xi32, #tpu.memory_space<smem>>, %arg2: memref<128xi32, #tpu.memory_space<smem>>, %arg3: memref<128xi32, #tpu.memory_space<smem>>, %arg4: memref<128xi32, #tpu.memory_space<smem>>) -> (i32, i32) {
    %get3A = arith.index_cast %arg0 : i32 to index
    %get3A_0 = memref.load %arg1[%get3A] : memref<128xi32, #tpu.memory_space<smem>>
    %c0_i32 = arith.constant 0 : i32
    %c0_i32_1 = arith.constant 0 : i32
    return %get3A_0, %c0_i32 : i32, i32
  }
}

module attributes {stable_mosaic.version = 14 : i64} {
  func.func @_router_body(%arg0: memref<2048x768xf32, #tpu.memory_space<vmem>>, %arg1: memref<768x64xf32, #tpu.memory_space<vmem>>, %arg2: memref<2048x384xi32, #tpu.memory_space<vmem>>, %arg3: memref<2048x384xi32, #tpu.memory_space<vmem>>, %arg4: memref<2x2048xi32, #tpu.memory_space<vmem>>, %arg5: memref<8x128xi32, #tpu.memory_space<vmem>>) attributes {dimension_semantics = [], scalar_prefetch = 0 : i64, scratch_operands = 0 : i64, tpu.core_type = #tpu.core_type<tc>} {
    %get3A = arith.constant 0 : index
    %get3A_0 = arith.constant 0 : index
    %get3A_1 = vector.load %arg0[%get3A, %get3A_0] : memref<2048x768xf32, #tpu.memory_space<vmem>>, vector<2048x768xf32>
    %get3A_2 = arith.constant 0 : index
    %get3A_3 = arith.constant 0 : index
    %get3A_4 = vector.load %arg1[%get3A_2, %get3A_3] : memref<768x64xf32, #tpu.memory_space<vmem>>, vector<768x64xf32>
    %dot_general3A = arith.constant dense<0.000000e+00> : vector<2048x64xf32>
    %dot_general3A_5 = tpu.matmul %get3A_1, %get3A_4, %dot_general3A {dimension_numbers = #tpu.dot_dimension_numbers<[1], [0], [0], [1], [0, 0, 1, 1], [], []>, transpose_lhs_hint = false} : vector<2048x768xf32>, vector<768x64xf32>, vector<2048x64xf32> -> vector<2048x64xf32>
    %iota3A = tpu.iota {dimensions = array<i32: 1>} : vector<2048x64xi32>
    %reduce_max3A = arith.constant dense<0xFF800000> : vector<2048xf32>
    %reduce_max3A_6 = vector.multi_reduction <maximumf>, %dot_general3A_5, %reduce_max3A [1] : vector<2048x64xf32> to vector<2048xf32>
    %broadcast_in_dim3A = vector.shape_cast %reduce_max3A_6 : vector<2048xf32> to vector<2048x1xf32>
    %eq3A = vector.broadcast %broadcast_in_dim3A : vector<2048x1xf32> to vector<2048x64xf32>
    %eq3A_7 = arith.cmpf oeq, %dot_general3A_5, %eq3A : vector<2048x64xf32>
    %jit3A = arith.constant 64 : i32
    %broadcast_in_dim3A_8 = vector.broadcast %jit3A : i32 to vector<2048x64xi32>
    %select_n3A = arith.select %eq3A_7, %iota3A, %broadcast_in_dim3A_8 : vector<2048x64xi1>, vector<2048x64xi32>
    %reduce_min3A = arith.constant dense<2147483647> : vector<2048xi32>
    %reduce_min3A_9 = vector.multi_reduction <minsi>, %select_n3A, %reduce_min3A [1] : vector<2048x64xi32> to vector<2048xi32>
    %broadcast_in_dim3A_10 = vector.shape_cast %reduce_min3A_9 : vector<2048xi32> to vector<2048x1xi32>
    %eq3A_11 = vector.broadcast %broadcast_in_dim3A_10 : vector<2048x1xi32> to vector<2048x64xi32>
    %eq3A_12 = arith.cmpi eq, %iota3A, %eq3A_11 : vector<2048x64xi32>
    %jit3A_13 = arith.constant 0xFF800000 : f32
    %broadcast_in_dim3A_14 = vector.broadcast %jit3A_13 : f32 to vector<2048x64xf32>
    %select_n3A_15 = arith.select %eq3A_12, %broadcast_in_dim3A_14, %dot_general3A_5 : vector<2048x64xi1>, vector<2048x64xf32>
    %reduce_max3A_16 = arith.constant dense<0xFF800000> : vector<2048xf32>
    %reduce_max3A_17 = vector.multi_reduction <maximumf>, %select_n3A_15, %reduce_max3A_16 [1] : vector<2048x64xf32> to vector<2048xf32>
    %broadcast_in_dim3A_18 = vector.shape_cast %reduce_max3A_17 : vector<2048xf32> to vector<2048x1xf32>
    %eq3A_19 = vector.broadcast %broadcast_in_dim3A_18 : vector<2048x1xf32> to vector<2048x64xf32>
    %eq3A_20 = arith.cmpf oeq, %select_n3A_15, %eq3A_19 : vector<2048x64xf32>
    %jit3A_21 = arith.constant 64 : i32
    %broadcast_in_dim3A_22 = vector.broadcast %jit3A_21 : i32 to vector<2048x64xi32>
    %select_n3A_23 = arith.select %eq3A_20, %iota3A, %broadcast_in_dim3A_22 : vector<2048x64xi1>, vector<2048x64xi32>
    %reduce_min3A_24 = arith.constant dense<2147483647> : vector<2048xi32>
    %reduce_min3A_25 = vector.multi_reduction <minsi>, %select_n3A_23, %reduce_min3A_24 [1] : vector<2048x64xi32> to vector<2048xi32>
    %broadcast_in_dim3A_26 = vector.shape_cast %reduce_min3A_25 : vector<2048xi32> to vector<2048x1xi32>
    %eq3A_27 = vector.broadcast %broadcast_in_dim3A_26 : vector<2048x1xi32> to vector<2048x64xi32>
    %eq3A_28 = arith.cmpi eq, %iota3A, %eq3A_27 : vector<2048x64xi32>
    %sub3A = arith.subf %broadcast_in_dim3A, %broadcast_in_dim3A_18 : vector<2048x1xf32>
    %logistic3A = arith.negf %sub3A : vector<2048x1xf32>
    %logistic3A_29 = math.exp %logistic3A : vector<2048x1xf32>
    %logistic3A_30 = arith.constant 1.000000e+00 : f32
    %logistic3A_31 = vector.broadcast %logistic3A_30 : f32 to vector<2048x1xf32>
    %logistic3A_32 = arith.addf %logistic3A_31, %logistic3A_29 : vector<2048x1xf32>
    %logistic3A_33 = arith.divf %logistic3A_31, %logistic3A_32 : vector<2048x1xf32>
    %sub3A_34 = arith.constant 1.000000e+00 : f32
    %sub3A_35 = vector.broadcast %sub3A_34 : f32 to vector<2048x1xf32>
    %sub3A_36 = arith.subf %sub3A_35, %logistic3A_33 : vector<2048x1xf32>
    %mul3A = vector.broadcast %logistic3A_33 : vector<2048x1xf32> to vector<2048x768xf32>
    %mul3A_37 = arith.mulf %get3A_1, %mul3A : vector<2048x768xf32>
    %bitcast_convert_type3A = tpu.bitcast %mul3A_37 : vector<2048x768xf32> -> vector<2048x768xi32>
    %add3A = arith.constant 32767 : i32
    %add3A_38 = vector.broadcast %add3A : i32 to vector<2048x768xi32>
    %add3A_39 = arith.addi %bitcast_convert_type3A, %add3A_38 : vector<2048x768xi32>
    %shift_right_logical3A = arith.constant 16 : i32
    %shift_right_logical3A_40 = vector.broadcast %shift_right_logical3A : i32 to vector<2048x768xi32>
    %shift_right_logical3A_41 = arith.shrui %bitcast_convert_type3A, %shift_right_logical3A_40 : vector<2048x768xi32>
    %and3A = arith.constant 1 : i32
    %and3A_42 = vector.broadcast %and3A : i32 to vector<2048x768xi32>
    %and3A_43 = arith.andi %shift_right_logical3A_41, %and3A_42 : vector<2048x768xi32>
    %add3A_44 = arith.addi %add3A_39, %and3A_43 : vector<2048x768xi32>
    %shift_right_logical3A_45 = arith.constant 16 : i32
    %shift_right_logical3A_46 = vector.broadcast %shift_right_logical3A_45 : i32 to vector<2048x768xi32>
    %shift_right_logical3A_47 = arith.shrui %add3A_44, %shift_right_logical3A_46 : vector<2048x768xi32>
    %slice3A = vector.extract_strided_slice %shift_right_logical3A_47 {offsets = [0, 0], sizes = [2048, 384], strides = [1, 1]} : vector<2048x768xi32> to vector<2048x384xi32>
    %slice3A_48 = vector.extract_strided_slice %shift_right_logical3A_47 {offsets = [0, 384], sizes = [2048, 384], strides = [1, 1]} : vector<2048x768xi32> to vector<2048x384xi32>
    %shift_left3A = arith.constant 16 : i32
    %shift_left3A_49 = vector.broadcast %shift_left3A : i32 to vector<2048x384xi32>
    %shift_left3A_50 = arith.shli %slice3A_48, %shift_left3A_49 : vector<2048x384xi32>
    %or3A = arith.ori %slice3A, %shift_left3A_50 : vector<2048x384xi32>
    %swap3A = arith.constant 0 : index
    %swap3A_51 = arith.constant 0 : index
    %swap3A_52 = vector.load %arg2[%swap3A, %swap3A_51] : memref<2048x384xi32, #tpu.memory_space<vmem>>, vector<2048x384xi32>
    tpu.vector_store %arg2[%swap3A, %swap3A_51], %or3A {strides = array<i32>} : memref<2048x384xi32, #tpu.memory_space<vmem>>, vector<2048x384xi32>,
    %mul3A_53 = vector.broadcast %sub3A_36 : vector<2048x1xf32> to vector<2048x768xf32>
    %mul3A_54 = arith.mulf %get3A_1, %mul3A_53 : vector<2048x768xf32>
    %bitcast_convert_type3A_55 = tpu.bitcast %mul3A_54 : vector<2048x768xf32> -> vector<2048x768xi32>
    %add3A_56 = arith.constant 32767 : i32
    %add3A_57 = vector.broadcast %add3A_56 : i32 to vector<2048x768xi32>
    %add3A_58 = arith.addi %bitcast_convert_type3A_55, %add3A_57 : vector<2048x768xi32>
    %shift_right_logical3A_59 = arith.constant 16 : i32
    %shift_right_logical3A_60 = vector.broadcast %shift_right_logical3A_59 : i32 to vector<2048x768xi32>
    %shift_right_logical3A_61 = arith.shrui %bitcast_convert_type3A_55, %shift_right_logical3A_60 : vector<2048x768xi32>
    %and3A_62 = arith.constant 1 : i32
    %and3A_63 = vector.broadcast %and3A_62 : i32 to vector<2048x768xi32>
    %and3A_64 = arith.andi %shift_right_logical3A_61, %and3A_63 : vector<2048x768xi32>
    %add3A_65 = arith.addi %add3A_58, %and3A_64 : vector<2048x768xi32>
    %shift_right_logical3A_66 = arith.constant 16 : i32
    %shift_right_logical3A_67 = vector.broadcast %shift_right_logical3A_66 : i32 to vector<2048x768xi32>
    %shift_right_logical3A_68 = arith.shrui %add3A_65, %shift_right_logical3A_67 : vector<2048x768xi32>
    %slice3A_69 = vector.extract_strided_slice %shift_right_logical3A_68 {offsets = [0, 0], sizes = [2048, 384], strides = [1, 1]} : vector<2048x768xi32> to vector<2048x384xi32>
    %slice3A_70 = vector.extract_strided_slice %shift_right_logical3A_68 {offsets = [0, 384], sizes = [2048, 384], strides = [1, 1]} : vector<2048x768xi32> to vector<2048x384xi32>
    %shift_left3A_71 = arith.constant 16 : i32
    %shift_left3A_72 = vector.broadcast %shift_left3A_71 : i32 to vector<2048x384xi32>
    %shift_left3A_73 = arith.shli %slice3A_70, %shift_left3A_72 : vector<2048x384xi32>
    %or3A_74 = arith.ori %slice3A_69, %shift_left3A_73 : vector<2048x384xi32>
    %swap3A_75 = arith.constant 0 : index
    %swap3A_76 = arith.constant 0 : index
    %swap3A_77 = vector.load %arg3[%swap3A_75, %swap3A_76] : memref<2048x384xi32, #tpu.memory_space<vmem>>, vector<2048x384xi32>
    tpu.vector_store %arg3[%swap3A_75, %swap3A_76], %or3A_74 {strides = array<i32>} : memref<2048x384xi32, #tpu.memory_space<vmem>>, vector<2048x384xi32>,
    %convert_element_type3A = arith.extui %eq3A_12 : vector<2048x64xi1> to vector<2048x64xi32>
    %convert_element_type3A_78 = arith.sitofp %convert_element_type3A : vector<2048x64xi32> to vector<2048x64xf32>
    %convert_element_type3A_79 = arith.extui %eq3A_28 : vector<2048x64xi1> to vector<2048x64xi32>
    %convert_element_type3A_80 = arith.sitofp %convert_element_type3A_79 : vector<2048x64xi32> to vector<2048x64xf32>
    %add3A_81 = arith.addf %convert_element_type3A_78, %convert_element_type3A_80 : vector<2048x64xf32>
    %iota3A_82 = tpu.iota {dimensions = array<i32: 0>} : vector<2048x2048xi32>
    %iota3A_83 = tpu.iota {dimensions = array<i32: 1>} : vector<2048x2048xi32>
    %lt3A = arith.cmpi slt, %iota3A_83, %iota3A_82 : vector<2048x2048xi32>
    %convert_element_type3A_84 = arith.extui %lt3A : vector<2048x2048xi1> to vector<2048x2048xi32>
    %convert_element_type3A_85 = arith.sitofp %convert_element_type3A_84 : vector<2048x2048xi32> to vector<2048x2048xf32>
    %dot_general3A_86 = arith.constant dense<0.000000e+00> : vector<2048x64xf32>
    %dot_general3A_87 = tpu.matmul %convert_element_type3A_85, %add3A_81, %dot_general3A_86 {dimension_numbers = #tpu.dot_dimension_numbers<[1], [0], [0], [1], [0, 0, 1, 1], [], []>, transpose_lhs_hint = false} : vector<2048x2048xf32>, vector<2048x64xf32>, vector<2048x64xf32> -> vector<2048x64xf32>
    %reduce_sum3A = arith.constant dense<0.000000e+00> : vector<64xf32>
    %reduce_sum3A_88 = vector.multi_reduction <add>, %add3A_81, %reduce_sum3A [0] : vector<2048x64xf32> to vector<64xf32>
    %convert_element_type3A_89 = arith.fptosi %reduce_sum3A_88 : vector<64xf32> to vector<64xi32>
    %add3A_90 = arith.constant 127 : i32
    %add3A_91 = vector.broadcast %add3A_90 : i32 to vector<64xi32>
    %add3A_92 = arith.addi %convert_element_type3A_89, %add3A_91 : vector<64xi32>
    %jit3A_93 = arith.constant 128 : i32
    %div3A = vector.broadcast %jit3A_93 : i32 to vector<64xi32>
    %div3A_94 = arith.divsi %add3A_92, %div3A : vector<64xi32>
    %sign3A = arith.constant 0 : i32
    %sign3A_95 = vector.broadcast %sign3A : i32 to vector<64xi32>
    %sign3A_96 = arith.cmpi sgt, %add3A_92, %sign3A_95 : vector<64xi32>
    %sign3A_97 = arith.extui %sign3A_96 : vector<64xi1> to vector<64xi32>
    %sign3A_98 = arith.constant 0 : i32
    %sign3A_99 = vector.broadcast %sign3A_98 : i32 to vector<64xi32>
    %sign3A_100 = arith.cmpi slt, %add3A_92, %sign3A_99 : vector<64xi32>
    %sign3A_101 = arith.extui %sign3A_100 : vector<64xi1> to vector<64xi32>
    %sign3A_102 = arith.subi %sign3A_97, %sign3A_101 : vector<64xi32>
    %sign3A_103 = arith.constant 0 : i32
    %sign3A_104 = arith.cmpi sgt, %jit3A_93, %sign3A_103 : i32
    %sign3A_105 = arith.extui %sign3A_104 : i1 to i32
    %sign3A_106 = arith.constant 0 : i32
    %sign3A_107 = arith.cmpi slt, %jit3A_93, %sign3A_106 : i32
    %sign3A_108 = arith.extui %sign3A_107 : i1 to i32
    %sign3A_109 = arith.subi %sign3A_105, %sign3A_108 : i32
    %ne3A = vector.broadcast %sign3A_109 : i32 to vector<64xi32>
    %ne3A_110 = arith.cmpi ne, %sign3A_102, %ne3A : vector<64xi32>
    %rem3A = vector.broadcast %jit3A_93 : i32 to vector<64xi32>
    %rem3A_111 = arith.remsi %add3A_92, %rem3A : vector<64xi32>
    %ne3A_112 = arith.constant 0 : i32
    %ne3A_113 = vector.broadcast %ne3A_112 : i32 to vector<64xi32>
    %ne3A_114 = arith.cmpi ne, %rem3A_111, %ne3A_113 : vector<64xi32>
    %and3A_115 = arith.andi %ne3A_110, %ne3A_114 : vector<64xi1>
    %sub3A_116 = arith.constant 1 : i32
    %sub3A_117 = vector.broadcast %sub3A_116 : i32 to vector<64xi32>
    %sub3A_118 = arith.subi %div3A_94, %sub3A_117 : vector<64xi32>
    %select_n3A_119 = arith.select %and3A_115, %sub3A_118, %div3A_94 : vector<64xi1>, vector<64xi32>
    %iota3A_120 = tpu.iota {dimensions = array<i32: 0>} : vector<64x64xi32>
    %iota3A_121 = tpu.iota {dimensions = array<i32: 1>} : vector<64x64xi32>
    %lt3A_122 = arith.cmpi slt, %iota3A_120, %iota3A_121 : vector<64x64xi32>
    %convert_element_type3A_123 = arith.extui %lt3A_122 : vector<64x64xi1> to vector<64x64xi32>
    %convert_element_type3A_124 = arith.sitofp %convert_element_type3A_123 : vector<64x64xi32> to vector<64x64xf32>
    %convert_element_type3A_125 = arith.sitofp %select_n3A_119 : vector<64xi32> to vector<64xf32>
    %broadcast_in_dim3A_126 = vector.shape_cast %convert_element_type3A_125 : vector<64xf32> to vector<1x64xf32>
    %dot_general3A_127 = arith.constant dense<0.000000e+00> : vector<1x64xf32>
    %dot_general3A_128 = tpu.matmul %broadcast_in_dim3A_126, %convert_element_type3A_124, %dot_general3A_127 {dimension_numbers = #tpu.dot_dimension_numbers<[1], [0], [0], [1], [0, 0, 1, 1], [], []>, transpose_lhs_hint = false} : vector<1x64xf32>, vector<64x64xf32>, vector<1x64xf32> -> vector<1x64xf32>
    %squeeze3A = vector.shape_cast %dot_general3A_128 : vector<1x64xf32> to vector<64xf32>
    %mul3A_129 = arith.constant 1.280000e+02 : f32
    %mul3A_130 = vector.broadcast %mul3A_129 : f32 to vector<64xf32>
    %mul3A_131 = arith.mulf %squeeze3A, %mul3A_130 : vector<64xf32>
    %broadcast_in_dim3A_132 = vector.shape_cast %mul3A_131 : vector<64xf32> to vector<1x64xf32>
    %add3A_133 = vector.broadcast %broadcast_in_dim3A_132 : vector<1x64xf32> to vector<2048x64xf32>
    %add3A_134 = arith.addf %add3A_133, %dot_general3A_87 : vector<2048x64xf32>
    %jit3A_135 = arith.constant 0.000000e+00 : f32
    %broadcast_in_dim3A_136 = vector.broadcast %jit3A_135 : f32 to vector<2048x64xf32>
    %select_n3A_137 = arith.select %eq3A_12, %add3A_134, %broadcast_in_dim3A_136 : vector<2048x64xi1>, vector<2048x64xf32>
    %reduce_sum3A_138 = arith.constant dense<0.000000e+00> : vector<2048xf32>
    %reduce_sum3A_139 = vector.multi_reduction <add>, %select_n3A_137, %reduce_sum3A_138 [1] : vector<2048x64xf32> to vector<2048xf32>
    %jit3A_140 = arith.constant 0.000000e+00 : f32
    %broadcast_in_dim3A_141 = vector.broadcast %jit3A_140 : f32 to vector<2048x64xf32>
    %select_n3A_142 = arith.select %eq3A_28, %add3A_134, %broadcast_in_dim3A_141 : vector<2048x64xi1>, vector<2048x64xf32>
    %reduce_sum3A_143 = arith.constant dense<0.000000e+00> : vector<2048xf32>
    %reduce_sum3A_144 = vector.multi_reduction <add>, %select_n3A_142, %reduce_sum3A_143 [1] : vector<2048x64xf32> to vector<2048xf32>
    %broadcast_in_dim3A_145 = vector.shape_cast %reduce_sum3A_139 : vector<2048xf32> to vector<1x2048xf32>
    %broadcast_in_dim3A_146 = vector.shape_cast %reduce_sum3A_144 : vector<2048xf32> to vector<1x2048xf32>
    %concatenate3A = tpu.concatenate %broadcast_in_dim3A_145, %broadcast_in_dim3A_146 in 0 : vector<1x2048xf32>, vector<1x2048xf32> -> vector<2x2048xf32>
    %convert_element_type3A_147 = arith.fptosi %concatenate3A : vector<2x2048xf32> to vector<2x2048xi32>
    %swap3A_148 = arith.constant 0 : index
    %swap3A_149 = arith.constant 0 : index
    %swap3A_150 = vector.load %arg4[%swap3A_148, %swap3A_149] : memref<2x2048xi32, #tpu.memory_space<vmem>>, vector<2x2048xi32>
    tpu.vector_store %arg4[%swap3A_148, %swap3A_149], %convert_element_type3A_147 {strides = array<i32>} : memref<2x2048xi32, #tpu.memory_space<vmem>>, vector<2x2048xi32>,
    %convert_element_type3A_151 = arith.fptosi %squeeze3A : vector<64xf32> to vector<64xi32>
    %reduce_sum3A_152 = vector.shape_cast %select_n3A_119 : vector<64xi32> to vector<1x64xi32>
    %reduce_sum3A_153 = arith.constant dense<0> : vector<1xi32>
    %reduce_sum3A_154 = vector.multi_reduction <add>, %reduce_sum3A_152, %reduce_sum3A_153 [1] : vector<1x64xi32> to vector<1xi32>
    %reduce_sum3A_155 = vector.shape_cast %reduce_sum3A_154 : vector<1xi32> to vector<1x1xi32>
    %reduce_sum3A_156 = vector.extract %reduce_sum3A_155[0, 0] : i32 from vector<1x1xi32>
    %iota3A_157 = tpu.iota {dimensions = array<i32: 0>} : vector<128x64xi32>
    %iota3A_158 = tpu.iota {dimensions = array<i32: 1>} : vector<128x64xi32>
    %broadcast_in_dim3A_159 = vector.shape_cast %select_n3A_119 : vector<64xi32> to vector<1x64xi32>
    %gt3A = arith.constant 0 : i32
    %gt3A_160 = vector.broadcast %gt3A : i32 to vector<1x64xi32>
    %gt3A_161 = arith.cmpi sgt, %broadcast_in_dim3A_159, %gt3A_160 : vector<1x64xi32>
    %broadcast_in_dim3A_162 = vector.shape_cast %convert_element_type3A_151 : vector<64xi32> to vector<1x64xi32>
    %le3A = vector.broadcast %broadcast_in_dim3A_162 : vector<1x64xi32> to vector<128x64xi32>
    %le3A_163 = arith.cmpi sle, %le3A, %iota3A_157 : vector<128x64xi32>
    %and3A_164 = vector.broadcast %gt3A_161 : vector<1x64xi1> to vector<128x64xi1>
    %and3A_165 = arith.andi %and3A_164, %le3A_163 : vector<128x64xi1>
    %jit3A_166 = arith.constant 0 : i32
    %broadcast_in_dim3A_167 = vector.broadcast %jit3A_166 : i32 to vector<128x64xi32>
    %select_n3A_168 = arith.select %and3A_165, %iota3A_158, %broadcast_in_dim3A_167 : vector<128x64xi1>, vector<128x64xi32>
    %reduce_max3A_169 = arith.constant dense<-2147483648> : vector<128xi32>
    %reduce_max3A_170 = vector.multi_reduction <maxsi>, %select_n3A_168, %reduce_max3A_169 [1] : vector<128x64xi32> to vector<128xi32>
    %broadcast_in_dim3A_171 = vector.shape_cast %reduce_max3A_170 : vector<128xi32> to vector<128x1xi32>
    %eq3A_172 = vector.broadcast %broadcast_in_dim3A_171 : vector<128x1xi32> to vector<128x64xi32>
    %eq3A_173 = arith.cmpi eq, %iota3A_158, %eq3A_172 : vector<128x64xi32>
    %convert_element_type3A_174 = arith.extui %eq3A_173 : vector<128x64xi1> to vector<128x64xi32>
    %mul3A_175 = arith.constant 128 : i32
    %mul3A_176 = vector.broadcast %mul3A_175 : i32 to vector<64xi32>
    %mul3A_177 = arith.muli %convert_element_type3A_151, %mul3A_176 : vector<64xi32>
    %broadcast_in_dim3A_178 = vector.shape_cast %mul3A_177 : vector<64xi32> to vector<1x64xi32>
    %mul3A_179 = vector.broadcast %broadcast_in_dim3A_178 : vector<1x64xi32> to vector<128x64xi32>
    %mul3A_180 = arith.muli %convert_element_type3A_174, %mul3A_179 : vector<128x64xi32>
    %reduce_sum3A_181 = arith.constant dense<0> : vector<128xi32>
    %reduce_sum3A_182 = vector.multi_reduction <add>, %mul3A_180, %reduce_sum3A_181 [1] : vector<128x64xi32> to vector<128xi32>
    %broadcast_in_dim3A_183 = vector.shape_cast %convert_element_type3A_89 : vector<64xi32> to vector<1x64xi32>
    %mul3A_184 = vector.broadcast %broadcast_in_dim3A_183 : vector<1x64xi32> to vector<128x64xi32>
    %mul3A_185 = arith.muli %convert_element_type3A_174, %mul3A_184 : vector<128x64xi32>
    %reduce_sum3A_186 = arith.constant dense<0> : vector<128xi32>
    %reduce_sum3A_187 = vector.multi_reduction <add>, %mul3A_185, %reduce_sum3A_186 [1] : vector<128x64xi32> to vector<128xi32>
    %iota3A_188 = tpu.iota {dimensions = array<i32: 1>} : vector<1x128xi32>
    %iota3A_189 = vector.shape_cast %iota3A_188 : vector<1x128xi32> to vector<128xi32>
    %lt3A_190 = vector.broadcast %reduce_sum3A_156 : i32 to vector<128xi32>
    %lt3A_191 = arith.cmpi slt, %iota3A_189, %lt3A_190 : vector<128xi32>
    %sub3A_192 = arith.constant 1 : i32
    %sub3A_193 = arith.subi %reduce_sum3A_156, %sub3A_192 : i32
    %broadcast_in_dim3A_194 = vector.broadcast %sub3A_193 : i32 to vector<128xi32>
    %select_n3A_195 = arith.select %lt3A_191, %iota3A_189, %broadcast_in_dim3A_194 : vector<128xi1>, vector<128xi32>
    %mul3A_196 = arith.constant 128 : i32
    %mul3A_197 = vector.broadcast %mul3A_196 : i32 to vector<128xi32>
    %mul3A_198 = arith.muli %iota3A_189, %mul3A_197 : vector<128xi32>
    %jit3A_199 = arith.constant 0 : i32
    %broadcast_in_dim3A_200 = vector.broadcast %jit3A_199 : i32 to vector<128xi32>
    %select_n3A_201 = arith.select %lt3A_191, %mul3A_198, %broadcast_in_dim3A_200 : vector<128xi1>, vector<128xi32>
    %add3A_202 = arith.addi %reduce_sum3A_182, %reduce_sum3A_187 : vector<128xi32>
    %add3A_203 = arith.constant 1 : i32
    %add3A_204 = vector.broadcast %add3A_203 : i32 to vector<128xi32>
    %add3A_205 = arith.addi %iota3A_189, %add3A_204 : vector<128xi32>
    %mul3A_206 = arith.constant 128 : i32
    %mul3A_207 = vector.broadcast %mul3A_206 : i32 to vector<128xi32>
    %mul3A_208 = arith.muli %add3A_205, %mul3A_207 : vector<128xi32>
    %min3A = arith.minsi %add3A_202, %mul3A_208 : vector<128xi32>
    %jit3A_209 = arith.constant 0 : i32
    %broadcast_in_dim3A_210 = vector.broadcast %jit3A_209 : i32 to vector<128xi32>
    %select_n3A_211 = arith.select %lt3A_191, %min3A, %broadcast_in_dim3A_210 : vector<128xi1>, vector<128xi32>
    %broadcast_in_dim3A_212 = arith.constant 0 : i32
    %broadcast_in_dim3A_213 = vector.broadcast %broadcast_in_dim3A_212 : i32 to vector<4x128xi32>
    %broadcast_in_dim3A_214 = vector.shape_cast %select_n3A_195 : vector<128xi32> to vector<1x128xi32>
    %broadcast_in_dim3A_215 = vector.shape_cast %reduce_max3A_170 : vector<128xi32> to vector<1x128xi32>
    %broadcast_in_dim3A_216 = vector.shape_cast %select_n3A_201 : vector<128xi32> to vector<1x128xi32>
    %broadcast_in_dim3A_217 = vector.shape_cast %select_n3A_211 : vector<128xi32> to vector<1x128xi32>
    %concatenate3A_218 = tpu.concatenate %broadcast_in_dim3A_214, %broadcast_in_dim3A_215, %broadcast_in_dim3A_216, %broadcast_in_dim3A_217, %broadcast_in_dim3A_213 in 0 : vector<1x128xi32>, vector<1x128xi32>, vector<1x128xi32>, vector<1x128xi32>, vector<4x128xi32> -> vector<8x128xi32>
    %swap3A_219 = arith.constant 0 : index
    %swap3A_220 = arith.constant 0 : index
    %swap3A_221 = vector.load %arg5[%swap3A_219, %swap3A_220] : memref<8x128xi32, #tpu.memory_space<vmem>>, vector<8x128xi32>
    tpu.vector_store %arg5[%swap3A_219, %swap3A_220], %concatenate3A_218 {strides = array<i32>} : memref<8x128xi32, #tpu.memory_space<vmem>>, vector<8x128xi32>,
    return
  }
}

</mosaic_0001>

<sc_bundles>
// kernel: kernel.6.cloned.1.call-start
scs
__scs_entry_jumppad:
0x0: {  	(pc) =	sbr.rel $0x88, $3  }
0x1: {  	(tag) =	ssettag $0x0;
	lr =	simm.s32 $0x1  }
0x2: {  	[smem:$0x3F9E] =	sst lr;
	_ =	strace $0xD0000000  }
0x3: {  	_ = 	snop  }
0x4: {  	_ = 	snop  }
0x5: {  	_ = 	snop  }
0x6: {  	_ = 	snop  }
0x7: {  	_ = 	snop  }
__scs_overlays_trampoline_lowered:
0x8: {  	[smem:$0x3FAD] =	sst s0  }
0x9: {  	[smem:$0x3FAE] =	sst s1  }
0xa: {  	[smem:$0x3FAF] =	sst s2  }
0xb: {  	[smem:$0x3FB0] =	sst s3  }
0xc: {  	[smem:$0x3FB1] =	sst s4  }
0xd: {  	[smem:$0x3FB2] =	sst s5  }
0xe: {  	[smem:$0x3FB3] =	sst s6  }
0xf: {  	[smem:$0x3FB4] =	sst s7  }
0x10: {  	[smem:$0x3FB5] =	sst s8  }
0x11: {  	[smem:$0x3FB6] =	sst s9;
	s0 =	simm.s32 @!p0 $0x0  }
0x12: {  	s1 =	sld [smem:$0x3F9C];
	s0 =	simm.s32 @p0 $0x1  }
0x13: {  	[smem:$0x3FB7] =	sst s0;
	s0 =	simm.s32 @!p1 $0x0  }
0x14: {  	s2 =	sld [smem:$0x3F9B];
	s0 =	simm.s32 @p1 $0x1  }
0x15: {  	[smem:$0x3FB8] =	sst s0;
	s0 =	simm.s32 @!p2 $0x0  }
0x16: {  	s3 =	sld [smem:$0x3FDB];
	s0 =	simm.s32 @p2 $0x1  }
0x17: {  	s4 =	simm.s32 $0x1BF5;
	[smem:$0x3FBA] =	sst s0  }
0x18: {  	s0 =	sld [smem:$0x3F9D];
	_ =	swait.ge [sflag:s4], $0x0  }
0x19: {  	s7 =	sld [smem:$0x3F9E]  }
0x1a: {  	s8 =	sadd.s32 $0xFFFFE003, lr  }
0x1b: {  	s9 =	sadd.s32 $0xFFFFFEF7, lr;
	s5 =	simm.s32 $0xFFFFFFFF;
	p2 =	slt.u32 s8, $0xFFFFF086  }
0x1c: {  	p1 =	slt.u32 s9, $0xF7A;
	s5 =	simm.s32 @!p2 $0x0  }
0x1d: {  	s5 =	simm.s32 @p1 $0x1;
	p0 =	seq.s32 s7, s2  }
0x1e: {  	s7 =	smul.u32 @!p0 $0xF7A, s2;
	p2 =	seq.s32 @!p0 s5, $0x0  }
0x1f: {  	s9 =	smul.u32 $0xF7A, s1;
	s8 =	simm.s32 @!p0 $0x1BF5;
	p2 =	por !p2, p0  }
0x20: {  	[sflag:s8] =	ssyncset.s32 @!p0 $0xFFFFF086;
	s6 =	sadd.s32 @!p0 s3, s7;
	s7 =	simm.s32 @!p0 $0x108  }
0x21: {  	s3 =	sadd.s32 s3, s9;
	s6 =	sadd.s32 @!p0 $0x88, s6;
	s7 =	simm.s32 @p2 $0x1082  }
0x22: {  	[simem:s7], [sflag:s8] =	dma.local @!p0 [hbm:s6], $0xF7A  }
0x23: {  	s9 =	sor.u32 $0xD0000000, s2;
	s6 =	simm.s32 $0x108;
	_ =	swait.ge @!p0 [sflag:s8], $0x0  }
0x24: {  	s3 =	sadd.s32 $0x88, s3;
	s6 =	simm.s32 @!p1 $0x1082;
	[sflag:s4] =	ssyncset.s32 $0xFFFFF086  }
0x25: {  	[simem:s6], [sflag:s4] =	dma.local [hbm:s3], $0xF7A  }
0x26: {  	[smem:$0x3F9E] =	sst s1;
	(tag) =	ssettag s2;
	_ =	strace s9  }
0x27: {  	s1 =	sld [smem:$0x3FAE]  }
0x28: {  	s2 =	sld [smem:$0x3FAF]  }
0x29: {  	s4 =	sld [smem:$0x3FB1]  }
0x2a: {  	p0 =	seq.s32 s5, $0x0;
	s5 =	sld [smem:$0x3FB2]  }
0x2b: {  	s6 =	sld [smem:$0x3FB3]  }
0x2c: {  	s7 =	sld [smem:$0x3FB4]  }
0x2d: {  	s3 =	simm.s32 $0x108;
	s8 =	sld [smem:$0x3FB5]  }
0x2e: {  	s3 =	simm.s32 @!p0 $0x1082;
	s9 =	sld [smem:$0x3FB6]  }
0x2f: {  	lr =	sadd.s32 s0, s3;
	s0 =	sld [smem:$0x3FAD]  }
0x30: {  	s3 =	sld [smem:$0x3FB0]  }
0x31: {  	[smem:$0x3FB9] =	sst s10  }
0x32: {  	s10 =	sld [smem:$0x3FB7];
	_ =	sdelay $0x3  }
0x33: {  	p0 =	seq.s32 s10, $0x1;
	s10 =	sld [smem:$0x3FB9];
	_ =	sdelay $0x3  }
0x34: {  	[smem:$0x3FB9] =	sst s10  }
0x35: {  	s10 =	sld [smem:$0x3FB8];
	_ =	sdelay $0x3  }
0x36: {  	p1 =	seq.s32 s10, $0x1;
	s10 =	sld [smem:$0x3FB9];
	_ =	sdelay $0x3  }
0x37: {  	[smem:$0x3FB9] =	sst s10  }
0x38: {  	s10 =	sld [smem:$0x3FBA]  }
0x39: {  	_ = 	snop;
	(pc) =	sbr.ind lr, $3  }
0x3a: {  	_ = 	snop  }
0x3b: {  	_ = 	snop  }
0x3c: {  	p2 =	seq.s32 s10, $0x1;
	s10 =	sld [smem:$0x3FB9]  }
0x3d: {  	_ =	shalt  }
0x3e: {  	_ =	shalt  }
0x3f: {  	_ =	shalt  }
0x40: {  	_ =	shalt  }
0x41: {  	_ =	shalt  }
0x42: {  	_ =	shalt  }
0x43: {  	_ =	shalt  }
0x44: {  	_ =	shalt  }
0x45: {  	_ =	shalt  }
0x46: {  	_ =	shalt  }
0x47: {  	_ =	shalt  }
0x48: {  	_ =	shalt  }
0x49: {  	_ =	shalt  }
0x4a: {  	_ =	shalt  }
0x4b: {  	_ =	shalt  }
0x4c: {  	_ =	shalt  }
0x4d: {  	_ =	shalt  }
0x4e: {  	_ =	shalt  }
0x4f: {  	_ =	shalt  }
0x50: {  	_ =	shalt  }
0x51: {  	_ =	shalt  }
0x52: {  	_ =	shalt  }
0x53: {  	_ =	shalt  }
0x54: {  	_ =	shalt  }
0x55: {  	_ =	shalt  }
0x56: {  	_ =	shalt  }
0x57: {  	_ =	shalt  }
0x58: {  	_ =	shalt  }
0x59: {  	_ =	shalt  }
0x5a: {  	_ =	shalt  }
0x5b: {  	_ =	shalt  }
0x5c: {  	_ =	shalt  }
0x5d: {  	_ =	shalt  }
0x5e: {  	_ =	shalt  }
0x5f: {  	_ =	shalt  }
0x60: {  	_ =	shalt  }
0x61: {  	_ =	shalt  }
0x62: {  	_ =	shalt  }
0x63: {  	_ =	shalt  }
0x64: {  	_ =	shalt  }
0x65: {  	_ =	shalt  }
0x66: {  	_ =	shalt  }
0x67: {  	_ =	shalt  }
0x68: {  	_ =	shalt  }
0x69: {  	_ =	shalt  }
0x6a: {  	_ =	shalt  }
0x6b: {  	_ =	shalt  }
0x6c: {  	_ =	shalt  }
0x6d: {  	_ =	shalt  }
0x6e: {  	_ =	shalt  }
0x6f: {  	_ =	shalt  }
0x70: {  	_ =	shalt  }
0x71: {  	_ =	shalt  }
0x72: {  	_ =	shalt  }
0x73: {  	_ =	shalt  }
0x74: {  	_ =	shalt  }
0x75: {  	_ =	shalt  }
0x76: {  	_ =	shalt  }
0x77: {  	_ =	shalt  }
0x78: {  	_ =	shalt  }
0x79: {  	_ =	shalt  }
0x7a: {  	_ =	shalt  }
0x7b: {  	_ =	shalt  }
0x7c: {  	_ =	shalt  }
0x7d: {  	_ =	shalt  }
0x7e: {  	_ =	shalt  }
0x7f: {  	_ =	shalt  }
0x80: {  	_ =	shalt  }
0x81: {  	_ =	shalt  }
0x82: {  	_ =	shalt  }
0x83: {  	_ =	shalt  }
0x84: {  	_ =	shalt  }
0x85: {  	_ =	shalt  }
0x86: {  	_ =	shalt  }
0x87: {  	_ =	shalt  }
.Lfunc_end0:
.L_simem_size_0:
called_computation_lowered:
.L_overlay_start_0:
0x88: {  	s2 =	sld [smem:$0x3FD9]  }
0x89: {  	s3 =	sld [smem:$0x3FFE];
	_ =	sdelay $0x1  }
0x8a: {  	s1 =	srdreg.scid  }
0x8b: {  	s0 =	sand.u32 $0x1, s1  }
0x8c: {  	s17 =	sshll.u32 s0, $0xA;
	s2 =	sadd.s32 s3, s2  }
0x8d: {  	s2 =	sadd.s32 s2, s17  }
0x8e: {  	[smem:$0x3FC5] =	sst s2  }
0x8f: {  	_ = 	snop  }
0x90: {  	s2 =	sld [smem:$0x3FD0];
	(tm) =	ssettm $0x1  }
0x91: {  	s18 =	sld [smem:$0x3FFB];
	_ =	sdelay $0x3  }
0x92: {  	_ =	strace s18  }
0x93: {  	s3 =	sld [smem:$0x3FFC];
	_ =	sdelay $0x3  }
0x94: {  	_ =	strace s3  }
0x95: {  	s3 =	sld [smem:$0x3FFD];
	_ =	sdelay $0x3  }
0x96: {  	_ =	strace s3  }
0x97: {  	_ =	strace $0x8FFFFFFF  }
0x98: {  	s19 =	sld [smem:$0x3FDB];
	_ =	sdelay $0x1  }
0x99: {  	s4 =	simm.s32 $_scs_section_size  }
0x9a: {  	s5 =	simm.s32 $_size__tile_overlayer_lowered;
	s6 =	simm.s32 $_tile_overlayer_lowered  }
0x9b: {  	s22 =	simm.s32 $0x1BFF;
	s21 =	sshll.u32 s6, $0x1;
	s3 =	sadd.s32 s4, s19  }
0x9c: {  	s7 =	simm.s32 $0x0;
	s20 =	sshll.u32 s5, $0x1;
	s5 =	sadd.s32 s21, s3  }
0x9d: {  	[timem:s7], [sflag:s22] =	dma.local [hbm:s5], s20  }
0x9e: {  	_ =	swait.ge [sflag:s22], s20  }
0x9f: {  	s4 =	ssub.s32 $0x0, s20;
	[sflag:s22] =	ssyncset.done $0x0  }
0xa0: {  	[sflag:s22] =	ssyncadd.s32 s4;
	_ =	sdelay $0x1  }
0xa1: {  	s23 =	simm.s32 $0x1B8B  }
0xa2: {  	_ =	swait.ge [sflag:s23], $0x1  }
0xa3: {  	[sflag:s23] =	ssyncset.done $0x0  }
0xa4: {  	s25 =	simm.s32 $0x1B8E;
	s24 =	sld [smem:$0x3FFE];
	[sflag:s23] =	ssyncadd.s32 $0xFFFFFFFF  }
0xa5: {  	s26 =	simm.s32 $execute0_lowered;
	[smem:$0x3FD2] =	sst s25  }
0xa6: {  	s5 =	sshll.u32 s26, $0x1;
	_ =	strace $0x80000046;
	[dreg:$0x1] =	wrdreg $0xFFFFFFFF  }
0xa7: {  	s28 =	simm.s32 $_size_execute0_lowered;
	s3 =	sadd.s32 s3, s5;
	[dreg:$0x0] =	wrdreg $0x0  }
0xa8: {  	s5 =	sshll.u32 s28, $0x1;
	[dreg:$0x2] =	wrdreg s3  }
0xa9: {  	[dreg:$0x3] =	wrdreg s5  }
0xaa: {  	[dreg:$0x4] =	wrdreg $0xC0  }
0xab: {  	_ =	task [dreg:s7], $0x5FFFF  }
0xac: {  	[dreg:$0x1] =	wrdreg $0xFFFFFFFF  }
0xad: {  	[dreg:$0x0] =	wrdreg $0x60  }
0xae: {  	[dreg:$0x2] =	wrdreg s2  }
0xaf: {  	[dreg:$0x3] =	wrdreg s24  }
0xb0: {  	[dreg:$0x4] =	wrdreg $0x9  }
0xb1: {  	_ =	task.clear_ibuf [dreg:s7], $0x5FFFF;
	_ =	strace $0x90000046  }
0xb2: {  	s29 =	simm.s32 $0x9;
	_ =	strace $0x80000048  }
0xb3: {  	_ =	swait.ge [sflag:s29], $0x1  }
0xb4: {  	[sflag:s29] =	ssyncadd.s32 $0xFFFFFFFF  }
0xb5: {  	_ =	strace $0x90000048  }
0xb6: {  	_ =	sfence  }
0xb7: {  	s30 =	sld [smem:$0x0];
	_ =	sdelay $0x2  }
0xb8: {  	s31 =	sshll.u32 s1, $0xD;
	s1 =	sshrl.u32 s1, $0x2  }
0xb9: {  	s3 =	sand.u32 $0x4000, s31;
	s1 =	sadd.s32 s1, s30  }
0xba: {  	s0 =	sor.u32 s3, s0;
	s1 =	sshll.u32 s1, $0x11  }
0xbb: {  	s0 =	sor.u32 s1, s0  }
0xbc: {  	s0 =	sadd.s32 $0x8F2B, s0  }
0xbd: {  	[sflag:s0] =	ssyncadd.remote.s32 $0x1  }
0xbe: {  	_ =	sfence.sel $0xFFFF  }
0xbf: {  	[dreg:$0x0] =	wrdreg $0xFFFFFFFF;
	(pc) =	sbr.abs _section_cstart, $3  }
0xc0: {  	[dreg:$0x1] =	wrdreg $0xFFFFFFFF  }
0xc1: {  	_ =	task.clear_ibuf [dreg:s7], $0x2FFFF;
	_ =	strace $0x9FFFFFFF  }
0xc2: {  	(tm) =	ssettm $0x7FFFFFFF  }
0xc3: {  	_ =	shalt  }
tec
execute0_lowered:
.L_overlay_start_1:
0x0: {  	(tag) =	ssettag $0x1  }
0x1: {  	s3 =	rddreg [dreg:$0x0]  }
0x2: {  	s1 =	srdreg.scid;
	s4 =	rddreg [dreg:$0x1];
	s2 =	simm.s32 $0x0  }
0x3: {  	s0 =	stileid.u32;
	s15 =	simm.s32 $0x80;
	[smem:$0x7FF] =	sst s2  }
0x4: {  	s16 =	simm.s32 $0x900;
	_ =	strace $0x80000047;
	[dreg:$0x7] =	wrdreg s15  }
0x5: {  	s17 =	simm.s32 $0xD00;
	s18 =	simm.s32 $0x1500;
	[dreg:$0x8] =	wrdreg s16  }
0x6: {  	s20 =	simm.s32 $0x1900;
	s21 =	simm.s32 $0x2100;
	[dreg:$0x9] =	wrdreg s17  }
0x7: {  	s22 =	simm.s32 $0x2500;
	s23 =	simm.s32 $0x2D00;
	[dreg:$0xa] =	wrdreg s18  }
0x8: {  	s24 =	simm.s32 $0x3100;
	s25 =	simm.s32 $0x3900;
	[dreg:$0xb] =	wrdreg s20  }
0x9: {  	s26 =	simm.s32 $0x3D00;
	s9 =	simm.s32 $0x3;
	[dreg:$0xc] =	wrdreg s21  }
0xa: {  	s28 =	simm.s32 $0xA500;
	s29 =	simm.s32 $0xA900;
	[dreg:$0xd] =	wrdreg s22  }
0xb: {  	s30 =	simm.s32 $0xB100;
	s31 =	simm.s32 $0xB500;
	[dreg:$0xe] =	wrdreg s23  }
0xc: {  	s1 =	sand.u32 $0x1, s1;
	s5 =	sshll.u32 s0, $0x7;
	[dreg:$0xf] =	wrdreg s24  }
0xd: {  	s12 =	sadd.s32 $0x19600, s4;
	s6 =	sshll.u32 s1, $0x6;
	[dreg:$0x10] =	wrdreg s25  }
0xe: {  	s1 =	ssub.s32 $0x2, s1;
	[dreg:$0x11] =	wrdreg s26;
	s15 =	simm.s32 $0x2  }
0xf: {  	s16 =	simm.s32 $0x4;
	s17 =	simm.s32 $0x6900;
	s18 =	simm.s32 $0x6D00  }
0x10: {  	s20 =	simm.s32 $0x7900;
	s21 =	simm.s32 $0x8100;
	s22 =	simm.s32 $0x8500  }
0x11: {  	s23 =	simm.s32 $0x8D00;
	s24 =	simm.s32 $0x9100;
	s25 =	simm.s32 $0x9900  }
0x12: {  	s26 =	simm.s32 $0x9D00;
	s5 =	sor.u32 s6, s5;
	s19 =	sshrl.u32 s1, $0x1  }
0x13: {  	s7 =	sshll.u32 s5, $0x1;
	s5 =	sshrl.u32 s5, $0x3;
	s1 =	ssub.s32 s1, s19  }
0x14: {  	s19 =	simm.s32 $0x7500;
	s8 =	sand.u32 $0xF00, s7;
	s5 =	smul.u32 $0x180, s5  }
0x15: {  	s8 =	sor.u32 s6, s8;
	s6 =	sor.u32 s6, s7;
	s7 =	simm.s32 $0x6100  }
0x16: {  	s8 =	sshrl.u32 s8, $0x3;
	s6 =	sshrl.u32 s6, $0x3;
	s13 =	sadd.s32 s5, s4  }
0x17: {  	s3 =	sadd.s32 s3, s5;
	s5 =	smax.u32 s1, $0x1;
	s1 =	simm.s32 $0xBD00  }
0x18: {  	s8 =	sadd.s32 s12, s8;
	s6 =	sor.u32 $0x10, s6;
	[dreg:$0x5] =	wrdreg s3  }
0x19: {  	s14 =	sadd.s32 $0x1600, s13;
	s3 =	sadd.s32 $0x19800, s4;
	s4 =	sadd.s32 $0x19900, s4  }
0x1a: {  	v2 =	vlaneseq.u32;
	s13 =	simm.s32 $0x5500;
	[dreg:$0x3] =	wrdreg s8;
	s6 =	sadd.s32 s12, s6  }
0x1b: {  	vm0 =	vmmov $0xffff;
	vm1 =	vmmov $0xff;
	v1 =	vshrl.u32 v2, $0x3;
	[dreg:$0x6] =	wrdreg s14;
	s8 =	simm.s32 $0x1;
	s12 =	simm.s32 $0x5100  }
0x1c: {  	v0 =	vand.u32 $0x7, v2;
	v2 =	vor.u32 $0x8, v2;
	v1 =	vmul.u32 $0x8, v1;
	s14 =	simm.s32 $0x5D00;
	[dreg:$0x4] =	wrdreg s6;
	s6 =	simm.s32 $0x100  }
.LBB2_1:
0x1d: {  	s0 =	rddreg [dreg:$0x3]  }
0x1e: {  	s10 =	rddreg [dreg:$0x4]  }
0x1f: {  	[tilespmem:s2], [sflag:$0x1] =	stream.linear.gather [hbm4b:s0+s2], $0x40, $0x38;
	[tilespmem:$0xC100] =	vst v63  }
0x20: {  	s11 =	rddreg [dreg:$0x7]  }
0x21: {  	[tilespmem:s11], [sflag:$0x2] =	stream.linear.gather [hbm4b:s10+s2], $0x40, $0x38;
	[tilespmem:$0xC100] =	vst v63  }
0x22: {  	s0 =	rddreg [dreg:$0x5]  }
0x23: {  	[tilespmem:s6], [sflag:$0x3] =	stream.linear.gather [hbm4b:s0+s2], $0x6000, $0x38;
	[tilespmem:$0xC100] =	vst v63  }
0x24: {  	s11 =	rddreg [dreg:$0x6]  }
0x25: {  	[tilespmem:s7], [sflag:$0x4] =	stream.linear.gather [hbm4b:s11+s2], $0x6000, $0x38;
	[tilespmem:$0xC100] =	vst v63  }
0x26: {  	_ =	swait.ge [sflag:s8], $0x40  }
0x27: {  	[sflag:s8] =	ssyncset.done $0x0  }
0x28: {  	[sflag:s8] =	ssyncadd.s32 $0xFFFFFFC0  }
0x29: {  	_ =	swait.ge [sflag:s9], $0x6000  }
0x2a: {  	[sflag:s9] =	ssyncset.done $0x0  }
0x2b: {  	[sflag:s9] =	ssyncadd.s32 $0xFFFFA000  }
0x2c: {  	v3 =	vld [tilespmem:$0x0];
	_ =	sdelay $0x4  }
0x2d: {  	v4 =	vshrl.u32 v3, $0x3  }
0x2e: {  	v4 =	vmul.u32 $0x18, v4  }
0x2f: {  	v3 =	vand.u32 $0x7, v3  }
0x30: {  	v3 =	vor.u32 v3, v4  }
0x31: {  	v4 =	vperm.xlane v3, v0;
	_ =	sdelay $0x1  }
0x32: {  	v4 =	vadd.s32 v1, v4;
	_ =	sdelay $0x1  }
0x33: {  	v3 =	vperm.xlane v3, v2;
	_ =	sdelay $0x1  }
0x34: {  	v3 =	vadd.s32 v1, v3  }
0x35: {  	[hbm4b:s3+s2] =	stream.indirect_vreg.scatter [tilespmem:s6], [sflag:$0x1], $0x80, v4, vm0, $0xb8;
	[tilespmem:$0xC100] =	vst v63  }
0x36: {  	s11 =	rddreg [dreg:$0x8]  }
0x37: {  	[hbm4b:s4+s2] =	stream.indirect_vreg.scatter [tilespmem:s11], [sflag:$0x1], $0x80, v4, vm1, $0xb8;
	[tilespmem:$0xC100] =	vst v63  }
0x38: {  	s10 =	rddreg [dreg:$0x9]  }
0x39: {  	[hbm4b:s3+s2] =	stream.indirect_vreg.scatter [tilespmem:s10], [sflag:$0x1], $0x80, v3, vm0, $0xb8;
	[tilespmem:$0xC100] =	vst v63  }
0x3a: {  	s11 =	rddreg [dreg:$0xa]  }
0x3b: {  	[hbm4b:s4+s2] =	stream.indirect_vreg.scatter [tilespmem:s11], [sflag:$0x1], $0x80, v3, vm1, $0xb8;
	[tilespmem:$0xC100] =	vst v63  }
0x3c: {  	v3 =	vld [tilespmem:$0x10];
	_ =	sdelay $0x4  }
0x3d: {  	v57 =	vshrl.u32 v3, $0x3  }
0x3e: {  	v4 =	vmul.u32 $0x18, v57  }
0x3f: {  	v3 =	vand.u32 $0x7, v3  }
0x40: {  	v3 =	vor.u32 v3, v4  }
0x41: {  	v4 =	vperm.xlane v3, v0;
	_ =	sdelay $0x1  }
0x42: {  	v4 =	vadd.s32 v1, v4;
	_ =	sdelay $0x1  }
0x43: {  	v3 =	vperm.xlane v3, v2;
	_ =	sdelay $0x1  }
0x44: {  	s10 =	rddreg [dreg:$0xb];
	v3 =	vadd.s32 v1, v3  }
0x45: {  	[hbm4b:s3+s2] =	stream.indirect_vreg.scatter [tilespmem:s10], [sflag:$0x1], $0x80, v4, vm0, $0xb8;
	[tilespmem:$0xC100] =	vst v63  }
0x46: {  	s11 =	rddreg [dreg:$0xc]  }
0x47: {  	[hbm4b:s4+s2] =	stream.indirect_vreg.scatter [tilespmem:s11], [sflag:$0x1], $0x80, v4, vm1, $0xb8;
	[tilespmem:$0xC100] =	vst v63  }
0x48: {  	s0 =	rddreg [dreg:$0xd]  }
0x49: {  	[hbm4b:s3+s2] =	stream.indirect_vreg.scatter [tilespmem:s0], [sflag:$0x1], $0x80, v3, vm0, $0xb8;
	[tilespmem:$0xC100] =	vst v63  }
0x4a: {  	s11 =	rddreg [dreg:$0xe]  }
0x4b: {  	[hbm4b:s4+s2] =	stream.indirect_vreg.scatter [tilespmem:s11], [sflag:$0x1], $0x80, v3, vm1, $0xb8;
	[tilespmem:$0xC100] =	vst v63  }
0x4c: {  	v3 =	vld [tilespmem:$0x20];
	_ =	sdelay $0x4  }
0x4d: {  	v58 =	vshrl.u32 v3, $0x3  }
0x4e: {  	v4 =	vmul.u32 $0x18, v58  }
0x4f: {  	v3 =	vand.u32 $0x7, v3  }
0x50: {  	v3 =	vor.u32 v3, v4  }
0x51: {  	v4 =	vperm.xlane v3, v0;
	_ =	sdelay $0x1  }
0x52: {  	v4 =	vadd.s32 v1, v4;
	_ =	sdelay $0x1  }
0x53: {  	v3 =	vperm.xlane v3, v2;
	_ =	sdelay $0x1  }
0x54: {  	s11 =	rddreg [dreg:$0xf];
	v3 =	vadd.s32 v1, v3  }
0x55: {  	[hbm4b:s3+s2] =	stream.indirect_vreg.scatter [tilespmem:s11], [sflag:$0x1], $0x80, v4, vm0, $0xb8;
	[tilespmem:$0xC100] =	vst v63  }
0x56: {  	s10 =	rddreg [dreg:$0x10]  }
0x57: {  	[hbm4b:s4+s2] =	stream.indirect_vreg.scatter [tilespmem:s10], [sflag:$0x1], $0x80, v4, vm1, $0xb8;
	[tilespmem:$0xC100] =	vst v63  }
0x58: {  	s11 =	rddreg [dreg:$0x11]  }
0x59: {  	[hbm4b:s3+s2] =	stream.indirect_vreg.scatter [tilespmem:s11], [sflag:$0x1], $0x80, v3, vm0, $0xb8;
	[tilespmem:$0xC100] =	vst v63  }
0x5a: {  	s10 =	simm.s32 $0x4500  }
0x5b: {  	[hbm4b:s4+s2] =	stream.indirect_vreg.scatter [tilespmem:s10], [sflag:$0x1], $0x80, v3, vm1, $0xb8;
	[tilespmem:$0xC100] =	vst v63  }
0x5c: {  	v3 =	vld [tilespmem:$0x30];
	_ =	sdelay $0x4  }
0x5d: {  	v59 =	vshrl.u32 v3, $0x3  }
0x5e: {  	v4 =	vmul.u32 $0x18, v59  }
0x5f: {  	v3 =	vand.u32 $0x7, v3  }
0x60: {  	v3 =	vor.u32 v3, v4  }
0x61: {  	v4 =	vperm.xlane v3, v0;
	_ =	sdelay $0x1  }
0x62: {  	v4 =	vadd.s32 v1, v4;
	_ =	sdelay $0x1  }
0x63: {  	v3 =	vperm.xlane v3, v2;
	_ =	sdelay $0x1  }
0x64: {  	s11 =	simm.s32 $0x4900;
	v3 =	vadd.s32 v1, v3  }
0x65: {  	[hbm4b:s3+s2] =	stream.indirect_vreg.scatter [tilespmem:s11], [sflag:$0x1], $0x80, v4, vm0, $0xb8;
	[tilespmem:$0xC100] =	vst v63  }
0x66: {  	_ = 	snop  }
0x67: {  	[hbm4b:s4+s2] =	stream.indirect_vreg.scatter [tilespmem:s12], [sflag:$0x1], $0x80, v4, vm1, $0xb8;
	[tilespmem:$0xC100] =	vst v63  }
0x68: {  	_ = 	snop  }
0x69: {  	[hbm4b:s3+s2] =	stream.indirect_vreg.scatter [tilespmem:s13], [sflag:$0x1], $0x80, v3, vm0, $0xb8;
	[tilespmem:$0xC100] =	vst v63  }
0x6a: {  	_ = 	snop  }
0x6b: {  	[hbm4b:s4+s2] =	stream.indirect_vreg.scatter [tilespmem:s14], [sflag:$0x1], $0x80, v3, vm1, $0xb8;
	[tilespmem:$0xC100] =	vst v63  }
0x6c: {  	_ =	swait.ge [sflag:s15], $0x40  }
0x6d: {  	[sflag:s15] =	ssyncset.done $0x0  }
0x6e: {  	[sflag:s15] =	ssyncadd.s32 $0xFFFFFFC0  }
0x6f: {  	_ =	swait.ge [sflag:s16], $0x6000  }
0x70: {  	[sflag:s16] =	ssyncset.done $0x0  }
0x71: {  	[sflag:s16] =	ssyncadd.s32 $0xFFFFA000  }
0x72: {  	v3 =	vld [tilespmem:$0x80];
	_ =	sdelay $0x4  }
0x73: {  	v60 =	vshrl.u32 v3, $0x3  }
0x74: {  	v4 =	vmul.u32 $0x18, v60  }
0x75: {  	v3 =	vand.u32 $0x7, v3  }
0x76: {  	v3 =	vor.u32 v3, v4  }
0x77: {  	v4 =	vperm.xlane v3, v0;
	_ =	sdelay $0x1  }
0x78: {  	v4 =	vadd.s32 v1, v4;
	_ =	sdelay $0x1  }
0x79: {  	v3 =	vperm.xlane v3, v2;
	_ =	sdelay $0x1  }
0x7a: {  	v3 =	vadd.s32 v1, v3  }
0x7b: {  	[hbm4b:s3+s2] =	stream.indirect_vreg.scatter [tilespmem:s7], [sflag:$0x2], $0x80, v4, vm0, $0xb8;
	[tilespmem:$0xC100] =	vst v63  }
0x7c: {  	_ = 	snop  }
0x7d: {  	[hbm4b:s4+s2] =	stream.indirect_vreg.scatter [tilespmem:s17], [sflag:$0x2], $0x80, v4, vm1, $0xb8;
	[tilespmem:$0xC100] =	vst v63  }
0x7e: {  	_ = 	snop  }
0x7f: {  	[hbm4b:s3+s2] =	stream.indirect_vreg.scatter [tilespmem:s18], [sflag:$0x2], $0x80, v3, vm0, $0xb8;
	[tilespmem:$0xC100] =	vst v63  }
0x80: {  	_ = 	snop  }
0x81: {  	[hbm4b:s4+s2] =	stream.indirect_vreg.scatter [tilespmem:s19], [sflag:$0x2], $0x80, v3, vm1, $0xb8;
	[tilespmem:$0xC100] =	vst v63  }
0x82: {  	v3 =	vld [tilespmem:$0x90];
	_ =	sdelay $0x4  }
0x83: {  	v61 =	vshrl.u32 v3, $0x3  }
0x84: {  	v4 =	vmul.u32 $0x18, v61  }
0x85: {  	v3 =	vand.u32 $0x7, v3  }
0x86: {  	v3 =	vor.u32 v3, v4  }
0x87: {  	v4 =	vperm.xlane v3, v0;
	_ =	sdelay $0x1  }
0x88: {  	v4 =	vadd.s32 v1, v4;
	_ =	sdelay $0x1  }
0x89: {  	v3 =	vperm.xlane v3, v2;
	_ =	sdelay $0x1  }
0x8a: {  	v3 =	vadd.s32 v1, v3  }
0x8b: {  	[hbm4b:s3+s2] =	stream.indirect_vreg.scatter [tilespmem:s20], [sflag:$0x2], $0x80, v4, vm0, $0xb8;
	[tilespmem:$0xC100] =	vst v63  }
0x8c: {  	_ = 	snop  }
0x8d: {  	[hbm4b:s4+s2] =	stream.indirect_vreg.scatter [tilespmem:s21], [sflag:$0x2], $0x80, v4, vm1, $0xb8;
	[tilespmem:$0xC100] =	vst v63  }
0x8e: {  	_ = 	snop  }
0x8f: {  	[hbm4b:s3+s2] =	stream.indirect_vreg.scatter [tilespmem:s22], [sflag:$0x2], $0x80, v3, vm0, $0xb8;
	[tilespmem:$0xC100] =	vst v63  }
0x90: {  	_ = 	snop  }
0x91: {  	[hbm4b:s4+s2] =	stream.indirect_vreg.scatter [tilespmem:s23], [sflag:$0x2], $0x80, v3, vm1, $0xb8;
	[tilespmem:$0xC100] =	vst v63  }
0x92: {  	v3 =	vld [tilespmem:$0xA0];
	_ =	sdelay $0x4  }
0x93: {  	v62 =	vshrl.u32 v3, $0x3  }
0x94: {  	v4 =	vmul.u32 $0x18, v62  }
0x95: {  	v3 =	vand.u32 $0x7, v3  }
0x96: {  	v3 =	vor.u32 v3, v4  }
0x97: {  	v4 =	vperm.xlane v3, v0;
	_ =	sdelay $0x1  }
0x98: {  	v4 =	vadd.s32 v1, v4;
	_ =	sdelay $0x1  }
0x99: {  	v3 =	vperm.xlane v3, v2;
	_ =	sdelay $0x1  }
0x9a: {  	v3 =	vadd.s32 v1, v3  }
0x9b: {  	[hbm4b:s3+s2] =	stream.indirect_vreg.scatter [tilespmem:s24], [sflag:$0x2], $0x80, v4, vm0, $0xb8;
	[tilespmem:$0xC100] =	vst v63  }
0x9c: {  	_ = 	snop  }
0x9d: {  	[hbm4b:s4+s2] =	stream.indirect_vreg.scatter [tilespmem:s25], [sflag:$0x2], $0x80, v4, vm1, $0xb8;
	[tilespmem:$0xC100] =	vst v63  }
0x9e: {  	_ = 	snop  }
0x9f: {  	[hbm4b:s3+s2] =	stream.indirect_vreg.scatter [tilespmem:s26], [sflag:$0x2], $0x80, v3, vm0, $0xb8;
	[tilespmem:$0xC100] =	vst v63  }
0xa0: {  	_ = 	snop  }
0xa1: {  	[hbm4b:s4+s2] =	stream.indirect_vreg.scatter [tilespmem:s28], [sflag:$0x2], $0x80, v3, vm1, $0xb8;
	[tilespmem:$0xC100] =	vst v63  }
0xa2: {  	v3 =	vld [tilespmem:$0xB0];
	_ =	sdelay $0x4  }
0xa3: {  	v63 =	vshrl.u32 v3, $0x3  }
0xa4: {  	v4 =	vmul.u32 $0x18, v63  }
0xa5: {  	v3 =	vand.u32 $0x7, v3  }
0xa6: {  	v3 =	vor.u32 v3, v4  }
0xa7: {  	v4 =	vperm.xlane v3, v0;
	_ =	sdelay $0x1  }
0xa8: {  	v4 =	vadd.s32 v1, v4;
	_ =	sdelay $0x1  }
0xa9: {  	v3 =	vperm.xlane v3, v2;
	_ =	sdelay $0x1  }
0xaa: {  	v3 =	vadd.s32 v1, v3  }
0xab: {  	[hbm4b:s3+s2] =	stream.indirect_vreg.scatter [tilespmem:s29], [sflag:$0x2], $0x80, v4, vm0, $0xb8;
	[tilespmem:$0xC100] =	vst v63  }
0xac: {  	_ = 	snop  }
0xad: {  	[hbm4b:s4+s2] =	stream.indirect_vreg.scatter [tilespmem:s30], [sflag:$0x2], $0x80, v4, vm1, $0xb8;
	[tilespmem:$0xC100] =	vst v63  }
0xae: {  	_ = 	snop  }
0xaf: {  	[hbm4b:s3+s2] =	stream.indirect_vreg.scatter [tilespmem:s31], [sflag:$0x2], $0x80, v3, vm0, $0xb8;
	[tilespmem:$0xC100] =	vst v63  }
0xb0: {  	_ = 	snop  }
0xb1: {  	[hbm4b:s4+s2] =	stream.indirect_vreg.scatter [tilespmem:s1], [sflag:$0x2], $0x80, v3, vm1, $0xb8;
	[tilespmem:$0xC100] =	vst v63  }
0xb2: {  	p0 =	sne.s32 s5, $0x1;
	_ =	swait.ge [sflag:s8], $0x6000  }
.Ltmp0:
0xb3: {  	[sflag:s8] =	ssyncset.done $0x0;
	(pc) =	sbr.rel @p0 .LBB2_1-.Ltmp0, $4  }
0xb4: {  	[sflag:s8] =	ssyncadd.s32 $0xFFFFA000  }
0xb5: {  	_ =	swait.ge [sflag:s15], $0x6000  }
0xb6: {  	[sflag:s15] =	ssyncset.done $0x0  }
0xb7: {  	s5 =	sadd.s32 $0xFFFFFFFF, s5;
	[sflag:s15] =	ssyncadd.s32 $0xFFFFA000  }
0xb8: {  	_ =	sfence.sel $0x180000  }
0xb9: {  	[bflag:$0x0] =	sbarrier.arrive $0xFFFF  }
0xba: {  	_ =	strace $0x90000047  }
0xbb: {  	s0 =	stileid.u32;
	[bflag:$0x2] =	sbarrier.arrive $0xFFFF  }
0xbc: {  	p0 =	sne.s32 s0, $0x0;
	s0 =	rddreg [dreg:$0x2]  }
0xbd: {  	s0 =	sadd.s32 @!p0 $0x100000, s0  }
0xbe: {  	[sflag:s0] =	ssyncadd.tile.s32 @!p0 $0x1;
	_ =	shalt  }
.Lfunc_end2:
_tile_overlayer_lowered:
.L_overlay_start_2:
0xbf: {  	(tag) =	ssettag $0x2  }
0xc0: {  	s0 =	rddreg [dreg:$0x0];
	s2 =	stileid.u32  }
0xc1: {  	s1 =	rddreg [dreg:$0x1];
	p0 =	sne.s32 s2, $0x0  }
0xc2: {  	s3 =	rddreg [dreg:$0x2];
	[bflag:$0x3] =	sbarrier.arrive $0xFFFF;
	s2 =	simm.s32 @!p0 $0x1C05  }
0xc3: {  	[timem:s3], [sflag:s2] =	dma.local @!p0 [hbm:s0], s1  }
0xc4: {  	s0 =	simm.s32 @!p0 $0x5  }
0xc5: {  	_ =	swait.ge @!p0 [sflag:s0], s1  }
0xc6: {  	s1 =	ssub.s32 @!p0 $0x0, s1;
	[sflag:s0] =	ssyncset.done @!p0 $0x0  }
0xc7: {  	[sflag:s0] =	ssyncadd.s32 @!p0 s1  }
0xc8: {  	[bflag:$0x3] =	sbarrier.arrive $0xFFFF  }
0xc9: {  	_ =	shalt  }

// kernel: kernel.9.cloned.1.call-start
scs
__scs_entry_jumppad:
0x0: {  	(pc) =	sbr.rel $0x88, $3  }
0x1: {  	(tag) =	ssettag $0x0;
	lr =	simm.s32 $0x1  }
0x2: {  	[smem:$0x3F9E] =	sst lr;
	_ =	strace $0xD0000000  }
0x3: {  	_ = 	snop  }
0x4: {  	_ = 	snop  }
0x5: {  	_ = 	snop  }
0x6: {  	_ = 	snop  }
0x7: {  	_ = 	snop  }
__scs_overlays_trampoline_lowered:
0x8: {  	[smem:$0x3FAD] =	sst s0  }
0x9: {  	[smem:$0x3FAE] =	sst s1  }
0xa: {  	[smem:$0x3FAF] =	sst s2  }
0xb: {  	[smem:$0x3FB0] =	sst s3  }
0xc: {  	[smem:$0x3FB1] =	sst s4  }
0xd: {  	[smem:$0x3FB2] =	sst s5  }
0xe: {  	[smem:$0x3FB3] =	sst s6  }
0xf: {  	[smem:$0x3FB4] =	sst s7  }
0x10: {  	[smem:$0x3FB5] =	sst s8  }
0x11: {  	[smem:$0x3FB6] =	sst s9;
	s0 =	simm.s32 @!p0 $0x0  }
0x12: {  	s1 =	sld [smem:$0x3F9C];
	s0 =	simm.s32 @p0 $0x1  }
0x13: {  	[smem:$0x3FB7] =	sst s0;
	s0 =	simm.s32 @!p1 $0x0  }
0x14: {  	s2 =	sld [smem:$0x3F9B];
	s0 =	simm.s32 @p1 $0x1  }
0x15: {  	[smem:$0x3FB8] =	sst s0;
	s0 =	simm.s32 @!p2 $0x0  }
0x16: {  	s3 =	sld [smem:$0x3FDB];
	s0 =	simm.s32 @p2 $0x1  }
0x17: {  	s4 =	simm.s32 $0x1BF5;
	[smem:$0x3FBA] =	sst s0  }
0x18: {  	s0 =	sld [smem:$0x3F9D];
	_ =	swait.ge [sflag:s4], $0x0  }
0x19: {  	s7 =	sld [smem:$0x3F9E]  }
0x1a: {  	s8 =	sadd.s32 $0xFFFFE003, lr  }
0x1b: {  	s9 =	sadd.s32 $0xFFFFFEF7, lr;
	s5 =	simm.s32 $0xFFFFFFFF;
	p2 =	slt.u32 s8, $0xFFFFF086  }
0x1c: {  	p1 =	slt.u32 s9, $0xF7A;
	s5 =	simm.s32 @!p2 $0x0  }
0x1d: {  	s5 =	simm.s32 @p1 $0x1;
	p0 =	seq.s32 s7, s2  }
0x1e: {  	s7 =	smul.u32 @!p0 $0xF7A, s2;
	p2 =	seq.s32 @!p0 s5, $0x0  }
0x1f: {  	s9 =	smul.u32 $0xF7A, s1;
	s8 =	simm.s32 @!p0 $0x1BF5;
	p2 =	por !p2, p0  }
0x20: {  	[sflag:s8] =	ssyncset.s32 @!p0 $0xFFFFF086;
	s6 =	sadd.s32 @!p0 s3, s7;
	s7 =	simm.s32 @!p0 $0x108  }
0x21: {  	s3 =	sadd.s32 s3, s9;
	s6 =	sadd.s32 @!p0 $0x88, s6;
	s7 =	simm.s32 @p2 $0x1082  }
0x22: {  	[simem:s7], [sflag:s8] =	dma.local @!p0 [hbm:s6], $0xF7A  }
0x23: {  	s9 =	sor.u32 $0xD0000000, s2;
	s6 =	simm.s32 $0x108;
	_ =	swait.ge @!p0 [sflag:s8], $0x0  }
0x24: {  	s3 =	sadd.s32 $0x88, s3;
	s6 =	simm.s32 @!p1 $0x1082;
	[sflag:s4] =	ssyncset.s32 $0xFFFFF086  }
0x25: {  	[simem:s6], [sflag:s4] =	dma.local [hbm:s3], $0xF7A  }
0x26: {  	[smem:$0x3F9E] =	sst s1;
	(tag) =	ssettag s2;
	_ =	strace s9  }
0x27: {  	s1 =	sld [smem:$0x3FAE]  }
0x28: {  	s2 =	sld [smem:$0x3FAF]  }
0x29: {  	s4 =	sld [smem:$0x3FB1]  }
0x2a: {  	p0 =	seq.s32 s5, $0x0;
	s5 =	sld [smem:$0x3FB2]  }
0x2b: {  	s6 =	sld [smem:$0x3FB3]  }
0x2c: {  	s7 =	sld [smem:$0x3FB4]  }
0x2d: {  	s3 =	simm.s32 $0x108;
	s8 =	sld [smem:$0x3FB5]  }
0x2e: {  	s3 =	simm.s32 @!p0 $0x1082;
	s9 =	sld [smem:$0x3FB6]  }
0x2f: {  	lr =	sadd.s32 s0, s3;
	s0 =	sld [smem:$0x3FAD]  }
0x30: {  	s3 =	sld [smem:$0x3FB0]  }
0x31: {  	[smem:$0x3FB9] =	sst s10  }
0x32: {  	s10 =	sld [smem:$0x3FB7];
	_ =	sdelay $0x3  }
0x33: {  	p0 =	seq.s32 s10, $0x1;
	s10 =	sld [smem:$0x3FB9];
	_ =	sdelay $0x3  }
0x34: {  	[smem:$0x3FB9] =	sst s10  }
0x35: {  	s10 =	sld [smem:$0x3FB8];
	_ =	sdelay $0x3  }
0x36: {  	p1 =	seq.s32 s10, $0x1;
	s10 =	sld [smem:$0x3FB9];
	_ =	sdelay $0x3  }
0x37: {  	[smem:$0x3FB9] =	sst s10  }
0x38: {  	s10 =	sld [smem:$0x3FBA]  }
0x39: {  	_ = 	snop;
	(pc) =	sbr.ind lr, $3  }
0x3a: {  	_ = 	snop  }
0x3b: {  	_ = 	snop  }
0x3c: {  	p2 =	seq.s32 s10, $0x1;
	s10 =	sld [smem:$0x3FB9]  }
0x3d: {  	_ =	shalt  }
0x3e: {  	_ =	shalt  }
0x3f: {  	_ =	shalt  }
0x40: {  	_ =	shalt  }
0x41: {  	_ =	shalt  }
0x42: {  	_ =	shalt  }
0x43: {  	_ =	shalt  }
0x44: {  	_ =	shalt  }
0x45: {  	_ =	shalt  }
0x46: {  	_ =	shalt  }
0x47: {  	_ =	shalt  }
0x48: {  	_ =	shalt  }
0x49: {  	_ =	shalt  }
0x4a: {  	_ =	shalt  }
0x4b: {  	_ =	shalt  }
0x4c: {  	_ =	shalt  }
0x4d: {  	_ =	shalt  }
0x4e: {  	_ =	shalt  }
0x4f: {  	_ =	shalt  }
0x50: {  	_ =	shalt  }
0x51: {  	_ =	shalt  }
0x52: {  	_ =	shalt  }
0x53: {  	_ =	shalt  }
0x54: {  	_ =	shalt  }
0x55: {  	_ =	shalt  }
0x56: {  	_ =	shalt  }
0x57: {  	_ =	shalt  }
0x58: {  	_ =	shalt  }
0x59: {  	_ =	shalt  }
0x5a: {  	_ =	shalt  }
0x5b: {  	_ =	shalt  }
0x5c: {  	_ =	shalt  }
0x5d: {  	_ =	shalt  }
0x5e: {  	_ =	shalt  }
0x5f: {  	_ =	shalt  }
0x60: {  	_ =	shalt  }
0x61: {  	_ =	shalt  }
0x62: {  	_ =	shalt  }
0x63: {  	_ =	shalt  }
0x64: {  	_ =	shalt  }
0x65: {  	_ =	shalt  }
0x66: {  	_ =	shalt  }
0x67: {  	_ =	shalt  }
0x68: {  	_ =	shalt  }
0x69: {  	_ =	shalt  }
0x6a: {  	_ =	shalt  }
0x6b: {  	_ =	shalt  }
0x6c: {  	_ =	shalt  }
0x6d: {  	_ =	shalt  }
0x6e: {  	_ =	shalt  }
0x6f: {  	_ =	shalt  }
0x70: {  	_ =	shalt  }
0x71: {  	_ =	shalt  }
0x72: {  	_ =	shalt  }
0x73: {  	_ =	shalt  }
0x74: {  	_ =	shalt  }
0x75: {  	_ =	shalt  }
0x76: {  	_ =	shalt  }
0x77: {  	_ =	shalt  }
0x78: {  	_ =	shalt  }
0x79: {  	_ =	shalt  }
0x7a: {  	_ =	shalt  }
0x7b: {  	_ =	shalt  }
0x7c: {  	_ =	shalt  }
0x7d: {  	_ =	shalt  }
0x7e: {  	_ =	shalt  }
0x7f: {  	_ =	shalt  }
0x80: {  	_ =	shalt  }
0x81: {  	_ =	shalt  }
0x82: {  	_ =	shalt  }
0x83: {  	_ =	shalt  }
0x84: {  	_ =	shalt  }
0x85: {  	_ =	shalt  }
0x86: {  	_ =	shalt  }
0x87: {  	_ =	shalt  }
.Lfunc_end0:
.L_simem_size_0:
called_computation.1_lowered:
.L_overlay_start_0:
0x88: {  	s2 =	sld [smem:$0x3FD9]  }
0x89: {  	s3 =	sld [smem:$0x3FFE];
	_ =	sdelay $0x1  }
0x8a: {  	s1 =	srdreg.scid  }
0x8b: {  	s0 =	sand.u32 $0x1, s1  }
0x8c: {  	s17 =	sshll.u32 s0, $0xA;
	s2 =	sadd.s32 s3, s2  }
0x8d: {  	s2 =	sadd.s32 s2, s17  }
0x8e: {  	[smem:$0x3FC5] =	sst s2  }
0x8f: {  	_ = 	snop  }
0x90: {  	s2 =	sld [smem:$0x3FD0];
	(tm) =	ssettm $0x1  }
0x91: {  	s18 =	sld [smem:$0x3FFB];
	_ =	sdelay $0x3  }
0x92: {  	_ =	strace s18  }
0x93: {  	s3 =	sld [smem:$0x3FFC];
	_ =	sdelay $0x3  }
0x94: {  	_ =	strace s3  }
0x95: {  	s3 =	sld [smem:$0x3FFD];
	_ =	sdelay $0x3  }
0x96: {  	_ =	strace s3  }
0x97: {  	_ =	strace $0x8FFFFFFF  }
0x98: {  	s19 =	sld [smem:$0x3FDB];
	_ =	sdelay $0x1  }
0x99: {  	s4 =	simm.s32 $_scs_section_size  }
0x9a: {  	s5 =	simm.s32 $_size__tile_overlayer_lowered;
	s6 =	simm.s32 $_tile_overlayer_lowered  }
0x9b: {  	s22 =	simm.s32 $0x1BFF;
	s21 =	sshll.u32 s6, $0x1;
	s3 =	sadd.s32 s4, s19  }
0x9c: {  	s7 =	simm.s32 $0x0;
	s20 =	sshll.u32 s5, $0x1;
	s5 =	sadd.s32 s21, s3  }
0x9d: {  	[timem:s7], [sflag:s22] =	dma.local [hbm:s5], s20  }
0x9e: {  	_ =	swait.ge [sflag:s22], s20  }
0x9f: {  	s4 =	ssub.s32 $0x0, s20;
	[sflag:s22] =	ssyncset.done $0x0  }
0xa0: {  	[sflag:s22] =	ssyncadd.s32 s4;
	_ =	sdelay $0x1  }
0xa1: {  	s23 =	simm.s32 $0x1B8B  }
0xa2: {  	_ =	swait.ge [sflag:s23], $0x1  }
0xa3: {  	[sflag:s23] =	ssyncset.done $0x0  }
0xa4: {  	s25 =	simm.s32 $0x1B8E;
	s24 =	sld [smem:$0x3FFE];
	[sflag:s23] =	ssyncadd.s32 $0xFFFFFFFF  }
0xa5: {  	s26 =	simm.s32 $execute0_lowered;
	[smem:$0x3FD2] =	sst s25  }
0xa6: {  	s5 =	sshll.u32 s26, $0x1;
	_ =	strace $0x80000049;
	[dreg:$0x1] =	wrdreg $0xFFFFFFFF  }
0xa7: {  	s28 =	simm.s32 $_size_execute0_lowered;
	s3 =	sadd.s32 s3, s5;
	[dreg:$0x0] =	wrdreg $0x0  }
0xa8: {  	s5 =	sshll.u32 s28, $0x1;
	[dreg:$0x2] =	wrdreg s3  }
0xa9: {  	[dreg:$0x3] =	wrdreg s5  }
0xaa: {  	[dreg:$0x4] =	wrdreg $0xC0  }
0xab: {  	_ =	task [dreg:s7], $0x5FFFF  }
0xac: {  	[dreg:$0x1] =	wrdreg $0xFFFFFFFF  }
0xad: {  	[dreg:$0x0] =	wrdreg $0x60  }
0xae: {  	[dreg:$0x2] =	wrdreg s24  }
0xaf: {  	[dreg:$0x3] =	wrdreg s2  }
0xb0: {  	[dreg:$0x4] =	wrdreg $0x9  }
0xb1: {  	_ =	task.clear_ibuf [dreg:s7], $0x5FFFF;
	_ =	strace $0x90000049  }
0xb2: {  	s29 =	simm.s32 $0x9;
	_ =	strace $0x8000004B  }
0xb3: {  	_ =	swait.ge [sflag:s29], $0x1  }
0xb4: {  	[sflag:s29] =	ssyncadd.s32 $0xFFFFFFFF  }
0xb5: {  	_ =	strace $0x9000004B  }
0xb6: {  	_ =	sfence  }
0xb7: {  	s30 =	sld [smem:$0x0];
	_ =	sdelay $0x2  }
0xb8: {  	s31 =	sshll.u32 s1, $0xD;
	s1 =	sshrl.u32 s1, $0x2  }
0xb9: {  	s3 =	sand.u32 $0x4000, s31;
	s1 =	sadd.s32 s1, s30  }
0xba: {  	s0 =	sor.u32 s3, s0;
	s1 =	sshll.u32 s1, $0x11  }
0xbb: {  	s0 =	sor.u32 s1, s0  }
0xbc: {  	s0 =	sadd.s32 $0x8F2B, s0  }
0xbd: {  	[sflag:s0] =	ssyncadd.remote.s32 $0x1  }
0xbe: {  	_ =	sfence.sel $0xFFFF  }
0xbf: {  	[dreg:$0x0] =	wrdreg $0xFFFFFFFF;
	(pc) =	sbr.abs _section_cstart, $3  }
0xc0: {  	[dreg:$0x1] =	wrdreg $0xFFFFFFFF  }
0xc1: {  	_ =	task.clear_ibuf [dreg:s7], $0x2FFFF;
	_ =	strace $0x9FFFFFFF  }
0xc2: {  	(tm) =	ssettm $0x7FFFFFFF  }
0xc3: {  	_ =	shalt  }
tec
execute0_lowered:
.L_overlay_start_1:
0x0: {  	(tag) =	ssettag $0x1  }
0x1: {  	s0 =	rddreg [dreg:$0x0]  }
0x2: {  	s1 =	rddreg [dreg:$0x1];
	s3 =	srdreg.scid;
	s2 =	simm.s32 $0x0  }
0x3: {  	s5 =	stileid.u32;
	s16 =	simm.s32 $0x1;
	s17 =	simm.s32 $0x200  }
0x4: {  	s30 =	simm.s32 $0x2;
	s20 =	simm.s32 $0x4;
	s31 =	simm.s32 $0x15200  }
0x5: {  	s14 =	simm.s32 $0x17200;
	s15 =	simm.s32 $0x17A00;
	s18 =	simm.s32 $0x5  }
0x6: {  	s19 =	simm.s32 $0x6;
	s21 =	simm.s32 $0x0;
	s4 =	sand.u32 $0x1, s3  }
0x7: {  	[smem:$0x7FF] =	sst s2;
	s24 =	sshll.u32 s5, $0x7;
	s3 =	sadd.s32 $0x19800, s0  }
0x8: {  	s8 =	sadd.s32 $0x19600, s0;
	s25 =	sshll.u32 s4, $0x6;
	s4 =	ssub.s32 $0x2, s4  }
0x9: {  	_ =	strace $0x8000004A;
	s6 =	sor.u32 s25, s24;
	s9 =	sshrl.u32 s4, $0x1  }
0xa: {  	s24 =	simm.s32 $0x3;
	s7 =	sshll.u32 s6, $0x1;
	s12 =	ssub.s32 s4, s9  }
0xb: {  	s28 =	sor.u32 $0x20, s6;
	s6 =	sshrl.u32 s6, $0x3;
	s10 =	sand.u32 $0xF00, s7  }
0xc: {  	s5 =	sor.u32 s25, s7;
	s11 =	sand.u32 $0x60, s28;
	s29 =	smul.u32 $0x300, s6  }
0xd: {  	s9 =	sshrl.u32 s28, $0x3;
	s12 =	smax.u32 s12, $0x1;
	s26 =	sor.u32 s25, s10  }
0xe: {  	s5 =	sshrl.u32 s5, $0x3;
	s10 =	sor.u32 s11, s10;
	s7 =	sor.u32 s7, s11  }
0xf: {  	s13 =	smul.u32 $0x300, s9;
	s9 =	sadd.s32 $0x19A00, s0;
	s25 =	simm.s32 $0x6200  }
0x10: {  	s4 =	sshrl.u32 s26, $0x3;
	s5 =	sor.u32 $0x10, s5;
	s10 =	sshrl.u32 s10, $0x3  }
0x11: {  	s7 =	sshrl.u32 s7, $0x3;
	s4 =	sadd.s32 s8, s4;
	s5 =	sadd.s32 s8, s5  }
0x12: {  	v2 =	vlaneseq.u32;
	s7 =	sor.u32 $0x10, s7;
	s6 =	sadd.s32 s8, s10;
	s10 =	sadd.s32 s1, s29  }
0x13: {  	vm0 =	vmmov $0xffff;
	v1 =	vshrl.u32 v2, $0x3;
	s11 =	sadd.s32 s1, s13;
	s1 =	simm.s32 $0x16200;
	s13 =	simm.s32 $0x16A00  }
0x14: {  	v0 =	vand.u32 $0x7, v2;
	v2 =	vor.u32 $0x8, v2;
	v1 =	vmul.u32 $0x8, v1;
	s7 =	sadd.s32 s8, s7;
	s8 =	sadd.s32 $0x19900, s0;
	s0 =	simm.s32 $0x15A00  }
.LBB2_1:
0x15: {  	[tilespmem:s2], [sflag:$0x1] =	stream.linear.gather [hbm4b:s4+s2], $0x20, $0x38;
	[tilespmem:$0x18200] =	vst v63  }
0x16: {  	s22 =	simm.s32 $0x100  }
0x17: {  	[tilespmem:s22], [sflag:$0x2] =	stream.linear.gather [hbm4b:s5+s2], $0x20, $0x38;
	[tilespmem:$0x18200] =	vst v63  }
0x18: {  	s26 =	simm.s32 $0x80  }
0x19: {  	[tilespmem:s26], [sflag:$0x3] =	stream.linear.gather [hbm4b:s6+s2], $0x20, $0x38;
	[tilespmem:$0x18200] =	vst v63  }
0x1a: {  	s28 =	simm.s32 $0x180  }
0x1b: {  	[tilespmem:s28], [sflag:$0x4] =	stream.linear.gather [hbm4b:s7+s2], $0x20, $0x38;
	[tilespmem:$0x18200] =	vst v63  }
0x1c: {  	_ =	swait.ge [sflag:s16], $0x20  }
0x1d: {  	[sflag:s16] =	ssyncset.done $0x0  }
0x1e: {  	[sflag:s16] =	ssyncadd.s32 $0xFFFFFFE0  }
0x1f: {  	v3 =	vld [tilespmem:$0x0];
	_ =	sdelay $0x4  }
0x20: {  	v4 =	vshrl.u32 v3, $0x3  }
0x21: {  	v4 =	vmul.u32 $0x30, v4  }
0x22: {  	v3 =	vand.u32 $0x7, v3  }
0x23: {  	v3 =	vor.u32 v3, v4  }
0x24: {  	v4 =	vperm.xlane v3, v0;
	_ =	sdelay $0x1  }
0x25: {  	v4 =	vadd.s32 v1, v4;
	_ =	sdelay $0x3  }
0x26: {  	v3 =	vperm.xlane v3, v2  }
0x27: {  	[tilespmem:s17], [sflag:$0x1] =	stream.indirect_vreg.gather [hbm4b:s3+s2], $0x80, v4, vm0, $0xb8;
	[tilespmem:$0x18200] =	vst v63  }
0x28: {  	s29 =	simm.s32 $0xA00;
	v3 =	vadd.s32 v1, v3  }
0x29: {  	[tilespmem:s29], [sflag:$0x1] =	stream.indirect_vreg.gather [hbm4b:s8+s2], $0x80, v4, vm0, $0xb8;
	[tilespmem:$0x18200] =	vst v63  }
0x2a: {  	s23 =	simm.s32 $0x1200  }
0x2b: {  	[tilespmem:s23], [sflag:$0x1] =	stream.indirect_vreg.gather [hbm4b:s9+s2], $0x80, v4, vm0, $0xb8;
	[tilespmem:$0x18200] =	vst v63  }
0x2c: {  	s26 =	simm.s32 $0x1A00  }
0x2d: {  	[tilespmem:s26], [sflag:$0x1] =	stream.indirect_vreg.gather [hbm4b:s3+s2], $0x80, v3, vm0, $0xb8;
	[tilespmem:$0x18200] =	vst v63  }
0x2e: {  	s28 =	simm.s32 $0x2200  }
0x2f: {  	[tilespmem:s28], [sflag:$0x1] =	stream.indirect_vreg.gather [hbm4b:s8+s2], $0x80, v3, vm0, $0xb8;
	[tilespmem:$0x18200] =	vst v63  }
0x30: {  	s29 =	simm.s32 $0x2A00  }
0x31: {  	[tilespmem:s29], [sflag:$0x1] =	stream.indirect_vreg.gather [hbm4b:s9+s2], $0x80, v3, vm0, $0xb8;
	[tilespmem:$0x18200] =	vst v63  }
0x32: {  	v3 =	vld [tilespmem:$0x10];
	_ =	sdelay $0x4  }
0x33: {  	v4 =	vshrl.u32 v3, $0x3  }
0x34: {  	v4 =	vmul.u32 $0x30, v4  }
0x35: {  	v3 =	vand.u32 $0x7, v3  }
0x36: {  	v3 =	vor.u32 v3, v4  }
0x37: {  	v4 =	vperm.xlane v3, v0;
	_ =	sdelay $0x1  }
0x38: {  	v4 =	vadd.s32 v1, v4;
	_ =	sdelay $0x3  }
0x39: {  	s23 =	simm.s32 $0x3200;
	v3 =	vperm.xlane v3, v2  }
0x3a: {  	[tilespmem:s23], [sflag:$0x1] =	stream.indirect_vreg.gather [hbm4b:s3+s2], $0x80, v4, vm0, $0xb8;
	[tilespmem:$0x18200] =	vst v63  }
0x3b: {  	s26 =	simm.s32 $0x3A00;
	v3 =	vadd.s32 v1, v3  }
0x3c: {  	[tilespmem:s26], [sflag:$0x1] =	stream.indirect_vreg.gather [hbm4b:s8+s2], $0x80, v4, vm0, $0xb8;
	[tilespmem:$0x18200] =	vst v63  }
0x3d: {  	s28 =	simm.s32 $0x4200  }
0x3e: {  	[tilespmem:s28], [sflag:$0x1] =	stream.indirect_vreg.gather [hbm4b:s9+s2], $0x80, v4, vm0, $0xb8;
	[tilespmem:$0x18200] =	vst v63  }
0x3f: {  	s29 =	simm.s32 $0x4A00  }
0x40: {  	[tilespmem:s29], [sflag:$0x1] =	stream.indirect_vreg.gather [hbm4b:s3+s2], $0x80, v3, vm0, $0xb8;
	[tilespmem:$0x18200] =	vst v63  }
0x41: {  	s23 =	simm.s32 $0x5200  }
0x42: {  	[tilespmem:s23], [sflag:$0x1] =	stream.indirect_vreg.gather [hbm4b:s8+s2], $0x80, v3, vm0, $0xb8;
	[tilespmem:$0x18200] =	vst v63  }
0x43: {  	s26 =	simm.s32 $0x5A00  }
0x44: {  	[tilespmem:s26], [sflag:$0x1] =	stream.indirect_vreg.gather [hbm4b:s9+s2], $0x80, v3, vm0, $0xb8;
	[tilespmem:$0x18200] =	vst v63  }
0x45: {  	_ =	swait.ge [sflag:s30], $0x20  }
0x46: {  	[sflag:s30] =	ssyncset.done $0x0  }
0x47: {  	[sflag:s30] =	ssyncadd.s32 $0xFFFFFFE0  }
0x48: {  	v3 =	vld [tilespmem:$0x100];
	_ =	sdelay $0x4  }
0x49: {  	v4 =	vshrl.u32 v3, $0x3  }
0x4a: {  	v4 =	vmul.u32 $0x30, v4  }
0x4b: {  	v3 =	vand.u32 $0x7, v3  }
0x4c: {  	v3 =	vor.u32 v3, v4  }
0x4d: {  	v4 =	vperm.xlane v3, v0;
	_ =	sdelay $0x1  }
0x4e: {  	v4 =	vadd.s32 v1, v4;
	_ =	sdelay $0x3  }
0x4f: {  	s28 =	simm.s32 $0xC200;
	v3 =	vperm.xlane v3, v2  }
0x50: {  	[tilespmem:s28], [sflag:$0x2] =	stream.indirect_vreg.gather [hbm4b:s3+s2], $0x80, v4, vm0, $0xb8;
	[tilespmem:$0x18200] =	vst v63  }
0x51: {  	s29 =	simm.s32 $0xCA00;
	v3 =	vadd.s32 v1, v3  }
0x52: {  	[tilespmem:s29], [sflag:$0x2] =	stream.indirect_vreg.gather [hbm4b:s8+s2], $0x80, v4, vm0, $0xb8;
	[tilespmem:$0x18200] =	vst v63  }
0x53: {  	s23 =	simm.s32 $0xD200  }
0x54: {  	[tilespmem:s23], [sflag:$0x2] =	stream.indirect_vreg.gather [hbm4b:s9+s2], $0x80, v4, vm0, $0xb8;
	[tilespmem:$0x18200] =	vst v63  }
0x55: {  	s26 =	simm.s32 $0xDA00  }
0x56: {  	[tilespmem:s26], [sflag:$0x2] =	stream.indirect_vreg.gather [hbm4b:s3+s2], $0x80, v3, vm0, $0xb8;
	[tilespmem:$0x18200] =	vst v63  }
0x57: {  	s28 =	simm.s32 $0xE200  }
0x58: {  	[tilespmem:s28], [sflag:$0x2] =	stream.indirect_vreg.gather [hbm4b:s8+s2], $0x80, v3, vm0, $0xb8;
	[tilespmem:$0x18200] =	vst v63  }
0x59: {  	s29 =	simm.s32 $0xEA00  }
0x5a: {  	[tilespmem:s29], [sflag:$0x2] =	stream.indirect_vreg.gather [hbm4b:s9+s2], $0x80, v3, vm0, $0xb8;
	[tilespmem:$0x18200] =	vst v63  }
0x5b: {  	v3 =	vld [tilespmem:$0x110];
	_ =	sdelay $0x4  }
0x5c: {  	v4 =	vshrl.u32 v3, $0x3  }
0x5d: {  	v4 =	vmul.u32 $0x30, v4  }
0x5e: {  	v3 =	vand.u32 $0x7, v3  }
0x5f: {  	v3 =	vor.u32 v3, v4  }
0x60: {  	v4 =	vperm.xlane v3, v0;
	_ =	sdelay $0x1  }
0x61: {  	v4 =	vadd.s32 v1, v4;
	_ =	sdelay $0x3  }
0x62: {  	s23 =	simm.s32 $0xF200;
	v3 =	vperm.xlane v3, v2  }
0x63: {  	[tilespmem:s23], [sflag:$0x2] =	stream.indirect_vreg.gather [hbm4b:s3+s2], $0x80, v4, vm0, $0xb8;
	[tilespmem:$0x18200] =	vst v63  }
0x64: {  	s26 =	simm.s32 $0xFA00;
	v3 =	vadd.s32 v1, v3  }
0x65: {  	[tilespmem:s26], [sflag:$0x2] =	stream.indirect_vreg.gather [hbm4b:s8+s2], $0x80, v4, vm0, $0xb8;
	[tilespmem:$0x18200] =	vst v63  }
0x66: {  	s28 =	simm.s32 $0x10200  }
0x67: {  	[tilespmem:s28], [sflag:$0x2] =	stream.indirect_vreg.gather [hbm4b:s9+s2], $0x80, v4, vm0, $0xb8;
	[tilespmem:$0x18200] =	vst v63  }
0x68: {  	s29 =	simm.s32 $0x10A00  }
0x69: {  	[tilespmem:s29], [sflag:$0x2] =	stream.indirect_vreg.gather [hbm4b:s3+s2], $0x80, v3, vm0, $0xb8;
	[tilespmem:$0x18200] =	vst v63  }
0x6a: {  	s23 =	simm.s32 $0x11200  }
0x6b: {  	[tilespmem:s23], [sflag:$0x2] =	stream.indirect_vreg.gather [hbm4b:s8+s2], $0x80, v3, vm0, $0xb8;
	[tilespmem:$0x18200] =	vst v63  }
0x6c: {  	s26 =	simm.s32 $0x11A00  }
0x6d: {  	[tilespmem:s26], [sflag:$0x2] =	stream.indirect_vreg.gather [hbm4b:s9+s2], $0x80, v3, vm0, $0xb8;
	[tilespmem:$0x18200] =	vst v63  }
0x6e: {  	_ =	swait.ge [sflag:s24], $0x20  }
0x6f: {  	[sflag:s24] =	ssyncset.done $0x0  }
0x70: {  	[sflag:s24] =	ssyncadd.s32 $0xFFFFFFE0  }
0x71: {  	v3 =	vld [tilespmem:$0x80];
	_ =	sdelay $0x4  }
0x72: {  	v4 =	vshrl.u32 v3, $0x3  }
0x73: {  	v4 =	vmul.u32 $0x30, v4  }
0x74: {  	v3 =	vand.u32 $0x7, v3  }
0x75: {  	v3 =	vor.u32 v3, v4  }
0x76: {  	v4 =	vperm.xlane v3, v0;
	_ =	sdelay $0x1  }
0x77: {  	v4 =	vadd.s32 v1, v4;
	_ =	sdelay $0x3  }
0x78: {  	v3 =	vperm.xlane v3, v2  }
0x79: {  	[tilespmem:s25], [sflag:$0x3] =	stream.indirect_vreg.gather [hbm4b:s3+s2], $0x80, v4, vm0, $0xb8;
	[tilespmem:$0x18200] =	vst v63  }
0x7a: {  	s28 =	simm.s32 $0x6A00;
	v3 =	vadd.s32 v1, v3  }
0x7b: {  	[tilespmem:s28], [sflag:$0x3] =	stream.indirect_vreg.gather [hbm4b:s8+s2], $0x80, v4, vm0, $0xb8;
	[tilespmem:$0x18200] =	vst v63  }
0x7c: {  	s29 =	simm.s32 $0x7200  }
0x7d: {  	[tilespmem:s29], [sflag:$0x3] =	stream.indirect_vreg.gather [hbm4b:s9+s2], $0x80, v4, vm0, $0xb8;
	[tilespmem:$0x18200] =	vst v63  }
0x7e: {  	s23 =	simm.s32 $0x7A00  }
0x7f: {  	[tilespmem:s23], [sflag:$0x3] =	stream.indirect_vreg.gather [hbm4b:s3+s2], $0x80, v3, vm0, $0xb8;
	[tilespmem:$0x18200] =	vst v63  }
0x80: {  	s26 =	simm.s32 $0x8200  }
0x81: {  	[tilespmem:s26], [sflag:$0x3] =	stream.indirect_vreg.gather [hbm4b:s8+s2], $0x80, v3, vm0, $0xb8;
	[tilespmem:$0x18200] =	vst v63  }
0x82: {  	s28 =	simm.s32 $0x8A00  }
0x83: {  	[tilespmem:s28], [sflag:$0x3] =	stream.indirect_vreg.gather [hbm4b:s9+s2], $0x80, v3, vm0, $0xb8;
	[tilespmem:$0x18200] =	vst v63  }
0x84: {  	v3 =	vld [tilespmem:$0x90];
	_ =	sdelay $0x4  }
0x85: {  	v4 =	vshrl.u32 v3, $0x3  }
0x86: {  	v4 =	vmul.u32 $0x30, v4  }
0x87: {  	v3 =	vand.u32 $0x7, v3  }
0x88: {  	v3 =	vor.u32 v3, v4  }
0x89: {  	v4 =	vperm.xlane v3, v0;
	_ =	sdelay $0x1  }
0x8a: {  	v4 =	vadd.s32 v1, v4;
	_ =	sdelay $0x3  }
0x8b: {  	s29 =	simm.s32 $0x9200;
	v3 =	vperm.xlane v3, v2  }
0x8c: {  	[tilespmem:s29], [sflag:$0x3] =	stream.indirect_vreg.gather [hbm4b:s3+s2], $0x80, v4, vm0, $0xb8;
	[tilespmem:$0x18200] =	vst v63  }
0x8d: {  	s23 =	simm.s32 $0x9A00;
	v3 =	vadd.s32 v1, v3  }
0x8e: {  	[tilespmem:s23], [sflag:$0x3] =	stream.indirect_vreg.gather [hbm4b:s8+s2], $0x80, v4, vm0, $0xb8;
	[tilespmem:$0x18200] =	vst v63  }
0x8f: {  	s26 =	simm.s32 $0xA200  }
0x90: {  	[tilespmem:s26], [sflag:$0x3] =	stream.indirect_vreg.gather [hbm4b:s9+s2], $0x80, v4, vm0, $0xb8;
	[tilespmem:$0x18200] =	vst v63  }
0x91: {  	s28 =	simm.s32 $0xAA00  }
0x92: {  	[tilespmem:s28], [sflag:$0x3] =	stream.indirect_vreg.gather [hbm4b:s3+s2], $0x80, v3, vm0, $0xb8;
	[tilespmem:$0x18200] =	vst v63  }
0x93: {  	s29 =	simm.s32 $0xB200  }
0x94: {  	[tilespmem:s29], [sflag:$0x3] =	stream.indirect_vreg.gather [hbm4b:s8+s2], $0x80, v3, vm0, $0xb8;
	[tilespmem:$0x18200] =	vst v63  }
0x95: {  	s23 =	simm.s32 $0xBA00  }
0x96: {  	[tilespmem:s23], [sflag:$0x3] =	stream.indirect_vreg.gather [hbm4b:s9+s2], $0x80, v3, vm0, $0xb8;
	[tilespmem:$0x18200] =	vst v63  }
0x97: {  	_ =	swait.ge [sflag:s20], $0x20  }
0x98: {  	[sflag:s20] =	ssyncset.done $0x0  }
0x99: {  	[sflag:s20] =	ssyncadd.s32 $0xFFFFFFE0  }
0x9a: {  	v3 =	vld [tilespmem:$0x180];
	_ =	sdelay $0x4  }
0x9b: {  	v4 =	vshrl.u32 v3, $0x3  }
0x9c: {  	v4 =	vmul.u32 $0x30, v4  }
0x9d: {  	v3 =	vand.u32 $0x7, v3  }
0x9e: {  	v3 =	vor.u32 v3, v4  }
0x9f: {  	v4 =	vperm.xlane v3, v0;
	_ =	sdelay $0x1  }
0xa0: {  	v4 =	vadd.s32 v1, v4;
	_ =	sdelay $0x3  }
0xa1: {  	s26 =	simm.s32 $0x12200;
	v3 =	vperm.xlane v3, v2  }
0xa2: {  	[tilespmem:s26], [sflag:$0x4] =	stream.indirect_vreg.gather [hbm4b:s3+s2], $0x80, v4, vm0, $0xb8;
	[tilespmem:$0x18200] =	vst v63  }
0xa3: {  	s28 =	simm.s32 $0x12A00;
	v3 =	vadd.s32 v1, v3  }
0xa4: {  	[tilespmem:s28], [sflag:$0x4] =	stream.indirect_vreg.gather [hbm4b:s8+s2], $0x80, v4, vm0, $0xb8;
	[tilespmem:$0x18200] =	vst v63  }
0xa5: {  	s29 =	simm.s32 $0x13200  }
0xa6: {  	[tilespmem:s29], [sflag:$0x4] =	stream.indirect_vreg.gather [hbm4b:s9+s2], $0x80, v4, vm0, $0xb8;
	[tilespmem:$0x18200] =	vst v63  }
0xa7: {  	s23 =	simm.s32 $0x13A00  }
0xa8: {  	[tilespmem:s23], [sflag:$0x4] =	stream.indirect_vreg.gather [hbm4b:s3+s2], $0x80, v3, vm0, $0xb8;
	[tilespmem:$0x18200] =	vst v63  }
0xa9: {  	s26 =	simm.s32 $0x14200  }
0xaa: {  	[tilespmem:s26], [sflag:$0x4] =	stream.indirect_vreg.gather [hbm4b:s8+s2], $0x80, v3, vm0, $0xb8;
	[tilespmem:$0x18200] =	vst v63  }
0xab: {  	s28 =	simm.s32 $0x14A00  }
0xac: {  	[tilespmem:s28], [sflag:$0x4] =	stream.indirect_vreg.gather [hbm4b:s9+s2], $0x80, v3, vm0, $0xb8;
	[tilespmem:$0x18200] =	vst v63  }
0xad: {  	v3 =	vld [tilespmem:$0x190];
	_ =	sdelay $0x4  }
0xae: {  	v4 =	vshrl.u32 v3, $0x3  }
0xaf: {  	v4 =	vmul.u32 $0x30, v4  }
0xb0: {  	v3 =	vand.u32 $0x7, v3  }
0xb1: {  	v3 =	vor.u32 v3, v4  }
0xb2: {  	v4 =	vperm.xlane v3, v0;
	_ =	sdelay $0x1  }
0xb3: {  	v4 =	vadd.s32 v1, v4;
	_ =	sdelay $0x3  }
0xb4: {  	v3 =	vperm.xlane v3, v2  }
0xb5: {  	[tilespmem:s31], [sflag:$0x4] =	stream.indirect_vreg.gather [hbm4b:s3+s2], $0x80, v4, vm0, $0xb8;
	[tilespmem:$0x18200] =	vst v63  }
0xb6: {  	v3 =	vadd.s32 v1, v3  }
0xb7: {  	[tilespmem:s0], [sflag:$0x4] =	stream.indirect_vreg.gather [hbm4b:s8+s2], $0x80, v4, vm0, $0xb8;
	[tilespmem:$0x18200] =	vst v63  }
0xb8: {  	_ = 	snop  }
0xb9: {  	[tilespmem:s1], [sflag:$0x4] =	stream.indirect_vreg.gather [hbm4b:s9+s2], $0x80, v4, vm0, $0xb8;
	[tilespmem:$0x18200] =	vst v63  }
0xba: {  	_ = 	snop  }
0xbb: {  	[tilespmem:s13], [sflag:$0x4] =	stream.indirect_vreg.gather [hbm4b:s3+s2], $0x80, v3, vm0, $0xb8;
	[tilespmem:$0x18200] =	vst v63  }
0xbc: {  	_ = 	snop  }
0xbd: {  	[tilespmem:s14], [sflag:$0x4] =	stream.indirect_vreg.gather [hbm4b:s8+s2], $0x80, v3, vm0, $0xb8;
	[tilespmem:$0x18200] =	vst v63  }
0xbe: {  	_ = 	snop  }
0xbf: {  	[tilespmem:s15], [sflag:$0x4] =	stream.indirect_vreg.gather [hbm4b:s9+s2], $0x80, v3, vm0, $0xb8;
	[tilespmem:$0x18200] =	vst v63  }
0xc0: {  	_ =	swait.ge [sflag:s16], $0x6000  }
0xc1: {  	[sflag:s16] =	ssyncset.done $0x0  }
0xc2: {  	s29 =	simm.s32 $0x0;
	[sflag:s16] =	ssyncadd.s32 $0xFFFFA000  }
0xc3: {  	s22 =	smul.u32 $0x1800, s29;
	_ =	swait.ge [sflag:s30], $0x6000  }
0xc4: {  	s23 =	sand.u32 $0x380, s2;
	[sflag:s30] =	ssyncset.done $0x0  }
0xc5: {  	s22 =	sor.u32 s23, s22;
	[sflag:s30] =	ssyncadd.s32 $0xFFFFA000  }
0xc6: {  	v12 =	vld [tilespmem:s22+$0xC200]  }
0xc7: {  	v13 =	vld [tilespmem:s22+$0xC210]  }
0xc8: {  	v14 =	vld [tilespmem:s22+$0xC220]  }
0xc9: {  	v15 =	vld [tilespmem:s22+$0xC230]  }
0xca: {  	v16 =	vld [tilespmem:s22+$0xC240]  }
0xcb: {  	v17 =	vld [tilespmem:s22+$0xC250]  }
0xcc: {  	v18 =	vld [tilespmem:s22+$0xC260]  }
0xcd: {  	v19 =	vld [tilespmem:s22+$0xC270]  }
0xce: {  	v20 =	vld [tilespmem:s22+$0xC600]  }
0xcf: {  	v21 =	vld [tilespmem:s22+$0xC610]  }
0xd0: {  	v22 =	vld [tilespmem:s22+$0xC620]  }
0xd1: {  	v23 =	vld [tilespmem:s22+$0xC630]  }
0xd2: {  	v24 =	vld [tilespmem:s22+$0xC640]  }
0xd3: {  	v25 =	vld [tilespmem:s22+$0xC650]  }
0xd4: {  	v26 =	vld [tilespmem:s22+$0xC660]  }
0xd5: {  	v27 =	vld [tilespmem:s22+$0xC670]  }
0xd6: {  	v28 =	vld [tilespmem:s22+$0xCA00]  }
0xd7: {  	v29 =	vld [tilespmem:s22+$0xCA10]  }
0xd8: {  	v30 =	vld [tilespmem:s22+$0xCA20]  }
0xd9: {  	v31 =	vld [tilespmem:s22+$0xCA30]  }
0xda: {  	v32 =	vld [tilespmem:s22+$0xCA40]  }
0xdb: {  	v33 =	vld [tilespmem:s22+$0xCA50]  }
0xdc: {  	v34 =	vld [tilespmem:s22+$0xCA60]  }
0xdd: {  	v35 =	vld [tilespmem:s22+$0xCA70]  }
0xde: {  	v36 =	vld [tilespmem:s22+$0xCE00]  }
0xdf: {  	v37 =	vld [tilespmem:s22+$0xCE10]  }
0xe0: {  	v38 =	vld [tilespmem:s22+$0xCE20]  }
0xe1: {  	v39 =	vld [tilespmem:s22+$0xCE30]  }
0xe2: {  	v40 =	vld [tilespmem:s22+$0xCE40]  }
0xe3: {  	v41 =	vld [tilespmem:s22+$0xCE50]  }
0xe4: {  	v42 =	vld [tilespmem:s22+$0xCE60]  }
0xe5: {  	v43 =	vld [tilespmem:s22+$0xCE70]  }
0xe6: {  	v44 =	vld [tilespmem:s22+$0xD200]  }
0xe7: {  	v45 =	vld [tilespmem:s22+$0xD210]  }
0xe8: {  	v46 =	vld [tilespmem:s22+$0xD220]  }
0xe9: {  	v47 =	vld [tilespmem:s22+$0xD230]  }
0xea: {  	v48 =	vld [tilespmem:s22+$0xD240]  }
0xeb: {  	v49 =	vld [tilespmem:s22+$0xD250]  }
0xec: {  	v50 =	vld [tilespmem:s22+$0xD260]  }
0xed: {  	v11 =	vld [tilespmem:s22+$0xD270]  }
0xee: {  	v10 =	vld [tilespmem:s22+$0xD600]  }
0xef: {  	v9 =	vld [tilespmem:s22+$0xD610]  }
0xf0: {  	v8 =	vld [tilespmem:s22+$0xD620]  }
0xf1: {  	v7 =	vld [tilespmem:s22+$0xD630]  }
0xf2: {  	v6 =	vld [tilespmem:s22+$0xD640]  }
0xf3: {  	v51 =	vld [tilespmem:s22+$0x200]  }
0xf4: {  	v52 =	vld [tilespmem:s22+$0x210]  }
0xf5: {  	v53 =	vld [tilespmem:s22+$0x220]  }
0xf6: {  	v54 =	vld [tilespmem:s22+$0x230]  }
0xf7: {  	v55 =	vld [tilespmem:s22+$0x240]  }
0xf8: {  	v62 =	vld [tilespmem:s22+$0x250];
	v12 =	vadd.f32 v12, v51  }
0xf9: {  	v63 =	vld [tilespmem:s22+$0x260];
	v13 =	vadd.f32 v13, v52  }
0xfa: {  	[tilespmem:s22+$0x200] =	vst v12;
	v12 =	vadd.f32 v14, v53;
	v14 =	vld [tilespmem:s22+$0x270]  }
0xfb: {  	[tilespmem:s22+$0x210] =	vst v13;
	v13 =	vadd.f32 v15, v54;
	v15 =	vld [tilespmem:s22+$0x600]  }
0xfc: {  	[tilespmem:s22+$0x220] =	vst v12;
	v12 =	vadd.f32 v16, v55;
	v16 =	vld [tilespmem:s22+$0x610]  }
0xfd: {  	[tilespmem:s22+$0x230] =	vst v13;
	v13 =	vadd.f32 v17, v62;
	v17 =	vld [tilespmem:s22+$0x620]  }
0xfe: {  	v5 =	vld [tilespmem:s22+$0xD650]  }
0xff: {  	[tilespmem:s22+$0x240] =	vst v12;
	v12 =	vadd.f32 v18, v63;
	v18 =	vld [tilespmem:s22+$0x670]  }
0x100: {  	[tilespmem:s22+$0x250] =	vst v13;
	v13 =	vadd.f32 v19, v14;
	v14 =	vld [tilespmem:s22+$0x630]  }
0x101: {  	[tilespmem:s22+$0x260] =	vst v12;
	v12 =	vadd.f32 v20, v15;
	v15 =	vld [tilespmem:s22+$0x640]  }
0x102: {  	[tilespmem:s22+$0x270] =	vst v13;
	v13 =	vadd.f32 v21, v16;
	v16 =	vadd.f32 v22, v17;
	v17 =	vld [tilespmem:s22+$0x660]  }
0x103: {  	[tilespmem:s22+$0x600] =	vst v12;
	v12 =	vld [tilespmem:s22+$0x650]  }
0x104: {  	[tilespmem:s22+$0x610] =	vst v13;
	v13 =	vld [tilespmem:s22+$0xA00];
	v18 =	vadd.f32 v27, v18  }
0x105: {  	[tilespmem:s22+$0x620] =	vst v16;
	v16 =	vld [tilespmem:s22+$0xA10];
	v14 =	vadd.f32 v23, v14  }
0x106: {  	v4 =	vld [tilespmem:s22+$0xD660];
	v15 =	vadd.f32 v24, v15;
	[tilespmem:s22+$0x670] =	vst v18  }
0x107: {  	[tilespmem:s22+$0x630] =	vst v14;
	v14 =	vld [tilespmem:s22+$0xA20];
	v17 =	vadd.f32 v26, v17  }
0x108: {  	v12 =	vadd.f32 v25, v12;
	[tilespmem:s22+$0x640] =	vst v15;
	v15 =	vld [tilespmem:s22+$0xA30]  }
0x109: {  	v18 =	vld [tilespmem:s22+$0xA70];
	[tilespmem:s22+$0x660] =	vst v17;
	v13 =	vadd.f32 v28, v13  }
0x10a: {  	v16 =	vadd.f32 v29, v16;
	[tilespmem:s22+$0x650] =	vst v12;
	v12 =	vld [tilespmem:s22+$0xA40]  }
0x10b: {  	v17 =	vld [tilespmem:s22+$0xA50];
	[tilespmem:s22+$0xA00] =	vst v13  }
0x10c: {  	[tilespmem:s22+$0xA10] =	vst v16;
	v16 =	vld [tilespmem:s22+$0xA60];
	v13 =	vadd.f32 v30, v14  }
0x10d: {  	v14 =	vld [tilespmem:s22+$0xE00];
	v15 =	vadd.f32 v31, v15  }
0x10e: {  	[tilespmem:s22+$0xA20] =	vst v13;
	v13 =	vld [tilespmem:s22+$0xE10]  }
0x10f: {  	v12 =	vadd.f32 v32, v12;
	[tilespmem:s22+$0xA30] =	vst v15;
	v15 =	vld [tilespmem:s22+$0xE20]  }
0x110: {  	v3 =	vld [tilespmem:s22+$0xD670];
	v17 =	vadd.f32 v33, v17  }
0x111: {  	v16 =	vadd.f32 v34, v16;
	[tilespmem:s22+$0xA40] =	vst v12;
	v12 =	vld [tilespmem:s22+$0xE30]  }
0x112: {  	[tilespmem:s22+$0xA50] =	vst v17;
	v17 =	vld [tilespmem:s22+$0xE40];
	v14 =	vadd.f32 v36, v14  }
0x113: {  	v18 =	vadd.f32 v35, v18;
	[tilespmem:s22+$0xA60] =	vst v16;
	v16 =	vld [tilespmem:s22+$0xE50]  }
0x114: {  	v13 =	vadd.f32 v37, v13;
	[tilespmem:s22+$0xE00] =	vst v14;
	v14 =	vadd.f32 v38, v15;
	v15 =	vld [tilespmem:s22+$0xE60]  }
0x115: {  	[tilespmem:s22+$0xA70] =	vst v18;
	v18 =	vld [tilespmem:s22+$0xE70]  }
0x116: {  	[tilespmem:s22+$0xE10] =	vst v13;
	v13 =	vld [tilespmem:s22+$0x1200];
	v12 =	vadd.f32 v39, v12  }
0x117: {  	v17 =	vadd.f32 v40, v17;
	[tilespmem:s22+$0xE20] =	vst v14;
	v14 =	vld [tilespmem:s22+$0x1210]  }
0x118: {  	v16 =	vadd.f32 v41, v16;
	[tilespmem:s22+$0xE30] =	vst v12;
	v12 =	vld [tilespmem:s22+$0x1220]  }
0x119: {  	[tilespmem:s22+$0xE40] =	vst v17;
	v17 =	vld [tilespmem:s22+$0x1230];
	v15 =	vadd.f32 v42, v15  }
0x11a: {  	v19 =	vld [tilespmem:s22+$0x1240];
	[tilespmem:s22+$0xE50] =	vst v16;
	v16 =	vadd.f32 v43, v18  }
0x11b: {  	v18 =	vld [tilespmem:s22+$0x1250];
	v13 =	vadd.f32 v44, v13;
	[tilespmem:s22+$0xE60] =	vst v15  }
0x11c: {  	v20 =	vld [tilespmem:s22+$0x1260];
	[tilespmem:s22+$0xE70] =	vst v16;
	v14 =	vadd.f32 v45, v14  }
0x11d: {  	v16 =	vld [tilespmem:s22+$0x1270];
	[tilespmem:s22+$0x1200] =	vst v13;
	v12 =	vadd.f32 v46, v12  }
0x11e: {  	v15 =	vld [tilespmem:s22+$0x1600];
	v13 =	vadd.f32 v47, v17;
	[tilespmem:s22+$0x1210] =	vst v14  }
0x11f: {  	v14 =	vld [tilespmem:s22+$0x1610];
	[tilespmem:s22+$0x1220] =	vst v12;
	v12 =	vadd.f32 v48, v19  }
0x120: {  	[tilespmem:s22+$0x1230] =	vst v13;
	v13 =	vld [tilespmem:s22+$0x1620];
	v18 =	vadd.f32 v49, v18  }
0x121: {  	s23 =	simm.s32 $0x1;
	s26 =	simm.s32 $0x0;
	v17 =	vadd.f32 v50, v20;
	[tilespmem:s22+$0x1240] =	vst v12;
	v12 =	vld [tilespmem:s22+$0x1630]  }
.LBB2_2:
0x122: {  	s28 =	sshrl.u32 s23, $0x3;
	p0 =	sne.s32 s23, $0x1F;
	[tilespmem:s22+$0x1250] =	vst v18;
	v11 =	vadd.f32 v11, v16;
	v16 =	vld [tilespmem:s22+$0x1640]  }
0x123: {  	s26 =	sadd.s32 $0x80, s26;
	s28 =	smul.u32 $0x1800, s28;
	[tilespmem:s22+$0x1260] =	vst v17;
	v10 =	vadd.f32 v10, v15;
	v15 =	vld [tilespmem:s22+$0x1650]  }
0x124: {  	s29 =	sand.u32 $0x380, s26;
	[tilespmem:s22+$0x1270] =	vst v11;
	v9 =	vadd.f32 v9, v14;
	v11 =	vld [tilespmem:s22+$0x1660]  }
0x125: {  	s28 =	sor.u32 s29, s28;
	[tilespmem:s22+$0x1600] =	vst v10;
	v8 =	vadd.f32 v8, v13;
	v10 =	vld [tilespmem:s22+$0x1670]  }
0x126: {  	v39 =	vld [tilespmem:s28+$0xC200];
	[tilespmem:s22+$0x1610] =	vst v9;
	v7 =	vadd.f32 v7, v12  }
0x127: {  	v40 =	vld [tilespmem:s28+$0xC210];
	[tilespmem:s22+$0x1620] =	vst v8;
	v6 =	vadd.f32 v6, v16  }
0x128: {  	v41 =	vld [tilespmem:s28+$0xC220];
	[tilespmem:s22+$0x1630] =	vst v7;
	v5 =	vadd.f32 v5, v15  }
0x129: {  	v42 =	vld [tilespmem:s28+$0xC230];
	[tilespmem:s22+$0x1640] =	vst v6;
	v4 =	vadd.f32 v4, v11  }
0x12a: {  	v43 =	vld [tilespmem:s28+$0xC240];
	[tilespmem:s22+$0x1650] =	vst v5;
	v3 =	vadd.f32 v3, v10  }
0x12b: {  	v44 =	vld [tilespmem:s28+$0xC250];
	[tilespmem:s22+$0x1660] =	vst v4  }
0x12c: {  	v45 =	vld [tilespmem:s28+$0xC260];
	[tilespmem:s22+$0x1670] =	vst v3;
	s22 =	smov.u32 s28  }
0x12d: {  	v46 =	vld [tilespmem:s22+$0xC270]  }
0x12e: {  	v47 =	vld [tilespmem:s22+$0xC600]  }
0x12f: {  	v48 =	vld [tilespmem:s22+$0xC610]  }
0x130: {  	v49 =	vld [tilespmem:s22+$0xC620]  }
0x131: {  	v50 =	vld [tilespmem:s22+$0xC630]  }
0x132: {  	v38 =	vld [tilespmem:s22+$0xC640]  }
0x133: {  	v37 =	vld [tilespmem:s22+$0xC650]  }
0x134: {  	v36 =	vld [tilespmem:s22+$0xC660]  }
0x135: {  	v35 =	vld [tilespmem:s22+$0xC670]  }
0x136: {  	v34 =	vld [tilespmem:s22+$0xCA00]  }
0x137: {  	v33 =	vld [tilespmem:s22+$0xCA10]  }
0x138: {  	v32 =	vld [tilespmem:s22+$0xCA20]  }
0x139: {  	v31 =	vld [tilespmem:s22+$0xCA30]  }
0x13a: {  	v30 =	vld [tilespmem:s22+$0xCA40]  }
0x13b: {  	v29 =	vld [tilespmem:s22+$0xCA50]  }
0x13c: {  	v28 =	vld [tilespmem:s22+$0xCA60]  }
0x13d: {  	v27 =	vld [tilespmem:s22+$0xCA70]  }
0x13e: {  	v26 =	vld [tilespmem:s22+$0xCE00]  }
0x13f: {  	v25 =	vld [tilespmem:s22+$0xCE10]  }
0x140: {  	v24 =	vld [tilespmem:s22+$0xCE20]  }
0x141: {  	v23 =	vld [tilespmem:s22+$0xCE30]  }
0x142: {  	v22 =	vld [tilespmem:s22+$0xCE40]  }
0x143: {  	v21 =	vld [tilespmem:s22+$0xCE50]  }
0x144: {  	v20 =	vld [tilespmem:s22+$0xCE60]  }
0x145: {  	v19 =	vld [tilespmem:s22+$0xCE70]  }
0x146: {  	v18 =	vld [tilespmem:s22+$0xD200]  }
0x147: {  	v17 =	vld [tilespmem:s22+$0xD210]  }
0x148: {  	v16 =	vld [tilespmem:s22+$0xD220]  }
0x149: {  	v15 =	vld [tilespmem:s22+$0xD230]  }
0x14a: {  	v14 =	vld [tilespmem:s22+$0xD240]  }
0x14b: {  	v13 =	vld [tilespmem:s22+$0xD250]  }
0x14c: {  	v12 =	vld [tilespmem:s22+$0xD260]  }
0x14d: {  	v11 =	vld [tilespmem:s22+$0xD270]  }
0x14e: {  	v10 =	vld [tilespmem:s22+$0xD600]  }
0x14f: {  	v9 =	vld [tilespmem:s22+$0xD610]  }
0x150: {  	v8 =	vld [tilespmem:s22+$0xD620]  }
0x151: {  	v7 =	vld [tilespmem:s22+$0xD630]  }
0x152: {  	v6 =	vld [tilespmem:s22+$0xD640]  }
0x153: {  	v5 =	vld [tilespmem:s22+$0xD650]  }
0x154: {  	v4 =	vld [tilespmem:s22+$0xD660]  }
0x155: {  	v3 =	vld [tilespmem:s22+$0xD670]  }
0x156: {  	v51 =	vld [tilespmem:s22+$0x200]  }
0x157: {  	v52 =	vld [tilespmem:s22+$0x210]  }
0x158: {  	v53 =	vld [tilespmem:s22+$0x220]  }
0x159: {  	v54 =	vld [tilespmem:s22+$0x230]  }
0x15a: {  	v55 =	vld [tilespmem:s22+$0x240]  }
0x15b: {  	v39 =	vadd.f32 v39, v51;
	v51 =	vld [tilespmem:s22+$0x250]  }
0x15c: {  	v40 =	vadd.f32 v40, v52;
	v52 =	vld [tilespmem:s22+$0x260]  }
0x15d: {  	[tilespmem:s22+$0x200] =	vst v39;
	v39 =	vadd.f32 v41, v53;
	v41 =	vld [tilespmem:s22+$0x270]  }
0x15e: {  	[tilespmem:s22+$0x210] =	vst v40;
	v40 =	vadd.f32 v42, v54;
	v42 =	vld [tilespmem:s22+$0x600]  }
0x15f: {  	[tilespmem:s22+$0x220] =	vst v39;
	v39 =	vadd.f32 v43, v55;
	v43 =	vld [tilespmem:s22+$0x610]  }
0x160: {  	[tilespmem:s22+$0x230] =	vst v40;
	v40 =	vadd.f32 v44, v51;
	v44 =	vld [tilespmem:s22+$0x620]  }
0x161: {  	[tilespmem:s22+$0x240] =	vst v39;
	v39 =	vadd.f32 v45, v52;
	v45 =	vld [tilespmem:s22+$0x630]  }
0x162: {  	[tilespmem:s22+$0x250] =	vst v40;
	v40 =	vadd.f32 v46, v41;
	v41 =	vld [tilespmem:s22+$0x640]  }
0x163: {  	[tilespmem:s22+$0x260] =	vst v39;
	v39 =	vadd.f32 v47, v42;
	v42 =	vld [tilespmem:s22+$0x650]  }
0x164: {  	[tilespmem:s22+$0x270] =	vst v40;
	v40 =	vadd.f32 v48, v43;
	v43 =	vld [tilespmem:s22+$0x660]  }
0x165: {  	[tilespmem:s22+$0x600] =	vst v39;
	v39 =	vadd.f32 v49, v44;
	v44 =	vld [tilespmem:s22+$0x670]  }
0x166: {  	[tilespmem:s22+$0x610] =	vst v40;
	v40 =	vadd.f32 v50, v45;
	v45 =	vld [tilespmem:s22+$0xA00]  }
0x167: {  	[tilespmem:s22+$0x620] =	vst v39;
	v38 =	vadd.f32 v38, v41;
	v39 =	vld [tilespmem:s22+$0xA10]  }
0x168: {  	[tilespmem:s22+$0x630] =	vst v40;
	v37 =	vadd.f32 v37, v42;
	v40 =	vld [tilespmem:s22+$0xA20]  }
0x169: {  	[tilespmem:s22+$0x640] =	vst v38;
	v36 =	vadd.f32 v36, v43;
	v38 =	vld [tilespmem:s22+$0xA30]  }
0x16a: {  	[tilespmem:s22+$0x650] =	vst v37;
	v35 =	vadd.f32 v35, v44;
	v37 =	vld [tilespmem:s22+$0xA40]  }
0x16b: {  	[tilespmem:s22+$0x660] =	vst v36;
	v34 =	vadd.f32 v34, v45;
	v36 =	vld [tilespmem:s22+$0xA50]  }
0x16c: {  	[tilespmem:s22+$0x670] =	vst v35;
	v33 =	vadd.f32 v33, v39;
	v35 =	vld [tilespmem:s22+$0xA60]  }
0x16d: {  	[tilespmem:s22+$0xA00] =	vst v34;
	v32 =	vadd.f32 v32, v40;
	v34 =	vld [tilespmem:s22+$0xA70]  }
0x16e: {  	[tilespmem:s22+$0xA10] =	vst v33;
	v31 =	vadd.f32 v31, v38;
	v33 =	vld [tilespmem:s22+$0xE00]  }
0x16f: {  	[tilespmem:s22+$0xA20] =	vst v32;
	v30 =	vadd.f32 v30, v37;
	v32 =	vld [tilespmem:s22+$0xE10]  }
0x170: {  	[tilespmem:s22+$0xA30] =	vst v31;
	v29 =	vadd.f32 v29, v36;
	v31 =	vld [tilespmem:s22+$0xE20]  }
0x171: {  	[tilespmem:s22+$0xA40] =	vst v30;
	v28 =	vadd.f32 v28, v35;
	v30 =	vld [tilespmem:s22+$0xE30]  }
0x172: {  	[tilespmem:s22+$0xA50] =	vst v29;
	v27 =	vadd.f32 v27, v34;
	v29 =	vld [tilespmem:s22+$0xE40]  }
0x173: {  	[tilespmem:s22+$0xA60] =	vst v28;
	v26 =	vadd.f32 v26, v33;
	v28 =	vld [tilespmem:s22+$0xE50]  }
0x174: {  	[tilespmem:s22+$0xA70] =	vst v27;
	v25 =	vadd.f32 v25, v32;
	v27 =	vld [tilespmem:s22+$0xE60]  }
0x175: {  	[tilespmem:s22+$0xE00] =	vst v26;
	v24 =	vadd.f32 v24, v31;
	v26 =	vld [tilespmem:s22+$0xE70]  }
0x176: {  	[tilespmem:s22+$0xE10] =	vst v25;
	v23 =	vadd.f32 v23, v30;
	v25 =	vld [tilespmem:s22+$0x1200]  }
0x177: {  	[tilespmem:s22+$0xE20] =	vst v24;
	v22 =	vadd.f32 v22, v29;
	v24 =	vld [tilespmem:s22+$0x1210]  }
0x178: {  	[tilespmem:s22+$0xE30] =	vst v23;
	v21 =	vadd.f32 v21, v28;
	v23 =	vld [tilespmem:s22+$0x1220]  }
0x179: {  	[tilespmem:s22+$0xE40] =	vst v22;
	v20 =	vadd.f32 v20, v27;
	v22 =	vld [tilespmem:s22+$0x1230]  }
0x17a: {  	[tilespmem:s22+$0xE50] =	vst v21;
	v19 =	vadd.f32 v19, v26;
	v21 =	vld [tilespmem:s22+$0x1240]  }
0x17b: {  	[tilespmem:s22+$0xE60] =	vst v20;
	v18 =	vadd.f32 v18, v25;
	v20 =	vld [tilespmem:s22+$0x1250]  }
0x17c: {  	[tilespmem:s22+$0xE70] =	vst v19;
	v17 =	vadd.f32 v17, v24;
	v19 =	vld [tilespmem:s22+$0x1260]  }
.Ltmp0:
0x17d: {  	[tilespmem:s22+$0x1200] =	vst v18;
	v18 =	vadd.f32 v16, v23;
	v16 =	vld [tilespmem:s22+$0x1270];
	(pc) =	sbr.rel @p0 .LBB2_2-.Ltmp0, $4  }
0x17e: {  	[tilespmem:s22+$0x1210] =	vst v17;
	v17 =	vadd.f32 v15, v22;
	v15 =	vld [tilespmem:s22+$0x1600]  }
0x17f: {  	[tilespmem:s22+$0x1220] =	vst v18;
	v21 =	vadd.f32 v14, v21;
	v14 =	vld [tilespmem:s22+$0x1610]  }
0x180: {  	[tilespmem:s22+$0x1230] =	vst v17;
	v18 =	vadd.f32 v13, v20;
	v13 =	vld [tilespmem:s22+$0x1620]  }
0x181: {  	s23 =	sadd.s32 $0x1, s23;
	[tilespmem:s22+$0x1240] =	vst v21;
	v17 =	vadd.f32 v12, v19;
	v12 =	vld [tilespmem:s22+$0x1630]  }
0x182: {  	[tilespmem:s22+$0x1250] =	vst v18;
	v18 =	vld [tilespmem:s22+$0x1640];
	v11 =	vadd.f32 v11, v16  }
0x183: {  	v16 =	vld [tilespmem:s22+$0x1650];
	[tilespmem:s22+$0x1260] =	vst v17;
	v10 =	vadd.f32 v10, v15  }
0x184: {  	[tilespmem:s22+$0x1270] =	vst v11;
	v9 =	vadd.f32 v9, v14;
	v11 =	vld [tilespmem:s22+$0x1660]  }
0x185: {  	[tilespmem:s22+$0x1600] =	vst v10;
	v8 =	vadd.f32 v8, v13;
	v10 =	vld [tilespmem:s22+$0x1670]  }
0x186: {  	[tilespmem:s22+$0x1610] =	vst v9;
	v7 =	vadd.f32 v7, v12  }
0x187: {  	[tilespmem:s22+$0x1620] =	vst v8;
	v6 =	vadd.f32 v6, v18  }
0x188: {  	v5 =	vadd.f32 v5, v16;
	[tilespmem:s22+$0x1630] =	vst v7  }
0x189: {  	[tilespmem:s22+$0x1640] =	vst v6;
	v4 =	vadd.f32 v4, v11  }
0x18a: {  	[tilespmem:s22+$0x1650] =	vst v5;
	v3 =	vadd.f32 v3, v10  }
0x18b: {  	[tilespmem:s22+$0x1660] =	vst v4  }
0x18c: {  	[tilespmem:s22+$0x1670] =	vst v3  }
0x18d: {  	[hbm4b:s10+s2] =	stream.linear.scatter [tilespmem:s17], [sflag:$0x5], $0x6000, $0x38;
	[tilespmem:$0x18200] =	vst v63  }
0x18e: {  	_ =	swait.ge [sflag:s24], $0x6000  }
0x18f: {  	[sflag:s24] =	ssyncset.done $0x0  }
0x190: {  	s29 =	simm.s32 $0x4;
	[sflag:s24] =	ssyncadd.s32 $0xFFFFA000  }
0x191: {  	s23 =	simm.s32 $0x1000;
	s22 =	smul.u32 $0x1800, s29;
	_ =	swait.ge [sflag:s20], $0x6000  }
0x192: {  	s26 =	sand.u32 $0x380, s23;
	[sflag:s20] =	ssyncset.done $0x0  }
0x193: {  	s22 =	sor.u32 s26, s22;
	[sflag:s20] =	ssyncadd.s32 $0xFFFFA000  }
0x194: {  	v12 =	vld [tilespmem:s22+$0xC200]  }
0x195: {  	v13 =	vld [tilespmem:s22+$0xC210]  }
0x196: {  	v14 =	vld [tilespmem:s22+$0xC220]  }
0x197: {  	v15 =	vld [tilespmem:s22+$0xC230]  }
0x198: {  	v16 =	vld [tilespmem:s22+$0xC240]  }
0x199: {  	v17 =	vld [tilespmem:s22+$0xC250]  }
0x19a: {  	v18 =	vld [tilespmem:s22+$0xC260]  }
0x19b: {  	v19 =	vld [tilespmem:s22+$0xC270]  }
0x19c: {  	v20 =	vld [tilespmem:s22+$0xC600]  }
0x19d: {  	v21 =	vld [tilespmem:s22+$0xC610]  }
0x19e: {  	v22 =	vld [tilespmem:s22+$0xC620]  }
0x19f: {  	v23 =	vld [tilespmem:s22+$0xC630]  }
0x1a0: {  	v24 =	vld [tilespmem:s22+$0xC640]  }
0x1a1: {  	v25 =	vld [tilespmem:s22+$0xC650]  }
0x1a2: {  	v26 =	vld [tilespmem:s22+$0xC660]  }
0x1a3: {  	v27 =	vld [tilespmem:s22+$0xC670]  }
0x1a4: {  	v28 =	vld [tilespmem:s22+$0xCA00]  }
0x1a5: {  	v29 =	vld [tilespmem:s22+$0xCA10]  }
0x1a6: {  	v30 =	vld [tilespmem:s22+$0xCA20]  }
0x1a7: {  	v31 =	vld [tilespmem:s22+$0xCA30]  }
0x1a8: {  	v32 =	vld [tilespmem:s22+$0xCA40]  }
0x1a9: {  	v33 =	vld [tilespmem:s22+$0xCA50]  }
0x1aa: {  	v34 =	vld [tilespmem:s22+$0xCA60]  }
0x1ab: {  	v35 =	vld [tilespmem:s22+$0xCA70]  }
0x1ac: {  	v36 =	vld [tilespmem:s22+$0xCE00]  }
0x1ad: {  	v37 =	vld [tilespmem:s22+$0xCE10]  }
0x1ae: {  	v38 =	vld [tilespmem:s22+$0xCE20]  }
0x1af: {  	v39 =	vld [tilespmem:s22+$0xCE30]  }
0x1b0: {  	v40 =	vld [tilespmem:s22+$0xCE40]  }
0x1b1: {  	v41 =	vld [tilespmem:s22+$0xCE50]  }
0x1b2: {  	v42 =	vld [tilespmem:s22+$0xCE60]  }
0x1b3: {  	v43 =	vld [tilespmem:s22+$0xCE70]  }
0x1b4: {  	v44 =	vld [tilespmem:s22+$0xD200]  }
0x1b5: {  	v45 =	vld [tilespmem:s22+$0xD210]  }
0x1b6: {  	v46 =	vld [tilespmem:s22+$0xD220]  }
0x1b7: {  	v47 =	vld [tilespmem:s22+$0xD230]  }
0x1b8: {  	v48 =	vld [tilespmem:s22+$0xD240]  }
0x1b9: {  	v49 =	vld [tilespmem:s22+$0xD250]  }
0x1ba: {  	v50 =	vld [tilespmem:s22+$0xD260]  }
0x1bb: {  	v11 =	vld [tilespmem:s22+$0xD270]  }
0x1bc: {  	v10 =	vld [tilespmem:s22+$0xD600]  }
0x1bd: {  	v9 =	vld [tilespmem:s22+$0xD610]  }
0x1be: {  	v8 =	vld [tilespmem:s22+$0xD620]  }
0x1bf: {  	v7 =	vld [tilespmem:s22+$0xD630]  }
0x1c0: {  	v6 =	vld [tilespmem:s22+$0xD640]  }
0x1c1: {  	v51 =	vld [tilespmem:s22+$0x200]  }
0x1c2: {  	v52 =	vld [tilespmem:s22+$0x210]  }
0x1c3: {  	v53 =	vld [tilespmem:s22+$0x220]  }
0x1c4: {  	v54 =	vld [tilespmem:s22+$0x230]  }
0x1c5: {  	v55 =	vld [tilespmem:s22+$0x240]  }
0x1c6: {  	v62 =	vld [tilespmem:s22+$0x250];
	v12 =	vadd.f32 v12, v51  }
0x1c7: {  	v63 =	vld [tilespmem:s22+$0x260];
	v13 =	vadd.f32 v13, v52  }
0x1c8: {  	[tilespmem:s22+$0x200] =	vst v12;
	v12 =	vadd.f32 v14, v53;
	v14 =	vld [tilespmem:s22+$0x270]  }
0x1c9: {  	[tilespmem:s22+$0x210] =	vst v13;
	v13 =	vadd.f32 v15, v54;
	v15 =	vld [tilespmem:s22+$0x600]  }
0x1ca: {  	[tilespmem:s22+$0x220] =	vst v12;
	v12 =	vadd.f32 v16, v55;
	v16 =	vld [tilespmem:s22+$0x610]  }
0x1cb: {  	[tilespmem:s22+$0x230] =	vst v13;
	v13 =	vadd.f32 v17, v62;
	v17 =	vld [tilespmem:s22+$0x620]  }
0x1cc: {  	v5 =	vld [tilespmem:s22+$0xD650]  }
0x1cd: {  	[tilespmem:s22+$0x240] =	vst v12;
	v12 =	vadd.f32 v18, v63;
	v18 =	vld [tilespmem:s22+$0x670]  }
0x1ce: {  	[tilespmem:s22+$0x250] =	vst v13;
	v13 =	vadd.f32 v19, v14;
	v14 =	vld [tilespmem:s22+$0x630]  }
0x1cf: {  	[tilespmem:s22+$0x260] =	vst v12;
	v12 =	vadd.f32 v20, v15;
	v15 =	vld [tilespmem:s22+$0x640]  }
0x1d0: {  	[tilespmem:s22+$0x270] =	vst v13;
	v13 =	vadd.f32 v21, v16;
	v16 =	vadd.f32 v22, v17;
	v17 =	vld [tilespmem:s22+$0x660]  }
0x1d1: {  	[tilespmem:s22+$0x600] =	vst v12;
	v12 =	vld [tilespmem:s22+$0x650]  }
0x1d2: {  	[tilespmem:s22+$0x610] =	vst v13;
	v13 =	vld [tilespmem:s22+$0xA00];
	v18 =	vadd.f32 v27, v18  }
0x1d3: {  	[tilespmem:s22+$0x620] =	vst v16;
	v16 =	vld [tilespmem:s22+$0xA10];
	v14 =	vadd.f32 v23, v14  }
0x1d4: {  	v4 =	vld [tilespmem:s22+$0xD660];
	v15 =	vadd.f32 v24, v15;
	[tilespmem:s22+$0x670] =	vst v18  }
0x1d5: {  	[tilespmem:s22+$0x630] =	vst v14;
	v14 =	vld [tilespmem:s22+$0xA20];
	v17 =	vadd.f32 v26, v17  }
0x1d6: {  	v12 =	vadd.f32 v25, v12;
	[tilespmem:s22+$0x640] =	vst v15;
	v15 =	vld [tilespmem:s22+$0xA30]  }
0x1d7: {  	v18 =	vld [tilespmem:s22+$0xA70];
	[tilespmem:s22+$0x660] =	vst v17;
	v13 =	vadd.f32 v28, v13  }
0x1d8: {  	v16 =	vadd.f32 v29, v16;
	[tilespmem:s22+$0x650] =	vst v12;
	v12 =	vld [tilespmem:s22+$0xA40]  }
0x1d9: {  	v17 =	vld [tilespmem:s22+$0xA50];
	[tilespmem:s22+$0xA00] =	vst v13  }
0x1da: {  	[tilespmem:s22+$0xA10] =	vst v16;
	v16 =	vld [tilespmem:s22+$0xA60];
	v13 =	vadd.f32 v30, v14  }
0x1db: {  	v14 =	vld [tilespmem:s22+$0xE00];
	v15 =	vadd.f32 v31, v15  }
0x1dc: {  	[tilespmem:s22+$0xA20] =	vst v13;
	v13 =	vld [tilespmem:s22+$0xE10]  }
0x1dd: {  	v12 =	vadd.f32 v32, v12;
	[tilespmem:s22+$0xA30] =	vst v15;
	v15 =	vld [tilespmem:s22+$0xE20]  }
0x1de: {  	v3 =	vld [tilespmem:s22+$0xD670];
	v17 =	vadd.f32 v33, v17  }
0x1df: {  	v16 =	vadd.f32 v34, v16;
	[tilespmem:s22+$0xA40] =	vst v12;
	v12 =	vld [tilespmem:s22+$0xE30]  }
0x1e0: {  	[tilespmem:s22+$0xA50] =	vst v17;
	v17 =	vld [tilespmem:s22+$0xE40];
	v14 =	vadd.f32 v36, v14  }
0x1e1: {  	v18 =	vadd.f32 v35, v18;
	[tilespmem:s22+$0xA60] =	vst v16;
	v16 =	vld [tilespmem:s22+$0xE50]  }
0x1e2: {  	v13 =	vadd.f32 v37, v13;
	[tilespmem:s22+$0xE00] =	vst v14;
	v14 =	vadd.f32 v38, v15;
	v15 =	vld [tilespmem:s22+$0xE60]  }
0x1e3: {  	[tilespmem:s22+$0xA70] =	vst v18;
	v18 =	vld [tilespmem:s22+$0xE70]  }
0x1e4: {  	[tilespmem:s22+$0xE10] =	vst v13;
	v13 =	vld [tilespmem:s22+$0x1200];
	v12 =	vadd.f32 v39, v12  }
0x1e5: {  	v17 =	vadd.f32 v40, v17;
	[tilespmem:s22+$0xE20] =	vst v14;
	v14 =	vld [tilespmem:s22+$0x1210]  }
0x1e6: {  	v16 =	vadd.f32 v41, v16;
	[tilespmem:s22+$0xE30] =	vst v12;
	v12 =	vld [tilespmem:s22+$0x1220]  }
0x1e7: {  	[tilespmem:s22+$0xE40] =	vst v17;
	v17 =	vld [tilespmem:s22+$0x1230];
	v15 =	vadd.f32 v42, v15  }
0x1e8: {  	v19 =	vld [tilespmem:s22+$0x1240];
	[tilespmem:s22+$0xE50] =	vst v16;
	v16 =	vadd.f32 v43, v18  }
0x1e9: {  	v18 =	vld [tilespmem:s22+$0x1250];
	v13 =	vadd.f32 v44, v13;
	[tilespmem:s22+$0xE60] =	vst v15  }
0x1ea: {  	v20 =	vld [tilespmem:s22+$0x1260];
	[tilespmem:s22+$0xE70] =	vst v16;
	v14 =	vadd.f32 v45, v14  }
0x1eb: {  	v16 =	vld [tilespmem:s22+$0x1270];
	[tilespmem:s22+$0x1200] =	vst v13;
	v12 =	vadd.f32 v46, v12  }
0x1ec: {  	v15 =	vld [tilespmem:s22+$0x1600];
	v13 =	vadd.f32 v47, v17;
	[tilespmem:s22+$0x1210] =	vst v14  }
0x1ed: {  	v14 =	vld [tilespmem:s22+$0x1610];
	[tilespmem:s22+$0x1220] =	vst v12;
	v12 =	vadd.f32 v48, v19  }
0x1ee: {  	[tilespmem:s22+$0x1230] =	vst v13;
	v13 =	vld [tilespmem:s22+$0x1620];
	v18 =	vadd.f32 v49, v18  }
0x1ef: {  	s26 =	simm.s32 $0x21;
	v17 =	vadd.f32 v50, v20;
	[tilespmem:s22+$0x1240] =	vst v12;
	v12 =	vld [tilespmem:s22+$0x1630]  }
.LBB2_4:
0x1f0: {  	s28 =	sshrl.u32 s26, $0x3;
	p0 =	sne.s32 s26, $0x3F;
	[tilespmem:s22+$0x1250] =	vst v18;
	v11 =	vadd.f32 v11, v16;
	v16 =	vld [tilespmem:s22+$0x1640]  }
0x1f1: {  	s23 =	sadd.s32 $0x80, s23;
	s28 =	smul.u32 $0x1800, s28;
	[tilespmem:s22+$0x1260] =	vst v17;
	v10 =	vadd.f32 v10, v15;
	v15 =	vld [tilespmem:s22+$0x1650]  }
0x1f2: {  	s29 =	sand.u32 $0x380, s23;
	[tilespmem:s22+$0x1270] =	vst v11;
	v9 =	vadd.f32 v9, v14;
	v11 =	vld [tilespmem:s22+$0x1660]  }
0x1f3: {  	s28 =	sor.u32 s29, s28;
	[tilespmem:s22+$0x1600] =	vst v10;
	v8 =	vadd.f32 v8, v13;
	v10 =	vld [tilespmem:s22+$0x1670]  }
0x1f4: {  	v39 =	vld [tilespmem:s28+$0xC200];
	[tilespmem:s22+$0x1610] =	vst v9;
	v7 =	vadd.f32 v7, v12  }
0x1f5: {  	v40 =	vld [tilespmem:s28+$0xC210];
	[tilespmem:s22+$0x1620] =	vst v8;
	v6 =	vadd.f32 v6, v16  }
0x1f6: {  	v41 =	vld [tilespmem:s28+$0xC220];
	[tilespmem:s22+$0x1630] =	vst v7;
	v5 =	vadd.f32 v5, v15  }
0x1f7: {  	v42 =	vld [tilespmem:s28+$0xC230];
	[tilespmem:s22+$0x1640] =	vst v6;
	v4 =	vadd.f32 v4, v11  }
0x1f8: {  	v43 =	vld [tilespmem:s28+$0xC240];
	[tilespmem:s22+$0x1650] =	vst v5;
	v3 =	vadd.f32 v3, v10  }
0x1f9: {  	v44 =	vld [tilespmem:s28+$0xC250];
	[tilespmem:s22+$0x1660] =	vst v4  }
0x1fa: {  	v45 =	vld [tilespmem:s28+$0xC260];
	[tilespmem:s22+$0x1670] =	vst v3;
	s22 =	smov.u32 s28  }
0x1fb: {  	v46 =	vld [tilespmem:s22+$0xC270]  }
0x1fc: {  	v47 =	vld [tilespmem:s22+$0xC600]  }
0x1fd: {  	v48 =	vld [tilespmem:s22+$0xC610]  }
0x1fe: {  	v49 =	vld [tilespmem:s22+$0xC620]  }
0x1ff: {  	v50 =	vld [tilespmem:s22+$0xC630]  }
0x200: {  	v38 =	vld [tilespmem:s22+$0xC640]  }
0x201: {  	v37 =	vld [tilespmem:s22+$0xC650]  }
0x202: {  	v36 =	vld [tilespmem:s22+$0xC660]  }
0x203: {  	v35 =	vld [tilespmem:s22+$0xC670]  }
0x204: {  	v34 =	vld [tilespmem:s22+$0xCA00]  }
0x205: {  	v33 =	vld [tilespmem:s22+$0xCA10]  }
0x206: {  	v32 =	vld [tilespmem:s22+$0xCA20]  }
0x207: {  	v31 =	vld [tilespmem:s22+$0xCA30]  }
0x208: {  	v30 =	vld [tilespmem:s22+$0xCA40]  }
0x209: {  	v29 =	vld [tilespmem:s22+$0xCA50]  }
0x20a: {  	v28 =	vld [tilespmem:s22+$0xCA60]  }
0x20b: {  	v27 =	vld [tilespmem:s22+$0xCA70]  }
0x20c: {  	v26 =	vld [tilespmem:s22+$0xCE00]  }
0x20d: {  	v25 =	vld [tilespmem:s22+$0xCE10]  }
0x20e: {  	v24 =	vld [tilespmem:s22+$0xCE20]  }
0x20f: {  	v23 =	vld [tilespmem:s22+$0xCE30]  }
0x210: {  	v22 =	vld [tilespmem:s22+$0xCE40]  }
0x211: {  	v21 =	vld [tilespmem:s22+$0xCE50]  }
0x212: {  	v20 =	vld [tilespmem:s22+$0xCE60]  }
0x213: {  	v19 =	vld [tilespmem:s22+$0xCE70]  }
0x214: {  	v18 =	vld [tilespmem:s22+$0xD200]  }
0x215: {  	v17 =	vld [tilespmem:s22+$0xD210]  }
0x216: {  	v16 =	vld [tilespmem:s22+$0xD220]  }
0x217: {  	v15 =	vld [tilespmem:s22+$0xD230]  }
0x218: {  	v14 =	vld [tilespmem:s22+$0xD240]  }
0x219: {  	v13 =	vld [tilespmem:s22+$0xD250]  }
0x21a: {  	v12 =	vld [tilespmem:s22+$0xD260]  }
0x21b: {  	v11 =	vld [tilespmem:s22+$0xD270]  }
0x21c: {  	v10 =	vld [tilespmem:s22+$0xD600]  }
0x21d: {  	v9 =	vld [tilespmem:s22+$0xD610]  }
0x21e: {  	v8 =	vld [tilespmem:s22+$0xD620]  }
0x21f: {  	v7 =	vld [tilespmem:s22+$0xD630]  }
0x220: {  	v6 =	vld [tilespmem:s22+$0xD640]  }
0x221: {  	v5 =	vld [tilespmem:s22+$0xD650]  }
0x222: {  	v4 =	vld [tilespmem:s22+$0xD660]  }
0x223: {  	v3 =	vld [tilespmem:s22+$0xD670]  }
0x224: {  	v51 =	vld [tilespmem:s22+$0x200]  }
0x225: {  	v52 =	vld [tilespmem:s22+$0x210]  }
0x226: {  	v53 =	vld [tilespmem:s22+$0x220]  }
0x227: {  	v54 =	vld [tilespmem:s22+$0x230]  }
0x228: {  	v55 =	vld [tilespmem:s22+$0x240]  }
0x229: {  	v39 =	vadd.f32 v39, v51;
	v51 =	vld [tilespmem:s22+$0x250]  }
0x22a: {  	v40 =	vadd.f32 v40, v52;
	v52 =	vld [tilespmem:s22+$0x260]  }
0x22b: {  	[tilespmem:s22+$0x200] =	vst v39;
	v39 =	vadd.f32 v41, v53;
	v41 =	vld [tilespmem:s22+$0x270]  }
0x22c: {  	[tilespmem:s22+$0x210] =	vst v40;
	v40 =	vadd.f32 v42, v54;
	v42 =	vld [tilespmem:s22+$0x600]  }
0x22d: {  	[tilespmem:s22+$0x220] =	vst v39;
	v39 =	vadd.f32 v43, v55;
	v43 =	vld [tilespmem:s22+$0x610]  }
0x22e: {  	[tilespmem:s22+$0x230] =	vst v40;
	v40 =	vadd.f32 v44, v51;
	v44 =	vld [tilespmem:s22+$0x620]  }
0x22f: {  	[tilespmem:s22+$0x240] =	vst v39;
	v39 =	vadd.f32 v45, v52;
	v45 =	vld [tilespmem:s22+$0x630]  }
0x230: {  	[tilespmem:s22+$0x250] =	vst v40;
	v40 =	vadd.f32 v46, v41;
	v41 =	vld [tilespmem:s22+$0x640]  }
0x231: {  	[tilespmem:s22+$0x260] =	vst v39;
	v39 =	vadd.f32 v47, v42;
	v42 =	vld [tilespmem:s22+$0x650]  }
0x232: {  	[tilespmem:s22+$0x270] =	vst v40;
	v40 =	vadd.f32 v48, v43;
	v43 =	vld [tilespmem:s22+$0x660]  }
0x233: {  	[tilespmem:s22+$0x600] =	vst v39;
	v39 =	vadd.f32 v49, v44;
	v44 =	vld [tilespmem:s22+$0x670]  }
0x234: {  	[tilespmem:s22+$0x610] =	vst v40;
	v40 =	vadd.f32 v50, v45;
	v45 =	vld [tilespmem:s22+$0xA00]  }
0x235: {  	[tilespmem:s22+$0x620] =	vst v39;
	v38 =	vadd.f32 v38, v41;
	v39 =	vld [tilespmem:s22+$0xA10]  }
0x236: {  	[tilespmem:s22+$0x630] =	vst v40;
	v37 =	vadd.f32 v37, v42;
	v40 =	vld [tilespmem:s22+$0xA20]  }
0x237: {  	[tilespmem:s22+$0x640] =	vst v38;
	v36 =	vadd.f32 v36, v43;
	v38 =	vld [tilespmem:s22+$0xA30]  }
0x238: {  	[tilespmem:s22+$0x650] =	vst v37;
	v35 =	vadd.f32 v35, v44;
	v37 =	vld [tilespmem:s22+$0xA40]  }
0x239: {  	[tilespmem:s22+$0x660] =	vst v36;
	v34 =	vadd.f32 v34, v45;
	v36 =	vld [tilespmem:s22+$0xA50]  }
0x23a: {  	[tilespmem:s22+$0x670] =	vst v35;
	v33 =	vadd.f32 v33, v39;
	v35 =	vld [tilespmem:s22+$0xA60]  }
0x23b: {  	[tilespmem:s22+$0xA00] =	vst v34;
	v32 =	vadd.f32 v32, v40;
	v34 =	vld [tilespmem:s22+$0xA70]  }
0x23c: {  	[tilespmem:s22+$0xA10] =	vst v33;
	v31 =	vadd.f32 v31, v38;
	v33 =	vld [tilespmem:s22+$0xE00]  }
0x23d: {  	[tilespmem:s22+$0xA20] =	vst v32;
	v30 =	vadd.f32 v30, v37;
	v32 =	vld [tilespmem:s22+$0xE10]  }
0x23e: {  	[tilespmem:s22+$0xA30] =	vst v31;
	v29 =	vadd.f32 v29, v36;
	v31 =	vld [tilespmem:s22+$0xE20]  }
0x23f: {  	[tilespmem:s22+$0xA40] =	vst v30;
	v28 =	vadd.f32 v28, v35;
	v30 =	vld [tilespmem:s22+$0xE30]  }
0x240: {  	[tilespmem:s22+$0xA50] =	vst v29;
	v27 =	vadd.f32 v27, v34;
	v29 =	vld [tilespmem:s22+$0xE40]  }
0x241: {  	[tilespmem:s22+$0xA60] =	vst v28;
	v26 =	vadd.f32 v26, v33;
	v28 =	vld [tilespmem:s22+$0xE50]  }
0x242: {  	[tilespmem:s22+$0xA70] =	vst v27;
	v25 =	vadd.f32 v25, v32;
	v27 =	vld [tilespmem:s22+$0xE60]  }
0x243: {  	[tilespmem:s22+$0xE00] =	vst v26;
	v24 =	vadd.f32 v24, v31;
	v26 =	vld [tilespmem:s22+$0xE70]  }
0x244: {  	[tilespmem:s22+$0xE10] =	vst v25;
	v23 =	vadd.f32 v23, v30;
	v25 =	vld [tilespmem:s22+$0x1200]  }
0x245: {  	[tilespmem:s22+$0xE20] =	vst v24;
	v22 =	vadd.f32 v22, v29;
	v24 =	vld [tilespmem:s22+$0x1210]  }
0x246: {  	[tilespmem:s22+$0xE30] =	vst v23;
	v21 =	vadd.f32 v21, v28;
	v23 =	vld [tilespmem:s22+$0x1220]  }
0x247: {  	[tilespmem:s22+$0xE40] =	vst v22;
	v20 =	vadd.f32 v20, v27;
	v22 =	vld [tilespmem:s22+$0x1230]  }
0x248: {  	[tilespmem:s22+$0xE50] =	vst v21;
	v19 =	vadd.f32 v19, v26;
	v21 =	vld [tilespmem:s22+$0x1240]  }
0x249: {  	[tilespmem:s22+$0xE60] =	vst v20;
	v18 =	vadd.f32 v18, v25;
	v20 =	vld [tilespmem:s22+$0x1250]  }
0x24a: {  	[tilespmem:s22+$0xE70] =	vst v19;
	v17 =	vadd.f32 v17, v24;
	v19 =	vld [tilespmem:s22+$0x1260]  }
.Ltmp1:
0x24b: {  	[tilespmem:s22+$0x1200] =	vst v18;
	v18 =	vadd.f32 v16, v23;
	v16 =	vld [tilespmem:s22+$0x1270];
	(pc) =	sbr.rel @p0 .LBB2_4-.Ltmp1, $4  }
0x24c: {  	[tilespmem:s22+$0x1210] =	vst v17;
	v17 =	vadd.f32 v15, v22;
	v15 =	vld [tilespmem:s22+$0x1600]  }
0x24d: {  	[tilespmem:s22+$0x1220] =	vst v18;
	v21 =	vadd.f32 v14, v21;
	v14 =	vld [tilespmem:s22+$0x1610]  }
0x24e: {  	[tilespmem:s22+$0x1230] =	vst v17;
	v18 =	vadd.f32 v13, v20;
	v13 =	vld [tilespmem:s22+$0x1620]  }
0x24f: {  	s26 =	sadd.s32 $0x1, s26;
	[tilespmem:s22+$0x1240] =	vst v21;
	v17 =	vadd.f32 v12, v19;
	v12 =	vld [tilespmem:s22+$0x1630]  }
0x250: {  	[tilespmem:s22+$0x1250] =	vst v18;
	v60 =	vld [tilespmem:s22+$0x1640];
	v11 =	vadd.f32 v11, v16  }
0x251: {  	v61 =	vld [tilespmem:s22+$0x1650];
	[tilespmem:s22+$0x1260] =	vst v17;
	v10 =	vadd.f32 v10, v15  }
0x252: {  	v62 =	vld [tilespmem:s22+$0x1660];
	[tilespmem:s22+$0x1270] =	vst v11;
	v9 =	vadd.f32 v9, v14  }
0x253: {  	v63 =	vld [tilespmem:s22+$0x1670];
	[tilespmem:s22+$0x1600] =	vst v10;
	v8 =	vadd.f32 v8, v13  }
0x254: {  	[tilespmem:s22+$0x1610] =	vst v9;
	v7 =	vadd.f32 v7, v12  }
0x255: {  	[tilespmem:s22+$0x1620] =	vst v8;
	v6 =	vadd.f32 v6, v60  }
0x256: {  	v5 =	vadd.f32 v5, v61;
	[tilespmem:s22+$0x1630] =	vst v7  }
0x257: {  	v4 =	vadd.f32 v4, v62;
	[tilespmem:s22+$0x1640] =	vst v6  }
0x258: {  	v3 =	vadd.f32 v3, v63;
	[tilespmem:s22+$0x1650] =	vst v5  }
0x259: {  	[tilespmem:s22+$0x1660] =	vst v4  }
0x25a: {  	[tilespmem:s22+$0x1670] =	vst v3  }
0x25b: {  	s21 =	sadd.s32 $0x1, s21;
	_ =	swait.ge [sflag:s18], $0x6000  }
0x25c: {  	p0 =	sne.s32 s21, s12;
	[sflag:s18] =	ssyncset.done $0x0  }
.Ltmp2:
0x25d: {  	[sflag:s18] =	ssyncadd.s32 $0xFFFFA000;
	(pc) =	sbr.rel @p0 .LBB2_1-.Ltmp2, $4  }
0x25e: {  	[hbm4b:s11+s2] =	stream.linear.scatter [tilespmem:s25], [sflag:$0x6], $0x6000, $0x38;
	[tilespmem:$0x18200] =	vst v63  }
0x25f: {  	_ =	swait.ge [sflag:s19], $0x6000  }
0x260: {  	[sflag:s19] =	ssyncset.done $0x0  }
0x261: {  	[sflag:s19] =	ssyncadd.s32 $0xFFFFA000  }
0x262: {  	_ =	sfence.sel $0x180000  }
0x263: {  	[bflag:$0x0] =	sbarrier.arrive $0xFFFF  }
0x264: {  	_ =	strace $0x9000004A  }
0x265: {  	s0 =	stileid.u32;
	[bflag:$0x2] =	sbarrier.arrive $0xFFFF  }
0x266: {  	p0 =	sne.s32 s0, $0x0;
	s0 =	rddreg [dreg:$0x2]  }
0x267: {  	s0 =	sadd.s32 @!p0 $0x100000, s0  }
0x268: {  	[sflag:s0] =	ssyncadd.tile.s32 @!p0 $0x1;
	_ =	shalt  }
.Lfunc_end2:
_tile_overlayer_lowered:
.L_overlay_start_2:
0x269: {  	(tag) =	ssettag $0x2  }
0x26a: {  	s0 =	rddreg [dreg:$0x0];
	s2 =	stileid.u32  }
0x26b: {  	s1 =	rddreg [dreg:$0x1];
	p0 =	sne.s32 s2, $0x0  }
0x26c: {  	s3 =	rddreg [dreg:$0x2];
	[bflag:$0x3] =	sbarrier.arrive $0xFFFF;
	s2 =	simm.s32 @!p0 $0x1C06  }
0x26d: {  	[timem:s3], [sflag:s2] =	dma.local @!p0 [hbm:s0], s1  }
0x26e: {  	s0 =	simm.s32 @!p0 $0x6  }
0x26f: {  	_ =	swait.ge @!p0 [sflag:s0], s1  }
0x270: {  	s1 =	ssub.s32 @!p0 $0x0, s1;
	[sflag:s0] =	ssyncset.done @!p0 $0x0  }
0x271: {  	[sflag:s0] =	ssyncadd.s32 @!p0 s1  }
0x272: {  	[bflag:$0x3] =	sbarrier.arrive $0xFFFF  }
0x273: {  	_ =	shalt  }

</sc_bundles>
